<compile_context>
chip_gen: v7x
topology: tpu7x:2x2x1
jax: 0.10.2.dev20260603
libtpu: 0.0.44.dev20260713+nightly
codegen_flags: <defaults>
</compile_context>

<pallas_src>
import jax
import jax.numpy as jnp
from jax import lax
from jax.experimental import pallas as pl
from jax.experimental.pallas import tpu as pltpu
from jax.experimental.pallas import tpu_sc as plsc

N = 10000
E = 320000
D = 128
H = 8
DH = 16
ALPHA = 0.15
HOPS = 5
NEG = 0.2
DFF = 4 * D

NC = 2
NS = 16
NG = 4
FW = D // NG
EPT = E // NS
CHUNK = 128
NCHUNK = 158
EPTP = NCHUNK * CHUNK
EPAD = NS * EPTP
PADNODE = N
NPAD = 10240
NPT = NPAD // NS
HPC = H // NC
BM = 1000


def _head_body(x_ref, wt_ref, ah_ref, at_ref, g_ref, b_ref,
               h_ref, feat_ref, tbl_ref):
    x = x_ref[...]
    mu = jnp.mean(x, axis=1, keepdims=True)
    xc = x - mu
    var = jnp.mean(xc * xc, axis=1, keepdims=True)
    h = xc * lax.rsqrt(var + 1e-5) * g_ref[...] + b_ref[...]
    feat = jnp.dot(h, wt_ref[...], preferred_element_type=jnp.float32)
    eh = jnp.dot(feat, ah_ref[...], preferred_element_type=jnp.float32)
    et = jnp.dot(feat, at_ref[...], preferred_element_type=jnp.float32)
    h_ref[...] = h
    feat_ref[...] = feat
    zp = jnp.zeros_like(eh)
    tbl_ref[...] = jnp.concatenate([eh, et, zp, zp], axis=1)


def _head(x, wt, ah, at, g, b):
    grid = N // BM
    return pl.pallas_call(
        _head_body,
        grid=(grid,),
        in_specs=[
            pl.BlockSpec((BM, D), lambda i: (i, 0)),
            pl.BlockSpec((D, D), lambda i: (0, 0)),
            pl.BlockSpec((D, H), lambda i: (0, 0)),
            pl.BlockSpec((D, H), lambda i: (0, 0)),
            pl.BlockSpec((1, D), lambda i: (0, 0)),
            pl.BlockSpec((1, D), lambda i: (0, 0)),
        ],
        out_specs=[
            pl.BlockSpec((BM, D), lambda i: (i, 0)),
            pl.BlockSpec((BM, D), lambda i: (i, 0)),
            pl.BlockSpec((BM, 2 * FW // 2), lambda i: (i, 0)),
        ],
        out_shape=[
            jax.ShapeDtypeStruct((N, D), jnp.float32),
            jax.ShapeDtypeStruct((N, D), jnp.float32),
            jax.ShapeDtypeStruct((N, FW), jnp.float32),
        ],
    )(x, wt, ah, at, g, b)


def _ffn_body(h_ref, f0_ref, f1_ref, f2_ref, f3_ref, g_ref, b_ref,
              w1t_ref, b1_ref, w2t_ref, b2_ref, o_ref):
    f = jnp.concatenate(
        [f0_ref[0], f1_ref[0], f2_ref[0], f3_ref[0]], axis=1)
    rst = f + h_ref[...]
    mu = jnp.mean(rst, axis=1, keepdims=True)
    xc = rst - mu
    var = jnp.mean(xc * xc, axis=1, keepdims=True)
    x2 = xc * lax.rsqrt(var + 1e-5) * g_ref[...] + b_ref[...]
    y = jnp.dot(x2, w1t_ref[...], preferred_element_type=jnp.float32)
    y = jnp.maximum(y + b1_ref[...], 0.0)
    ff = jnp.dot(y, w2t_ref[...], preferred_element_type=jnp.float32)
    o_ref[...] = ff + b2_ref[...] + rst


def _ffn(h, fsplit, g, b, w1t, b1, w2t, b2):
    grid = N // BM

    def fspec(gq):
        return pl.BlockSpec((1, BM, FW), lambda i, gq=gq: (gq, i, 0))

    return pl.pallas_call(
        _ffn_body,
        grid=(grid,),
        in_specs=[
            pl.BlockSpec((BM, D), lambda i: (i, 0)),
            fspec(0), fspec(1), fspec(2), fspec(3),
            pl.BlockSpec((1, D), lambda i: (0, 0)),
            pl.BlockSpec((1, D), lambda i: (0, 0)),
            pl.BlockSpec((D, DFF), lambda i: (0, 0)),
            pl.BlockSpec((1, DFF), lambda i: (0, 0)),
            pl.BlockSpec((DFF, D), lambda i: (0, 0)),
            pl.BlockSpec((1, D), lambda i: (0, 0)),
        ],
        out_specs=[pl.BlockSpec((BM, D), lambda i: (i, 0))],
        out_shape=[jax.ShapeDtypeStruct((N, D), jnp.float32)],
    )(h, fsplit, fsplit, fsplit, fsplit, g, b, w1t, b1, w2t, b2)[0]


def _dyn_gather(v, idx):
    dnums = lax.GatherDimensionNumbers(
        offset_dims=(), collapsed_slice_dims=(0,), start_index_map=(0,))
    return lax.gather(v, idx[:, None], dnums, slice_sizes=(1,),
                      mode=lax.GatherScatterMode.PROMISE_IN_BOUNDS)


def _sc_body(tbl, srcv, dstv, f0q, fout,
             sidx2, didx2, sg2, dst2, a2, hs_b, td_b, ex_b, es_b,
             rows2, m2, cmb_a, cmb_f, fab_sh, a_h,
             semS0, semS1, semD0, semD1, semA0, semA1, semG0, semG1):
    c = lax.axis_index("c")
    s = lax.axis_index("s")
    e_base = s * EPTP
    n0 = s * NPT
    lane = lax.iota(jnp.int32, 16)
    h0 = HPC * c
    mask = (lane >= h0) & (lane < h0 + HPC)
    cE = c * EPAD
    zero16 = jnp.zeros((16,), jnp.float32)
    shift8 = (lane & 7) + 8
    semS = (semS0, semS1)
    semD = (semD0, semD1)
    semA = (semA0, semA1)
    semG = (semG0, semG1)

    pltpu.sync_copy(tbl.at[pl.ds(n0, NPT)],
                    fab_sh.at[pl.ds(NPAD + n0, NPT)])

    @pl.loop(0, NPT)
    def _z1(r):
        for q in range(FW // 16):
            cmb_a[r, pl.ds(q * 16, 16)] = zero16

    pltpu.sync_copy(cmb_a, fab_sh.at[pl.ds(n0, NPT)])

    @pl.loop(0, CHUNK)
    def _z2(i):
        ex_b[i, pl.ds(0, 16)] = zero16
        ex_b[i, pl.ds(16, 16)] = zero16

    plsc.subcore_barrier()

    def fire_idx(j, b):
        e0 = e_base + j * CHUNK
        pltpu.async_copy(srcv.at[pl.ds(e0, CHUNK)], sidx2.at[b], semS[b])
        pltpu.async_copy(dstv.at[pl.ds(e0, CHUNK)], didx2.at[b], semD[b])

    def wait_idx(b):
        pltpu.make_async_copy(srcv.at[pl.ds(0, CHUNK)], sidx2.at[b],
                              semS[b]).wait()
        pltpu.make_async_copy(dstv.at[pl.ds(0, CHUNK)], didx2.at[b],
                              semD[b]).wait()

    def fire_a(j, b):
        e0 = e_base + j * CHUNK
        pltpu.async_copy(a_h.at[pl.ds(cE + e0, CHUNK)], a2.at[b], semA[b])

    def wait_a(b):
        pltpu.make_async_copy(a_h.at[pl.ds(0, CHUNK)], a2.at[b],
                              semA[b]).wait()

    def fill_idx(b, src_off, dst_off):
        @pl.loop(0, CHUNK // 16)
        def _f(k):
            kl = pl.ds(k * 16, 16)
            sg2[b, kl] = sidx2[b, kl] + src_off
            dst2[b, kl] = didx2[b, kl] + dst_off

    def fire_gather(b):
        pltpu.async_copy(fab_sh.at[sg2.at[b]], rows2.at[b], semG[b])

    def wait_gather(b):
        pltpu.make_async_copy(f0q.at[pl.ds(0, CHUNK)], rows2.at[b],
                              semG[b]).wait()

    @pl.loop(0, NCHUNK)
    def _p1(j):
        e0 = e_base + j * CHUNK
        fire_idx(j, 0)
        wait_idx(0)
        fill_idx(0, NPAD, 0)

        @pl.loop(0, CHUNK // 16)
        def _f2(k):
            kl = pl.ds(k * 16, 16)
            sg2[1, kl] = didx2[0, kl] + NPAD

        d1 = pltpu.async_copy(fab_sh.at[sg2.at[0]], hs_b, semG0)
        d2 = pltpu.async_copy(fab_sh.at[sg2.at[1]], td_b, semG1)
        d1.wait()
        d2.wait()

        @pl.loop(0, CHUNK)
        def _e(i):
            e16 = hs_b[i, pl.ds(0, 16)] + _dyn_gather(
                td_b[i, pl.ds(0, 16)], shift8)
            e16 = jnp.maximum(e16, NEG * e16)
            ex = jnp.where(mask, jnp.exp(e16), 0.0)
            ex_b[i, pl.ds(0, 16)] = ex
            a2[0, i, :] = ex

        pltpu.sync_copy(ex_b, fab_sh.at[dst2.at[0]], add=True)
        pltpu.sync_copy(a2.at[0], a_h.at[pl.ds(cE + e0, CHUNK)])

    plsc.subcore_barrier()

    @pl.loop(0, NCHUNK)
    def _p2(j):
        e0 = e_base + j * CHUNK
        fire_idx(j, 0)
        fire_a(j, 0)
        wait_idx(0)
        fill_idx(0, 0, 0)
        d2 = pltpu.async_copy(fab_sh.at[dst2.at[0]], es_b, semG0)
        wait_a(0)
        d2.wait()

        @pl.loop(0, CHUNK)
        def _e(i):
            a2[0, i, :] = a2[0, i, :] / (es_b[i, pl.ds(0, 16)] + 1e-16)

        pltpu.sync_copy(a2.at[0], a_h.at[pl.ds(cE + e0, CHUNK)])

    plsc.subcore_barrier()

    @pl.loop(0, 2)
    def _grp(p):
        base = (2 * c + p) * NPAD
        pltpu.sync_copy(f0q.at[pl.ds(base + n0, NPT)],
                        fab_sh.at[pl.ds(n0, NPT)])
        plsc.subcore_barrier()

        @pl.loop(0, HOPS)
        def _hop(k):
            fin_off = (k & 1) * NPAD
            facc_off = NPAD - fin_off

            @pl.loop(0, NPT)
            def _za(r):
                for q in range(FW // 16):
                    cmb_a[r, pl.ds(q * 16, 16)] = zero16

            pltpu.sync_copy(cmb_a, fab_sh.at[pl.ds(facc_off + n0, NPT)])
            plsc.subcore_barrier()

            def compute_scatter(b):
                wait_gather(b)
                wait_a(b)

                @pl.loop(0, CHUNK)
                def _e(i):
                    av = a2[b, i, :]
                    for hh in range(2):
                        cf = _dyn_gather(
                            av, jnp.full((16,), h0 + 2 * p + hh, jnp.int32))
                        sl = pl.ds(hh * 16, 16)
                        m2[b, i, sl] = rows2[b, i, sl] * cf

                pltpu.sync_copy(m2.at[b], fab_sh.at[dst2.at[b]], add=True)

            fire_idx(0, 0)
            fire_a(0, 0)
            wait_idx(0)
            fill_idx(0, fin_off, facc_off)
            fire_gather(0)
            fire_idx(1, 1)
            fire_a(1, 1)

            @pl.loop(0, NCHUNK // 2)
            def _ch(jj):
                j2 = 2 * jj + 2
                wait_idx(1)
                fill_idx(1, fin_off, facc_off)
                fire_gather(1)
                fire_idx(j2, 0)
                compute_scatter(0)
                fire_a(j2, 0)
                wait_idx(0)
                fill_idx(0, fin_off, facc_off)
                fire_gather(0)
                fire_idx(j2 + 1, 1)
                compute_scatter(1)
                fire_a(j2 + 1, 1)

            wait_gather(0)
            wait_a(0)
            wait_idx(1)
            wait_a(1)
            plsc.subcore_barrier()

            pltpu.sync_copy(fab_sh.at[pl.ds(facc_off + n0, NPT)], cmb_a)
            pltpu.sync_copy(f0q.at[pl.ds(base + n0, NPT)], cmb_f)

            @pl.loop(0, NPT)
            def _cm(r):
                for q in range(FW // 16):
                    sl = pl.ds(q * 16, 16)
                    cmb_a[r, sl] = ((1.0 - ALPHA) * cmb_a[r, sl]
                                    + ALPHA * cmb_f[r, sl])

            pltpu.sync_copy(cmb_a, fab_sh.at[pl.ds(facc_off + n0, NPT)])
            plsc.subcore_barrier()

        pltpu.sync_copy(fab_sh.at[pl.ds(NPAD + n0, NPT)],
                        fout.at[pl.ds(base + n0, NPT)])
        plsc.subcore_barrier()


def _sc_diffuse(tbl, src, dst, f0q):
    mesh = plsc.VectorSubcoreMesh(core_axis_name="c", subcore_axis_name="s")
    fn = pl.kernel(
        _sc_body,
        out_type=jax.ShapeDtypeStruct((NG * NPAD, FW), jnp.float32),
        mesh=mesh,
        compiler_params=pltpu.CompilerParams(use_tc_tiling_on_sc=False),
        scratch_types=[
            pltpu.VMEM((2, CHUNK), jnp.int32),
            pltpu.VMEM((2, CHUNK), jnp.int32),
            pltpu.VMEM((2, CHUNK), jnp.int32),
            pltpu.VMEM((2, CHUNK), jnp.int32),
            pltpu.VMEM((2, CHUNK, 16), jnp.float32),
            pltpu.VMEM((CHUNK, FW), jnp.float32),
            pltpu.VMEM((CHUNK, FW), jnp.float32),
            pltpu.VMEM((CHUNK, FW), jnp.float32),
            pltpu.VMEM((CHUNK, FW), jnp.float32),
            pltpu.VMEM((2, CHUNK, FW), jnp.float32),
            pltpu.VMEM((2, CHUNK, FW), jnp.float32),
            pltpu.VMEM((NPT, FW), jnp.float32),
            pltpu.VMEM((NPT, FW), jnp.float32),
            pltpu.VMEM_SHARED((2 * NPAD, FW), jnp.float32),
            pltpu.HBM((NC * EPAD + 2 * CHUNK, 16), jnp.float32),
            pltpu.SemaphoreType.DMA,
            pltpu.SemaphoreType.DMA,
            pltpu.SemaphoreType.DMA,
            pltpu.SemaphoreType.DMA,
            pltpu.SemaphoreType.DMA,
            pltpu.SemaphoreType.DMA,
            pltpu.SemaphoreType.DMA,
            pltpu.SemaphoreType.DMA,
        ],
    )
    return fn(tbl, src, dst, f0q)


def kernel(ent_feat, edge_index, W_ent, attn_h, attn_t, ln1_g, ln1_b,
           ln2_g, ln2_b, W_ff1, b_ff1, W_ff2, b_ff2):
    tile_pad = jnp.full((NS, EPTP - EPT), PADNODE, jnp.int32)
    tail_pad = jnp.full((2 * CHUNK,), PADNODE, jnp.int32)

    def pad_edges(v):
        v = jnp.concatenate([v.astype(jnp.int32).reshape(NS, EPT), tile_pad],
                            axis=1)
        return jnp.concatenate([v.reshape(EPAD), tail_pad])

    src = pad_edges(edge_index[0])
    dst = pad_edges(edge_index[1])
    eye = jnp.eye(H, dtype=jnp.float32)
    ah = (attn_h[0][:, :, None] * eye[:, None, :]).reshape(D, H)
    at = (attn_t[0][:, :, None] * eye[:, None, :]).reshape(D, H)

    h, feat, tbl = _head(ent_feat, W_ent.T, ah, at,
                         ln1_g.reshape(1, D), ln1_b.reshape(1, D))
    tbl = jnp.concatenate(
        [tbl, jnp.zeros((NPAD - N, FW), jnp.float32)], axis=0)
    zpad = jnp.zeros((NPAD - N, FW), jnp.float32)
    f0q = jnp.concatenate(
        [x for g in range(NG) for x in (feat[:, g * FW:(g + 1) * FW], zpad)],
        axis=0)
    fsplit = _sc_diffuse(tbl, src, dst, f0q).reshape(NG, NPAD, FW)
    out = _ffn(h, fsplit, ln2_g.reshape(1, D), ln2_b.reshape(1, D),
               W_ff1.T, b_ff1.reshape(1, DFF), W_ff2.T, b_ff2.reshape(1, D))
    return out

# --- scband reference (transcript-rebuilt; emitter-appended) ---
"""Pipeline reference for scband-gdtencoder-63522566308486 (READ-ONLY COPY).

The authoritative reference and input builder live on the scoring server;
editing this copy changes nothing except your own understanding.
"""

import jax, jax.numpy as jnp
import numpy as np

N = 10000
E = 320000
D = 128
H = 8
DH = 16
ALPHA = 0.15
HOPS = 5
NEG_SLOPE = 0.2
DFF = 4 * D


def layer_norm(x, g, b):
    mu = jnp.mean(x, axis=-1, keepdims=True)
    var = jnp.var(x, axis=-1, keepdims=True)
    return (x - mu) / jnp.sqrt(var + 1e-5) * g + b


def setup_inputs(seed: int = 0) -> dict:
    key = jax.random.key(seed)
    ks = jax.random.split(key, 12)
    ent_feat = jax.random.normal(ks[0], (N, D), dtype=jnp.float32)
    edge_index = jax.random.randint(ks[1], (2, E), 0, N, dtype=jnp.int64)
    W_ent = jax.random.normal(ks[2], (D, D), dtype=jnp.float32) * 0.05
    attn_h = jax.random.normal(ks[3], (1, H, DH), dtype=jnp.float32) * 0.05
    attn_t = jax.random.normal(ks[4], (1, H, DH), dtype=jnp.float32) * 0.05
    ln1_g = jnp.ones((D,), dtype=jnp.float32)
    ln1_b = jnp.zeros((D,), dtype=jnp.float32)
    ln2_g = jnp.ones((D,), dtype=jnp.float32)
    ln2_b = jnp.zeros((D,), dtype=jnp.float32)
    W_ff1 = jax.random.normal(ks[5], (DFF, D), dtype=jnp.float32) * 0.05
    b_ff1 = jnp.zeros((DFF,), dtype=jnp.float32)
    W_ff2 = jax.random.normal(ks[6], (D, DFF), dtype=jnp.float32) * 0.05
    b_ff2 = jnp.zeros((D,), dtype=jnp.float32)
    return {"ent_feat": ent_feat, "edge_index": edge_index, "W_ent": W_ent,
            "attn_h": attn_h, "attn_t": attn_t, "ln1_g": ln1_g, "ln1_b": ln1_b,
            "ln2_g": ln2_g, "ln2_b": ln2_b, "W_ff1": W_ff1, "b_ff1": b_ff1,
            "W_ff2": W_ff2, "b_ff2": b_ff2}


def reference(ent_feat, edge_index, W_ent, attn_h, attn_t, ln1_g, ln1_b,
              ln2_g, ln2_b, W_ff1, b_ff1, W_ff2, b_ff2):
    src = edge_index[0]
    dst = edge_index[1]
    # graph layer norm (dropout = identity in eval mode)
    h = layer_norm(ent_feat, ln1_g, ln1_b)
    feat = (h @ W_ent.T).reshape(N, H, DH)
    eh = jnp.sum(feat * attn_h, axis=-1)  # [N, H]
    et = jnp.sum(feat * attn_t, axis=-1)  # [N, H]
    e = eh[src] + et[dst]                 # [E, H]
    e = jnp.where(e > 0, e, NEG_SLOPE * e)
    # edge softmax grouped by destination node
    emax = jax.ops.segment_max(e, dst, num_segments=N)
    ex = jnp.exp(e - emax[dst])
    esum = jax.ops.segment_sum(ex, dst, num_segments=N)
    a = ex / (esum[dst] + 1e-16)          # [E, H]
    # PPR diffusion estimation
    feat0 = feat
    f = feat0
    for _ in range(HOPS):
        m = f[src] * a[:, :, None]        # gather + weight
        agg = jax.ops.segment_sum(m, dst, num_segments=N)  # scatter-add
        f = (1.0 - ALPHA) * agg + ALPHA * feat0
    # residual (Identity since in == out)
    res = h.reshape(N, H, DH)
    rst = (f + res).reshape(N, H * DH)
    # position-wise feed forward with pre-layer-norm + residual
    x2 = layer_norm(rst, ln2_g, ln2_b)
    ff = jax.nn.relu(x2 @ W_ff1.T + b_ff1) @ W_ff2.T + b_ff2
    return ff + rst

if __name__ == "__main__":
    import jax
    _d = setup_inputs()
    print(jax.jit(kernel)(*tuple(_d.values())))

</pallas_src>

<mosaic_0001>
#map = affine_map<(d0, d1) -> (0, 0)>
#map1 = affine_map<(d0, d1) -> (0)>
module attributes {stable_mosaic.version = 14 : i64} {
  func.func @_sc_body(%arg0: i32, %arg1: i32, %arg2: memref<10240x32xf32, #tpu.memory_space<hbm>>, %arg3: memref<323840xi32, #tpu.memory_space<hbm>>, %arg4: memref<323840xi32, #tpu.memory_space<hbm>>, %arg5: memref<40960x32xf32, #tpu.memory_space<hbm>>, %arg6: memref<40960x32xf32, #tpu.memory_space<hbm>>, %arg7: memref<2x128xi32, #tpu.memory_space<vmem>>, %arg8: memref<2x128xi32, #tpu.memory_space<vmem>>, %arg9: memref<2x128xi32, #tpu.memory_space<vmem>>, %arg10: memref<2x128xi32, #tpu.memory_space<vmem>>, %arg11: memref<2x128x16xf32, #tpu.memory_space<vmem>>, %arg12: memref<128x32xf32, #tpu.memory_space<vmem>>, %arg13: memref<128x32xf32, #tpu.memory_space<vmem>>, %arg14: memref<128x32xf32, #tpu.memory_space<vmem>>, %arg15: memref<128x32xf32, #tpu.memory_space<vmem>>, %arg16: memref<2x128x32xf32, #tpu.memory_space<vmem>>, %arg17: memref<2x128x32xf32, #tpu.memory_space<vmem>>, %arg18: memref<640x32xf32, #tpu.memory_space<vmem>>, %arg19: memref<640x32xf32, #tpu.memory_space<vmem>>, %arg20: memref<20480x32xf32, #tpu.memory_space<vmem_shared>>, %arg21: memref<647424x16xf32, #tpu.memory_space<hbm>>, %arg22: memref<!tpu.dma_semaphore, #tpu.memory_space<semaphore_mem>>, %arg23: memref<!tpu.dma_semaphore, #tpu.memory_space<semaphore_mem>>, %arg24: memref<!tpu.dma_semaphore, #tpu.memory_space<semaphore_mem>>, %arg25: memref<!tpu.dma_semaphore, #tpu.memory_space<semaphore_mem>>, %arg26: memref<!tpu.dma_semaphore, #tpu.memory_space<semaphore_mem>>, %arg27: memref<!tpu.dma_semaphore, #tpu.memory_space<semaphore_mem>>, %arg28: memref<!tpu.dma_semaphore, #tpu.memory_space<semaphore_mem>>, %arg29: memref<!tpu.dma_semaphore, #tpu.memory_space<semaphore_mem>>) attributes {dimension_semantics = [#tpu.dimension_semantics<core_parallel>, #tpu.dimension_semantics<subcore_parallel>], iteration_bounds = array<i64: 2, 16>, scalar_prefetch = 0 : i64, scratch_operands = 23 : i64, tpu.core_type = #tpu.core_type<sc_vector_subcore>, window_params = [{transform_indices = #map}, {transform_indices = #map1}, {transform_indices = #map1}, {transform_indices = #map}, {transform_indices = #map}]} {
    %mul3A = arith.constant 20224 : i32
    %mul3A_0 = arith.muli %arg1, %mul3A : i32
    %mul3A_1 = arith.constant 640 : i32
    %mul3A_2 = arith.muli %arg1, %mul3A_1 : i32
    %iota3A = tpu.iota {dimensions = array<i32: 0>} : vector<16xi32>
    %mul3A_3 = arith.constant 4 : i32
    %mul3A_4 = arith.muli %mul3A_3, %arg0 : i32
    %ge3A = vector.broadcast %mul3A_4 : i32 to vector<16xi32>
    %ge3A_5 = arith.cmpi sge, %iota3A, %ge3A : vector<16xi32>
    %add3A = arith.constant 4 : i32
    %add3A_6 = arith.addi %mul3A_4, %add3A : i32
    %lt3A = vector.broadcast %add3A_6 : i32 to vector<16xi32>
    %lt3A_7 = arith.cmpi slt, %iota3A, %lt3A : vector<16xi32>
    %and3A = arith.andi %ge3A_5, %lt3A_7 : vector<16xi1>
    %mul3A_8 = arith.constant 323584 : i32
    %mul3A_9 = arith.muli %arg0, %mul3A_8 : i32
    %broadcast_in_dim3A = arith.constant 0.000000e+00 : f32
    %broadcast_in_dim3A_10 = vector.broadcast %broadcast_in_dim3A : f32 to vector<16xf32>
    %and3A_11 = arith.constant 7 : i32
    %and3A_12 = vector.broadcast %and3A_11 : i32 to vector<16xi32>
    %and3A_13 = arith.andi %iota3A, %and3A_12 : vector<16xi32>
    %add3A_14 = arith.constant 8 : i32
    %add3A_15 = vector.broadcast %add3A_14 : i32 to vector<16xi32>
    %add3A_16 = arith.addi %and3A_13, %add3A_15 : vector<16xi32>
    %add3A_17 = arith.constant 10240 : i32
    %add3A_18 = arith.addi %add3A_17, %mul3A_2 : i32
    "tpu.region"() ({
      %run_scoped3A = tpu.sem_alloc : memref<!tpu.dma_semaphore, #tpu.memory_space<semaphore_mem>>
      %dma_start3A = arith.constant 0 : i32
      %dma_start3A_45 = tpu.memref_slice %arg20[%add3A_18, %dma_start3A] : memref<20480x32xf32, #tpu.memory_space<vmem_shared>> -> memref<640x32xf32, #tpu.memory_space<vmem_shared>>
      %dma_start3A_46 = arith.constant 0 : i32
      %dma_start3A_47 = tpu.memref_slice %arg2[%mul3A_2, %dma_start3A_46] : memref<10240x32xf32, #tpu.memory_space<hbm>> -> memref<640x32xf32, #tpu.memory_space<hbm>>
      tpu.enqueue_dma source(%dma_start3A_47 : memref<640x32xf32, #tpu.memory_space<hbm>>) target(%dma_start3A_45 : memref<640x32xf32, #tpu.memory_space<vmem_shared>>) target_semaphore(%run_scoped3A : memref<!tpu.dma_semaphore, #tpu.memory_space<semaphore_mem>>)
      %dma_wait3A = arith.constant 0 : i32
      %dma_wait3A_48 = tpu.memref_slice %arg20[%add3A_18, %dma_wait3A] : memref<20480x32xf32, #tpu.memory_space<vmem_shared>> -> memref<640x32xf32, #tpu.memory_space<vmem_shared>>
      %dma_wait3A_49 = arith.constant 0 : i32
      %dma_wait3A_50 = tpu.memref_slice %arg2[%mul3A_2, %dma_wait3A_49] : memref<10240x32xf32, #tpu.memory_space<hbm>> -> memref<640x32xf32, #tpu.memory_space<hbm>>
      tpu.wait_dma2 semaphore(%run_scoped3A : memref<!tpu.dma_semaphore, #tpu.memory_space<semaphore_mem>>) src(%dma_wait3A_50 : memref<640x32xf32, #tpu.memory_space<hbm>>) dst(%dma_wait3A_48 : memref<640x32xf32, #tpu.memory_space<vmem_shared>>)
      tpu.yield
    }) : () -> ()
    %scan3A = arith.constant 0 : i32
    %scan3A_19 = arith.constant 640 : i32
    %scan3A_20 = arith.addi %scan3A, %scan3A_19 : i32
    %scan3A_21 = arith.constant 1 : i32
    scf.for %scan3A_45 = %scan3A to %scan3A_20 step %scan3A_21  : i32 {
      %mul3A_46 = arith.constant 1 : i32
      %mul3A_47 = arith.muli %scan3A_45, %mul3A_46 : i32
      %add3A_48 = arith.constant 0 : i32
      %add3A_49 = arith.addi %add3A_48, %mul3A_47 : i32
      %swap3A = arith.index_cast %add3A_49 : i32 to index
      %swap3A_50 = arith.constant 0 : index
      %swap3A_51 = tpu.vector_load %arg18[%swap3A, %swap3A_50] {strides = array<i32>} : memref<640x32xf32, #tpu.memory_space<vmem>>, vector<1x16xf32>,
      %swap3A_52 = vector.shape_cast %swap3A_51 : vector<1x16xf32> to vector<16xf32>
      %swap3A_53 = vector.shape_cast %broadcast_in_dim3A_10 : vector<16xf32> to vector<1x16xf32>
      tpu.vector_store %arg18[%swap3A, %swap3A_50], %swap3A_53 {strides = array<i32>} : memref<640x32xf32, #tpu.memory_space<vmem>>, vector<1x16xf32>,
      %swap3A_54 = arith.index_cast %add3A_49 : i32 to index
      %swap3A_55 = arith.constant 16 : index
      %swap3A_56 = tpu.vector_load %arg18[%swap3A_54, %swap3A_55] {strides = array<i32>} : memref<640x32xf32, #tpu.memory_space<vmem>>, vector<1x16xf32>,
      %swap3A_57 = vector.shape_cast %swap3A_56 : vector<1x16xf32> to vector<16xf32>
      %swap3A_58 = vector.shape_cast %broadcast_in_dim3A_10 : vector<16xf32> to vector<1x16xf32>
      tpu.vector_store %arg18[%swap3A_54, %swap3A_55], %swap3A_58 {strides = array<i32>} : memref<640x32xf32, #tpu.memory_space<vmem>>, vector<1x16xf32>,
    }
    %scan3A_22 = arith.constant 640 : i32
    "tpu.region"() ({
      %run_scoped3A = tpu.sem_alloc : memref<!tpu.dma_semaphore, #tpu.memory_space<semaphore_mem>>
      %dma_start3A = arith.constant 0 : i32
      %dma_start3A_45 = tpu.memref_slice %arg20[%mul3A_2, %dma_start3A] : memref<20480x32xf32, #tpu.memory_space<vmem_shared>> -> memref<640x32xf32, #tpu.memory_space<vmem_shared>>
      %dma_start3A_46 = arith.constant 0 : i32
      %dma_start3A_47 = tpu.memref_slice %arg20[%mul3A_2, %dma_start3A_46] : memref<20480x32xf32, #tpu.memory_space<vmem_shared>> -> memref<640x32xf32, #tpu.memory_space<vmem_shared>>
      tpu.enqueue_dma source(%arg18 : memref<640x32xf32, #tpu.memory_space<vmem>>) target(%dma_start3A_47 : memref<640x32xf32, #tpu.memory_space<vmem_shared>>) target_semaphore(%run_scoped3A : memref<!tpu.dma_semaphore, #tpu.memory_space<semaphore_mem>>)
      %dma_wait3A = arith.constant 0 : i32
      %dma_wait3A_48 = tpu.memref_slice %arg20[%mul3A_2, %dma_wait3A] : memref<20480x32xf32, #tpu.memory_space<vmem_shared>> -> memref<640x32xf32, #tpu.memory_space<vmem_shared>>
      %dma_wait3A_49 = arith.constant 0 : i32
      %dma_wait3A_50 = tpu.memref_slice %arg20[%mul3A_2, %dma_wait3A_49] : memref<20480x32xf32, #tpu.memory_space<vmem_shared>> -> memref<640x32xf32, #tpu.memory_space<vmem_shared>>
      tpu.wait_dma2 semaphore(%run_scoped3A : memref<!tpu.dma_semaphore, #tpu.memory_space<semaphore_mem>>) src(%arg18 : memref<640x32xf32, #tpu.memory_space<vmem>>) dst(%dma_wait3A_50 : memref<640x32xf32, #tpu.memory_space<vmem_shared>>)
      tpu.yield
    }) : () -> ()
    %scan3A_23 = arith.constant 0 : i32
    %scan3A_24 = arith.constant 128 : i32
    %scan3A_25 = arith.addi %scan3A_23, %scan3A_24 : i32
    %scan3A_26 = arith.constant 1 : i32
    scf.for %scan3A_45 = %scan3A_23 to %scan3A_25 step %scan3A_26  : i32 {
      %mul3A_46 = arith.constant 1 : i32
      %mul3A_47 = arith.muli %scan3A_45, %mul3A_46 : i32
      %add3A_48 = arith.constant 0 : i32
      %add3A_49 = arith.addi %add3A_48, %mul3A_47 : i32
      %swap3A = arith.index_cast %add3A_49 : i32 to index
      %swap3A_50 = arith.constant 0 : index
      %swap3A_51 = tpu.vector_load %arg14[%swap3A, %swap3A_50] {strides = array<i32>} : memref<128x32xf32, #tpu.memory_space<vmem>>, vector<1x16xf32>,
      %swap3A_52 = vector.shape_cast %swap3A_51 : vector<1x16xf32> to vector<16xf32>
      %swap3A_53 = vector.shape_cast %broadcast_in_dim3A_10 : vector<16xf32> to vector<1x16xf32>
      tpu.vector_store %arg14[%swap3A, %swap3A_50], %swap3A_53 {strides = array<i32>} : memref<128x32xf32, #tpu.memory_space<vmem>>, vector<1x16xf32>,
      %swap3A_54 = arith.index_cast %add3A_49 : i32 to index
      %swap3A_55 = arith.constant 16 : index
      %swap3A_56 = tpu.vector_load %arg14[%swap3A_54, %swap3A_55] {strides = array<i32>} : memref<128x32xf32, #tpu.memory_space<vmem>>, vector<1x16xf32>,
      %swap3A_57 = vector.shape_cast %swap3A_56 : vector<1x16xf32> to vector<16xf32>
      %swap3A_58 = vector.shape_cast %broadcast_in_dim3A_10 : vector<16xf32> to vector<1x16xf32>
      tpu.vector_store %arg14[%swap3A_54, %swap3A_55], %swap3A_58 {strides = array<i32>} : memref<128x32xf32, #tpu.memory_space<vmem>>, vector<1x16xf32>,
    }
    %scan3A_27 = arith.constant 128 : i32
    %barrier3A = arith.constant 0 : index
    tpu.barrier barrier_id(%barrier3A)
    %scan3A_28 = arith.constant 0 : i32
    %scan3A_29 = arith.constant 158 : i32
    %scan3A_30 = arith.addi %scan3A_28, %scan3A_29 : i32
    %scan3A_31 = arith.constant 1 : i32
    scf.for %scan3A_45 = %scan3A_28 to %scan3A_30 step %scan3A_31  : i32 {
      %mul3A_46 = arith.constant 1 : i32
      %mul3A_47 = arith.muli %scan3A_45, %mul3A_46 : i32
      %add3A_48 = arith.constant 0 : i32
      %add3A_49 = arith.addi %add3A_48, %mul3A_47 : i32
      %mul3A_50 = arith.constant 128 : i32
      %mul3A_51 = arith.muli %add3A_49, %mul3A_50 : i32
      %add3A_52 = arith.addi %mul3A_0, %mul3A_51 : i32
      %mul3A_53 = arith.constant 128 : i32
      %mul3A_54 = arith.muli %add3A_49, %mul3A_53 : i32
      %add3A_55 = arith.addi %mul3A_0, %mul3A_54 : i32
      %dma_start3A = arith.constant 0 : i32
      %dma_start3A_56 = arith.constant 0 : i32
      %dma_start3A_57 = tpu.memref_slice %arg7[%dma_start3A, %dma_start3A_56] : memref<2x128xi32, #tpu.memory_space<vmem>> -> memref<1x128xi32, #tpu.memory_space<vmem>>
      %dma_start3A_58 = tpu.memref_squeeze %dma_start3A_57 : memref<1x128xi32, #tpu.memory_space<vmem>> -> memref<128xi32, #tpu.memory_space<vmem>>
      %dma_start3A_59 = tpu.memref_slice %arg3[%add3A_55] : memref<323840xi32, #tpu.memory_space<hbm>> -> memref<128xi32, #tpu.memory_space<hbm>>
      %dma_start3A_60 = arith.constant 0 : i32
      %dma_start3A_61 = tpu.memref_slice %arg7[%dma_start3A, %dma_start3A_60] : memref<2x128xi32, #tpu.memory_space<vmem>> -> memref<1x128xi32, #tpu.memory_space<vmem>>
      %dma_start3A_62 = tpu.memref_squeeze %dma_start3A_61 : memref<1x128xi32, #tpu.memory_space<vmem>> -> memref<128xi32, #tpu.memory_space<vmem>>
      %dma_start3A_63 = tpu.memref_slice %arg3[%add3A_55] : memref<323840xi32, #tpu.memory_space<hbm>> -> memref<128xi32, #tpu.memory_space<hbm>>
      tpu.enqueue_dma source(%dma_start3A_63 : memref<128xi32, #tpu.memory_space<hbm>>) target(%dma_start3A_62 : memref<128xi32, #tpu.memory_space<vmem>>) target_semaphore(%arg22 : memref<!tpu.dma_semaphore, #tpu.memory_space<semaphore_mem>>)
      %dma_start3A_64 = arith.constant 0 : i32
      %dma_start3A_65 = arith.constant 0 : i32
      %dma_start3A_66 = tpu.memref_slice %arg8[%dma_start3A_64, %dma_start3A_65] : memref<2x128xi32, #tpu.memory_space<vmem>> -> memref<1x128xi32, #tpu.memory_space<vmem>>
      %dma_start3A_67 = tpu.memref_squeeze %dma_start3A_66 : memref<1x128xi32, #tpu.memory_space<vmem>> -> memref<128xi32, #tpu.memory_space<vmem>>
      %dma_start3A_68 = tpu.memref_slice %arg4[%add3A_55] : memref<323840xi32, #tpu.memory_space<hbm>> -> memref<128xi32, #tpu.memory_space<hbm>>
      %dma_start3A_69 = arith.constant 0 : i32
      %dma_start3A_70 = tpu.memref_slice %arg8[%dma_start3A_64, %dma_start3A_69] : memref<2x128xi32, #tpu.memory_space<vmem>> -> memref<1x128xi32, #tpu.memory_space<vmem>>
      %dma_start3A_71 = tpu.memref_squeeze %dma_start3A_70 : memref<1x128xi32, #tpu.memory_space<vmem>> -> memref<128xi32, #tpu.memory_space<vmem>>
      %dma_start3A_72 = tpu.memref_slice %arg4[%add3A_55] : memref<323840xi32, #tpu.memory_space<hbm>> -> memref<128xi32, #tpu.memory_space<hbm>>
      tpu.enqueue_dma source(%dma_start3A_72 : memref<128xi32, #tpu.memory_space<hbm>>) target(%dma_start3A_71 : memref<128xi32, #tpu.memory_space<vmem>>) target_semaphore(%arg24 : memref<!tpu.dma_semaphore, #tpu.memory_space<semaphore_mem>>)
      %dma_wait3A = arith.constant 0 : i32
      %dma_wait3A_73 = arith.constant 0 : i32
      %dma_wait3A_74 = tpu.memref_slice %arg7[%dma_wait3A, %dma_wait3A_73] : memref<2x128xi32, #tpu.memory_space<vmem>> -> memref<1x128xi32, #tpu.memory_space<vmem>>
      %dma_wait3A_75 = tpu.memref_squeeze %dma_wait3A_74 : memref<1x128xi32, #tpu.memory_space<vmem>> -> memref<128xi32, #tpu.memory_space<vmem>>
      %dma_wait3A_76 = arith.constant 0 : i32
      %dma_wait3A_77 = tpu.memref_slice %arg3[%dma_wait3A_76] : memref<323840xi32, #tpu.memory_space<hbm>> -> memref<128xi32, #tpu.memory_space<hbm>>
      %dma_wait3A_78 = arith.constant 0 : i32
      %dma_wait3A_79 = tpu.memref_slice %arg7[%dma_wait3A, %dma_wait3A_78] : memref<2x128xi32, #tpu.memory_space<vmem>> -> memref<1x128xi32, #tpu.memory_space<vmem>>
      %dma_wait3A_80 = tpu.memref_squeeze %dma_wait3A_79 : memref<1x128xi32, #tpu.memory_space<vmem>> -> memref<128xi32, #tpu.memory_space<vmem>>
      %dma_wait3A_81 = arith.constant 0 : i32
      %dma_wait3A_82 = tpu.memref_slice %arg3[%dma_wait3A_81] : memref<323840xi32, #tpu.memory_space<hbm>> -> memref<128xi32, #tpu.memory_space<hbm>>
      tpu.wait_dma2 semaphore(%arg22 : memref<!tpu.dma_semaphore, #tpu.memory_space<semaphore_mem>>) src(%dma_wait3A_82 : memref<128xi32, #tpu.memory_space<hbm>>) dst(%dma_wait3A_80 : memref<128xi32, #tpu.memory_space<vmem>>)
      %dma_wait3A_83 = arith.constant 0 : i32
      %dma_wait3A_84 = arith.constant 0 : i32
      %dma_wait3A_85 = tpu.memref_slice %arg8[%dma_wait3A_83, %dma_wait3A_84] : memref<2x128xi32, #tpu.memory_space<vmem>> -> memref<1x128xi32, #tpu.memory_space<vmem>>
      %dma_wait3A_86 = tpu.memref_squeeze %dma_wait3A_85 : memref<1x128xi32, #tpu.memory_space<vmem>> -> memref<128xi32, #tpu.memory_space<vmem>>
      %dma_wait3A_87 = arith.constant 0 : i32
      %dma_wait3A_88 = tpu.memref_slice %arg4[%dma_wait3A_87] : memref<323840xi32, #tpu.memory_space<hbm>> -> memref<128xi32, #tpu.memory_space<hbm>>
      %dma_wait3A_89 = arith.constant 0 : i32
      %dma_wait3A_90 = tpu.memref_slice %arg8[%dma_wait3A_83, %dma_wait3A_89] : memref<2x128xi32, #tpu.memory_space<vmem>> -> memref<1x128xi32, #tpu.memory_space<vmem>>
      %dma_wait3A_91 = tpu.memref_squeeze %dma_wait3A_90 : memref<1x128xi32, #tpu.memory_space<vmem>> -> memref<128xi32, #tpu.memory_space<vmem>>
      %dma_wait3A_92 = arith.constant 0 : i32
      %dma_wait3A_93 = tpu.memref_slice %arg4[%dma_wait3A_92] : memref<323840xi32, #tpu.memory_space<hbm>> -> memref<128xi32, #tpu.memory_space<hbm>>
      tpu.wait_dma2 semaphore(%arg24 : memref<!tpu.dma_semaphore, #tpu.memory_space<semaphore_mem>>) src(%dma_wait3A_93 : memref<128xi32, #tpu.memory_space<hbm>>) dst(%dma_wait3A_91 : memref<128xi32, #tpu.memory_space<vmem>>)
      %scan3A_94 = arith.constant 0 : i32
      %scan3A_95 = arith.constant 8 : i32
      %scan3A_96 = arith.addi %scan3A_94, %scan3A_95 : i32
      %scan3A_97 = arith.constant 1 : i32
      scf.for %scan3A_139 = %scan3A_94 to %scan3A_96 step %scan3A_97  : i32 {
        %mul3A_140 = arith.constant 1 : i32
        %mul3A_141 = arith.muli %scan3A_139, %mul3A_140 : i32
        %add3A_142 = arith.constant 0 : i32
        %add3A_143 = arith.addi %add3A_142, %mul3A_141 : i32
        %mul3A_144 = arith.constant 16 : i32
        %mul3A_145 = arith.muli %add3A_143, %mul3A_144 : i32
        %get3A = arith.constant 0 : i32
        %get3A_146 = arith.index_cast %get3A : i32 to index
        %get3A_147 = arith.index_cast %mul3A_145 : i32 to index
        %get3A_148 = tpu.vector_load %arg7[%get3A_146, %get3A_147] {strides = array<i32>} : memref<2x128xi32, #tpu.memory_space<vmem>>, vector<1x16xi32>,
        %get3A_149 = vector.shape_cast %get3A_148 : vector<1x16xi32> to vector<16xi32>
        %add3A_150 = arith.constant 10240 : i32
        %add3A_151 = vector.broadcast %add3A_150 : i32 to vector<16xi32>
        %add3A_152 = arith.addi %get3A_149, %add3A_151 : vector<16xi32>
        %swap3A = arith.constant 0 : i32
        %swap3A_153 = arith.index_cast %swap3A : i32 to index
        %swap3A_154 = arith.index_cast %mul3A_145 : i32 to index
        %swap3A_155 = tpu.vector_load %arg9[%swap3A_153, %swap3A_154] {strides = array<i32>} : memref<2x128xi32, #tpu.memory_space<vmem>>, vector<1x16xi32>,
        %swap3A_156 = vector.shape_cast %swap3A_155 : vector<1x16xi32> to vector<16xi32>
        %swap3A_157 = vector.shape_cast %add3A_152 : vector<16xi32> to vector<1x16xi32>
        tpu.vector_store %arg9[%swap3A_153, %swap3A_154], %swap3A_157 {strides = array<i32>} : memref<2x128xi32, #tpu.memory_space<vmem>>, vector<1x16xi32>,
        %get3A_158 = arith.constant 0 : i32
        %get3A_159 = arith.index_cast %get3A_158 : i32 to index
        %get3A_160 = arith.index_cast %mul3A_145 : i32 to index
        %get3A_161 = tpu.vector_load %arg8[%get3A_159, %get3A_160] {strides = array<i32>} : memref<2x128xi32, #tpu.memory_space<vmem>>, vector<1x16xi32>,
        %get3A_162 = vector.shape_cast %get3A_161 : vector<1x16xi32> to vector<16xi32>
        %add3A_163 = arith.constant 0 : i32
        %add3A_164 = vector.broadcast %add3A_163 : i32 to vector<16xi32>
        %add3A_165 = arith.addi %get3A_162, %add3A_164 : vector<16xi32>
        %swap3A_166 = arith.constant 0 : i32
        %swap3A_167 = arith.index_cast %swap3A_166 : i32 to index
        %swap3A_168 = arith.index_cast %mul3A_145 : i32 to index
        %swap3A_169 = tpu.vector_load %arg10[%swap3A_167, %swap3A_168] {strides = array<i32>} : memref<2x128xi32, #tpu.memory_space<vmem>>, vector<1x16xi32>,
        %swap3A_170 = vector.shape_cast %swap3A_169 : vector<1x16xi32> to vector<16xi32>
        %swap3A_171 = vector.shape_cast %add3A_165 : vector<16xi32> to vector<1x16xi32>
        tpu.vector_store %arg10[%swap3A_167, %swap3A_168], %swap3A_171 {strides = array<i32>} : memref<2x128xi32, #tpu.memory_space<vmem>>, vector<1x16xi32>,
      }
      %scan3A_98 = arith.constant 8 : i32
      %scan3A_99 = arith.constant 0 : i32
      %scan3A_100 = arith.constant 8 : i32
      %scan3A_101 = arith.addi %scan3A_99, %scan3A_100 : i32
      %scan3A_102 = arith.constant 1 : i32
      scf.for %scan3A_139 = %scan3A_99 to %scan3A_101 step %scan3A_102  : i32 {
        %mul3A_140 = arith.constant 1 : i32
        %mul3A_141 = arith.muli %scan3A_139, %mul3A_140 : i32
        %add3A_142 = arith.constant 0 : i32
        %add3A_143 = arith.addi %add3A_142, %mul3A_141 : i32
        %mul3A_144 = arith.constant 16 : i32
        %mul3A_145 = arith.muli %add3A_143, %mul3A_144 : i32
        %get3A = arith.constant 0 : i32
        %get3A_146 = arith.index_cast %get3A : i32 to index
        %get3A_147 = arith.index_cast %mul3A_145 : i32 to index
        %get3A_148 = tpu.vector_load %arg8[%get3A_146, %get3A_147] {strides = array<i32>} : memref<2x128xi32, #tpu.memory_space<vmem>>, vector<1x16xi32>,
        %get3A_149 = vector.shape_cast %get3A_148 : vector<1x16xi32> to vector<16xi32>
        %add3A_150 = arith.constant 10240 : i32
        %add3A_151 = vector.broadcast %add3A_150 : i32 to vector<16xi32>
        %add3A_152 = arith.addi %get3A_149, %add3A_151 : vector<16xi32>
        %swap3A = arith.constant 1 : i32
        %swap3A_153 = arith.index_cast %swap3A : i32 to index
        %swap3A_154 = arith.index_cast %mul3A_145 : i32 to index
        %swap3A_155 = tpu.vector_load %arg9[%swap3A_153, %swap3A_154] {strides = array<i32>} : memref<2x128xi32, #tpu.memory_space<vmem>>, vector<1x16xi32>,
        %swap3A_156 = vector.shape_cast %swap3A_155 : vector<1x16xi32> to vector<16xi32>
        %swap3A_157 = vector.shape_cast %add3A_152 : vector<16xi32> to vector<1x16xi32>
        tpu.vector_store %arg9[%swap3A_153, %swap3A_154], %swap3A_157 {strides = array<i32>} : memref<2x128xi32, #tpu.memory_space<vmem>>, vector<1x16xi32>,
      }
      %scan3A_103 = arith.constant 8 : i32
      %dma_start3A_104 = arith.constant 0 : i32
      %dma_start3A_105 = arith.constant 0 : i32
      %dma_start3A_106 = tpu.memref_slice %arg9[%dma_start3A_104, %dma_start3A_105] : memref<2x128xi32, #tpu.memory_space<vmem>> -> memref<1x128xi32, #tpu.memory_space<vmem>>
      %dma_start3A_107 = tpu.memref_squeeze %dma_start3A_106 : memref<1x128xi32, #tpu.memory_space<vmem>> -> memref<128xi32, #tpu.memory_space<vmem>>
      %dma_start3A_108 = arith.constant 0 : i32
      %dma_start3A_109 = arith.constant 0 : i32
      %dma_start3A_110 = tpu.memref_slice %arg20[%dma_start3A_108, %dma_start3A_109] : memref<20480x32xf32, #tpu.memory_space<vmem_shared>> -> memref<20480x32xf32, #tpu.memory_space<vmem_shared>>
      tpu.enqueue_indirect_dma source(%dma_start3A_110 : memref<20480x32xf32, #tpu.memory_space<vmem_shared>>) target(%arg12 : memref<128x32xf32, #tpu.memory_space<vmem>>) offsets(%dma_start3A_107 : memref<128xi32, #tpu.memory_space<vmem>>) semaphore(%arg28 : memref<!tpu.dma_semaphore, #tpu.memory_space<semaphore_mem>>)
      %dma_start3A_111 = arith.constant 1 : i32
      %dma_start3A_112 = arith.constant 0 : i32
      %dma_start3A_113 = tpu.memref_slice %arg9[%dma_start3A_111, %dma_start3A_112] : memref<2x128xi32, #tpu.memory_space<vmem>> -> memref<1x128xi32, #tpu.memory_space<vmem>>
      %dma_start3A_114 = tpu.memref_squeeze %dma_start3A_113 : memref<1x128xi32, #tpu.memory_space<vmem>> -> memref<128xi32, #tpu.memory_space<vmem>>
      %dma_start3A_115 = arith.constant 0 : i32
      %dma_start3A_116 = arith.constant 0 : i32
      %dma_start3A_117 = tpu.memref_slice %arg20[%dma_start3A_115, %dma_start3A_116] : memref<20480x32xf32, #tpu.memory_space<vmem_shared>> -> memref<20480x32xf32, #tpu.memory_space<vmem_shared>>
      tpu.enqueue_indirect_dma source(%dma_start3A_117 : memref<20480x32xf32, #tpu.memory_space<vmem_shared>>) target(%arg13 : memref<128x32xf32, #tpu.memory_space<vmem>>) offsets(%dma_start3A_114 : memref<128xi32, #tpu.memory_space<vmem>>) semaphore(%arg29 : memref<!tpu.dma_semaphore, #tpu.memory_space<semaphore_mem>>)
      %dma_wait3A_118 = arith.constant 0 : i32
      %dma_wait3A_119 = arith.constant 0 : i32
      %dma_wait3A_120 = tpu.memref_slice %arg9[%dma_wait3A_118, %dma_wait3A_119] : memref<2x128xi32, #tpu.memory_space<vmem>> -> memref<1x128xi32, #tpu.memory_space<vmem>>
      %dma_wait3A_121 = tpu.memref_squeeze %dma_wait3A_120 : memref<1x128xi32, #tpu.memory_space<vmem>> -> memref<128xi32, #tpu.memory_space<vmem>>
      %dma_wait3A_122 = arith.constant 0 : i32
      %dma_wait3A_123 = arith.constant 0 : i32
      %dma_wait3A_124 = tpu.memref_slice %arg20[%dma_wait3A_122, %dma_wait3A_123] : memref<20480x32xf32, #tpu.memory_space<vmem_shared>> -> memref<20480x32xf32, #tpu.memory_space<vmem_shared>>
      tpu.wait_indirect_dma semaphore(%arg28 : memref<!tpu.dma_semaphore, #tpu.memory_space<semaphore_mem>>) src(%dma_wait3A_124 : memref<20480x32xf32, #tpu.memory_space<vmem_shared>>) dst(%arg12 : memref<128x32xf32, #tpu.memory_space<vmem>>)
      %dma_wait3A_125 = arith.constant 1 : i32
      %dma_wait3A_126 = arith.constant 0 : i32
      %dma_wait3A_127 = tpu.memref_slice %arg9[%dma_wait3A_125, %dma_wait3A_126] : memref<2x128xi32, #tpu.memory_space<vmem>> -> memref<1x128xi32, #tpu.memory_space<vmem>>
      %dma_wait3A_128 = tpu.memref_squeeze %dma_wait3A_127 : memref<1x128xi32, #tpu.memory_space<vmem>> -> memref<128xi32, #tpu.memory_space<vmem>>
      %dma_wait3A_129 = arith.constant 0 : i32
      %dma_wait3A_130 = arith.constant 0 : i32
      %dma_wait3A_131 = tpu.memref_slice %arg20[%dma_wait3A_129, %dma_wait3A_130] : memref<20480x32xf32, #tpu.memory_space<vmem_shared>> -> memref<20480x32xf32, #tpu.memory_space<vmem_shared>>
      tpu.wait_indirect_dma semaphore(%arg29 : memref<!tpu.dma_semaphore, #tpu.memory_space<semaphore_mem>>) src(%dma_wait3A_131 : memref<20480x32xf32, #tpu.memory_space<vmem_shared>>) dst(%arg13 : memref<128x32xf32, #tpu.memory_space<vmem>>)
      %scan3A_132 = arith.constant 0 : i32
      %scan3A_133 = arith.constant 128 : i32
      %scan3A_134 = arith.addi %scan3A_132, %scan3A_133 : i32
      %scan3A_135 = arith.constant 1 : i32
      scf.for %scan3A_139 = %scan3A_132 to %scan3A_134 step %scan3A_135  : i32 {
        %mul3A_140 = arith.constant 1 : i32
        %mul3A_141 = arith.muli %scan3A_139, %mul3A_140 : i32
        %add3A_142 = arith.constant 0 : i32
        %add3A_143 = arith.addi %add3A_142, %mul3A_141 : i32
        %get3A = arith.index_cast %add3A_143 : i32 to index
        %get3A_144 = arith.constant 0 : index
        %get3A_145 = tpu.vector_load %arg12[%get3A, %get3A_144] {strides = array<i32>} : memref<128x32xf32, #tpu.memory_space<vmem>>, vector<1x16xf32>,
        %get3A_146 = vector.shape_cast %get3A_145 : vector<1x16xf32> to vector<16xf32>
        %get3A_147 = arith.index_cast %add3A_143 : i32 to index
        %get3A_148 = arith.constant 0 : index
        %get3A_149 = tpu.vector_load %arg13[%get3A_147, %get3A_148] {strides = array<i32>} : memref<128x32xf32, #tpu.memory_space<vmem>>, vector<1x16xf32>,
        %get3A_150 = vector.shape_cast %get3A_149 : vector<1x16xf32> to vector<16xf32>
        %broadcast_in_dim3A_151 = vector.shape_cast %add3A_16 : vector<16xi32> to vector<16x1xi32>
        %gather3A = vector.shape_cast %broadcast_in_dim3A_151 : vector<16x1xi32> to vector<16xi32>
        %gather3A_152 = tpu.dynamic_gather %get3A_150[%gather3A] in [0] : vector<16xf32>, vector<16xi32> -> vector<16xf32>
        %add3A_153 = arith.addf %get3A_146, %gather3A_152 : vector<16xf32>
        %mul3A_154 = arith.constant 2.000000e-01 : f32
        %mul3A_155 = vector.broadcast %mul3A_154 : f32 to vector<16xf32>
        %mul3A_156 = arith.mulf %mul3A_155, %add3A_153 : vector<16xf32>
        %max3A = arith.maximumf %add3A_153, %mul3A_156 : vector<16xf32>
        %exp3A = math.exp %max3A : vector<16xf32>
        %jit3A = arith.constant 0.000000e+00 : f32
        %broadcast_in_dim3A_157 = vector.broadcast %jit3A : f32 to vector<16xf32>
        %select_n3A = arith.select %and3A, %exp3A, %broadcast_in_dim3A_157 : vector<16xi1>, vector<16xf32>
        %swap3A = arith.index_cast %add3A_143 : i32 to index
        %swap3A_158 = arith.constant 0 : index
        %swap3A_159 = tpu.vector_load %arg14[%swap3A, %swap3A_158] {strides = array<i32>} : memref<128x32xf32, #tpu.memory_space<vmem>>, vector<1x16xf32>,
        %swap3A_160 = vector.shape_cast %swap3A_159 : vector<1x16xf32> to vector<16xf32>
        %swap3A_161 = vector.shape_cast %select_n3A : vector<16xf32> to vector<1x16xf32>
        tpu.vector_store %arg14[%swap3A, %swap3A_158], %swap3A_161 {strides = array<i32>} : memref<128x32xf32, #tpu.memory_space<vmem>>, vector<1x16xf32>,
        %swap3A_162 = arith.constant 0 : i32
        %swap3A_163 = arith.index_cast %swap3A_162 : i32 to index
        %swap3A_164 = arith.index_cast %add3A_143 : i32 to index
        %swap3A_165 = arith.constant 0 : index
        %swap3A_166 = tpu.vector_load %arg11[%swap3A_163, %swap3A_164, %swap3A_165] {strides = array<i32>} : memref<2x128x16xf32, #tpu.memory_space<vmem>>, vector<1x1x16xf32>,
        %swap3A_167 = vector.shape_cast %swap3A_166 : vector<1x1x16xf32> to vector<16xf32>
        %swap3A_168 = vector.shape_cast %select_n3A : vector<16xf32> to vector<1x1x16xf32>
        tpu.vector_store %arg11[%swap3A_163, %swap3A_164, %swap3A_165], %swap3A_168 {strides = array<i32>} : memref<2x128x16xf32, #tpu.memory_space<vmem>>, vector<1x1x16xf32>,
      }
      %scan3A_136 = arith.constant 128 : i32
      %run_scoped3A = arith.constant 0 : i32
      "tpu.region"() ({
        %run_scoped3A_139 = tpu.sem_alloc : memref<!tpu.dma_semaphore, #tpu.memory_space<semaphore_mem>>
        %dma_start3A_140 = arith.constant 0 : i32
        %dma_start3A_141 = tpu.memref_slice %arg10[%run_scoped3A, %dma_start3A_140] : memref<2x128xi32, #tpu.memory_space<vmem>> -> memref<1x128xi32, #tpu.memory_space<vmem>>
        %dma_start3A_142 = tpu.memref_squeeze %dma_start3A_141 : memref<1x128xi32, #tpu.memory_space<vmem>> -> memref<128xi32, #tpu.memory_space<vmem>>
        %dma_start3A_143 = arith.constant 0 : i32
        %dma_start3A_144 = arith.constant 0 : i32
        %dma_start3A_145 = tpu.memref_slice %arg20[%dma_start3A_143, %dma_start3A_144] : memref<20480x32xf32, #tpu.memory_space<vmem_shared>> -> memref<20480x32xf32, #tpu.memory_space<vmem_shared>>
        tpu.enqueue_indirect_dma source(%arg14 : memref<128x32xf32, #tpu.memory_space<vmem>>) target(%dma_start3A_145 : memref<20480x32xf32, #tpu.memory_space<vmem_shared>>) offsets(%dma_start3A_142 : memref<128xi32, #tpu.memory_space<vmem>>) semaphore(%run_scoped3A_139 : memref<!tpu.dma_semaphore, #tpu.memory_space<semaphore_mem>>) {add = true}
        %dma_wait3A_146 = arith.constant 0 : i32
        %dma_wait3A_147 = tpu.memref_slice %arg10[%run_scoped3A, %dma_wait3A_146] : memref<2x128xi32, #tpu.memory_space<vmem>> -> memref<1x128xi32, #tpu.memory_space<vmem>>
        %dma_wait3A_148 = tpu.memref_squeeze %dma_wait3A_147 : memref<1x128xi32, #tpu.memory_space<vmem>> -> memref<128xi32, #tpu.memory_space<vmem>>
        %dma_wait3A_149 = arith.constant 0 : i32
        %dma_wait3A_150 = arith.constant 0 : i32
        %dma_wait3A_151 = tpu.memref_slice %arg20[%dma_wait3A_149, %dma_wait3A_150] : memref<20480x32xf32, #tpu.memory_space<vmem_shared>> -> memref<20480x32xf32, #tpu.memory_space<vmem_shared>>
        tpu.wait_indirect_dma semaphore(%run_scoped3A_139 : memref<!tpu.dma_semaphore, #tpu.memory_space<semaphore_mem>>) src(%arg14 : memref<128x32xf32, #tpu.memory_space<vmem>>) dst(%dma_wait3A_151 : memref<20480x32xf32, #tpu.memory_space<vmem_shared>>)
        tpu.yield
      }) : () -> ()
      %add3A_137 = arith.addi %mul3A_9, %add3A_52 : i32
      %run_scoped3A_138 = arith.constant 0 : i32
      "tpu.region"() ({
        %run_scoped3A_139 = tpu.sem_alloc : memref<!tpu.dma_semaphore, #tpu.memory_space<semaphore_mem>>
        %dma_start3A_140 = arith.constant 0 : i32
        %dma_start3A_141 = arith.constant 0 : i32
        %dma_start3A_142 = tpu.memref_slice %arg11[%run_scoped3A_138, %dma_start3A_140, %dma_start3A_141] : memref<2x128x16xf32, #tpu.memory_space<vmem>> -> memref<1x128x16xf32, #tpu.memory_space<vmem>>
        %dma_start3A_143 = tpu.memref_squeeze %dma_start3A_142 : memref<1x128x16xf32, #tpu.memory_space<vmem>> -> memref<128x16xf32, #tpu.memory_space<vmem>>
        %dma_start3A_144 = arith.constant 0 : i32
        %dma_start3A_145 = tpu.memref_slice %arg21[%add3A_137, %dma_start3A_144] : memref<647424x16xf32, #tpu.memory_space<hbm>> -> memref<128x16xf32, #tpu.memory_space<hbm>>
        %dma_start3A_146 = arith.constant 0 : i32
        %dma_start3A_147 = tpu.memref_slice %arg21[%add3A_137, %dma_start3A_146] : memref<647424x16xf32, #tpu.memory_space<hbm>> -> memref<128x16xf32, #tpu.memory_space<hbm>>
        %dma_start3A_148 = arith.constant 0 : i32
        %dma_start3A_149 = arith.constant 0 : i32
        %dma_start3A_150 = tpu.memref_slice %arg11[%run_scoped3A_138, %dma_start3A_148, %dma_start3A_149] : memref<2x128x16xf32, #tpu.memory_space<vmem>> -> memref<1x128x16xf32, #tpu.memory_space<vmem>>
        %dma_start3A_151 = tpu.memref_squeeze %dma_start3A_150 : memref<1x128x16xf32, #tpu.memory_space<vmem>> -> memref<128x16xf32, #tpu.memory_space<vmem>>
        tpu.enqueue_dma source(%dma_start3A_151 : memref<128x16xf32, #tpu.memory_space<vmem>>) target(%dma_start3A_147 : memref<128x16xf32, #tpu.memory_space<hbm>>) target_semaphore(%run_scoped3A_139 : memref<!tpu.dma_semaphore, #tpu.memory_space<semaphore_mem>>)
        %dma_wait3A_152 = arith.constant 0 : i32
        %dma_wait3A_153 = arith.constant 0 : i32
        %dma_wait3A_154 = tpu.memref_slice %arg11[%run_scoped3A_138, %dma_wait3A_152, %dma_wait3A_153] : memref<2x128x16xf32, #tpu.memory_space<vmem>> -> memref<1x128x16xf32, #tpu.memory_space<vmem>>
        %dma_wait3A_155 = tpu.memref_squeeze %dma_wait3A_154 : memref<1x128x16xf32, #tpu.memory_space<vmem>> -> memref<128x16xf32, #tpu.memory_space<vmem>>
        %dma_wait3A_156 = arith.constant 0 : i32
        %dma_wait3A_157 = tpu.memref_slice %arg21[%add3A_137, %dma_wait3A_156] : memref<647424x16xf32, #tpu.memory_space<hbm>> -> memref<128x16xf32, #tpu.memory_space<hbm>>
        %dma_wait3A_158 = arith.constant 0 : i32
        %dma_wait3A_159 = tpu.memref_slice %arg21[%add3A_137, %dma_wait3A_158] : memref<647424x16xf32, #tpu.memory_space<hbm>> -> memref<128x16xf32, #tpu.memory_space<hbm>>
        %dma_wait3A_160 = arith.constant 0 : i32
        %dma_wait3A_161 = arith.constant 0 : i32
        %dma_wait3A_162 = tpu.memref_slice %arg11[%run_scoped3A_138, %dma_wait3A_160, %dma_wait3A_161] : memref<2x128x16xf32, #tpu.memory_space<vmem>> -> memref<1x128x16xf32, #tpu.memory_space<vmem>>
        %dma_wait3A_163 = tpu.memref_squeeze %dma_wait3A_162 : memref<1x128x16xf32, #tpu.memory_space<vmem>> -> memref<128x16xf32, #tpu.memory_space<vmem>>
        tpu.wait_dma2 semaphore(%run_scoped3A_139 : memref<!tpu.dma_semaphore, #tpu.memory_space<semaphore_mem>>) src(%dma_wait3A_163 : memref<128x16xf32, #tpu.memory_space<vmem>>) dst(%dma_wait3A_159 : memref<128x16xf32, #tpu.memory_space<hbm>>)
        tpu.yield
      }) : () -> ()
    }
    %scan3A_32 = arith.constant 158 : i32
    %barrier3A_33 = arith.constant 0 : index
    tpu.barrier barrier_id(%barrier3A_33)
    %scan3A_34 = arith.constant 0 : i32
    %scan3A_35 = arith.constant 158 : i32
    %scan3A_36 = arith.addi %scan3A_34, %scan3A_35 : i32
    %scan3A_37 = arith.constant 1 : i32
    scf.for %scan3A_45 = %scan3A_34 to %scan3A_36 step %scan3A_37  : i32 {
      %mul3A_46 = arith.constant 1 : i32
      %mul3A_47 = arith.muli %scan3A_45, %mul3A_46 : i32
      %add3A_48 = arith.constant 0 : i32
      %add3A_49 = arith.addi %add3A_48, %mul3A_47 : i32
      %mul3A_50 = arith.constant 128 : i32
      %mul3A_51 = arith.muli %add3A_49, %mul3A_50 : i32
      %add3A_52 = arith.addi %mul3A_0, %mul3A_51 : i32
      %mul3A_53 = arith.constant 128 : i32
      %mul3A_54 = arith.muli %add3A_49, %mul3A_53 : i32
      %add3A_55 = arith.addi %mul3A_0, %mul3A_54 : i32
      %dma_start3A = arith.constant 0 : i32
      %dma_start3A_56 = arith.constant 0 : i32
      %dma_start3A_57 = tpu.memref_slice %arg7[%dma_start3A, %dma_start3A_56] : memref<2x128xi32, #tpu.memory_space<vmem>> -> memref<1x128xi32, #tpu.memory_space<vmem>>
      %dma_start3A_58 = tpu.memref_squeeze %dma_start3A_57 : memref<1x128xi32, #tpu.memory_space<vmem>> -> memref<128xi32, #tpu.memory_space<vmem>>
      %dma_start3A_59 = tpu.memref_slice %arg3[%add3A_55] : memref<323840xi32, #tpu.memory_space<hbm>> -> memref<128xi32, #tpu.memory_space<hbm>>
      %dma_start3A_60 = arith.constant 0 : i32
      %dma_start3A_61 = tpu.memref_slice %arg7[%dma_start3A, %dma_start3A_60] : memref<2x128xi32, #tpu.memory_space<vmem>> -> memref<1x128xi32, #tpu.memory_space<vmem>>
      %dma_start3A_62 = tpu.memref_squeeze %dma_start3A_61 : memref<1x128xi32, #tpu.memory_space<vmem>> -> memref<128xi32, #tpu.memory_space<vmem>>
      %dma_start3A_63 = tpu.memref_slice %arg3[%add3A_55] : memref<323840xi32, #tpu.memory_space<hbm>> -> memref<128xi32, #tpu.memory_space<hbm>>
      tpu.enqueue_dma source(%dma_start3A_63 : memref<128xi32, #tpu.memory_space<hbm>>) target(%dma_start3A_62 : memref<128xi32, #tpu.memory_space<vmem>>) target_semaphore(%arg22 : memref<!tpu.dma_semaphore, #tpu.memory_space<semaphore_mem>>)
      %dma_start3A_64 = arith.constant 0 : i32
      %dma_start3A_65 = arith.constant 0 : i32
      %dma_start3A_66 = tpu.memref_slice %arg8[%dma_start3A_64, %dma_start3A_65] : memref<2x128xi32, #tpu.memory_space<vmem>> -> memref<1x128xi32, #tpu.memory_space<vmem>>
      %dma_start3A_67 = tpu.memref_squeeze %dma_start3A_66 : memref<1x128xi32, #tpu.memory_space<vmem>> -> memref<128xi32, #tpu.memory_space<vmem>>
      %dma_start3A_68 = tpu.memref_slice %arg4[%add3A_55] : memref<323840xi32, #tpu.memory_space<hbm>> -> memref<128xi32, #tpu.memory_space<hbm>>
      %dma_start3A_69 = arith.constant 0 : i32
      %dma_start3A_70 = tpu.memref_slice %arg8[%dma_start3A_64, %dma_start3A_69] : memref<2x128xi32, #tpu.memory_space<vmem>> -> memref<1x128xi32, #tpu.memory_space<vmem>>
      %dma_start3A_71 = tpu.memref_squeeze %dma_start3A_70 : memref<1x128xi32, #tpu.memory_space<vmem>> -> memref<128xi32, #tpu.memory_space<vmem>>
      %dma_start3A_72 = tpu.memref_slice %arg4[%add3A_55] : memref<323840xi32, #tpu.memory_space<hbm>> -> memref<128xi32, #tpu.memory_space<hbm>>
      tpu.enqueue_dma source(%dma_start3A_72 : memref<128xi32, #tpu.memory_space<hbm>>) target(%dma_start3A_71 : memref<128xi32, #tpu.memory_space<vmem>>) target_semaphore(%arg24 : memref<!tpu.dma_semaphore, #tpu.memory_space<semaphore_mem>>)
      %mul3A_73 = arith.constant 128 : i32
      %mul3A_74 = arith.muli %add3A_49, %mul3A_73 : i32
      %add3A_75 = arith.addi %mul3A_0, %mul3A_74 : i32
      %add3A_76 = arith.addi %mul3A_9, %add3A_75 : i32
      %dma_start3A_77 = arith.constant 0 : i32
      %dma_start3A_78 = arith.constant 0 : i32
      %dma_start3A_79 = arith.constant 0 : i32
      %dma_start3A_80 = tpu.memref_slice %arg11[%dma_start3A_77, %dma_start3A_78, %dma_start3A_79] : memref<2x128x16xf32, #tpu.memory_space<vmem>> -> memref<1x128x16xf32, #tpu.memory_space<vmem>>
      %dma_start3A_81 = tpu.memref_squeeze %dma_start3A_80 : memref<1x128x16xf32, #tpu.memory_space<vmem>> -> memref<128x16xf32, #tpu.memory_space<vmem>>
      %dma_start3A_82 = arith.constant 0 : i32
      %dma_start3A_83 = tpu.memref_slice %arg21[%add3A_76, %dma_start3A_82] : memref<647424x16xf32, #tpu.memory_space<hbm>> -> memref<128x16xf32, #tpu.memory_space<hbm>>
      %dma_start3A_84 = arith.constant 0 : i32
      %dma_start3A_85 = arith.constant 0 : i32
      %dma_start3A_86 = tpu.memref_slice %arg11[%dma_start3A_77, %dma_start3A_84, %dma_start3A_85] : memref<2x128x16xf32, #tpu.memory_space<vmem>> -> memref<1x128x16xf32, #tpu.memory_space<vmem>>
      %dma_start3A_87 = tpu.memref_squeeze %dma_start3A_86 : memref<1x128x16xf32, #tpu.memory_space<vmem>> -> memref<128x16xf32, #tpu.memory_space<vmem>>
      %dma_start3A_88 = arith.constant 0 : i32
      %dma_start3A_89 = tpu.memref_slice %arg21[%add3A_76, %dma_start3A_88] : memref<647424x16xf32, #tpu.memory_space<hbm>> -> memref<128x16xf32, #tpu.memory_space<hbm>>
      tpu.enqueue_dma source(%dma_start3A_89 : memref<128x16xf32, #tpu.memory_space<hbm>>) target(%dma_start3A_87 : memref<128x16xf32, #tpu.memory_space<vmem>>) target_semaphore(%arg26 : memref<!tpu.dma_semaphore, #tpu.memory_space<semaphore_mem>>)
      %dma_wait3A = arith.constant 0 : i32
      %dma_wait3A_90 = arith.constant 0 : i32
      %dma_wait3A_91 = tpu.memref_slice %arg7[%dma_wait3A, %dma_wait3A_90] : memref<2x128xi32, #tpu.memory_space<vmem>> -> memref<1x128xi32, #tpu.memory_space<vmem>>
      %dma_wait3A_92 = tpu.memref_squeeze %dma_wait3A_91 : memref<1x128xi32, #tpu.memory_space<vmem>> -> memref<128xi32, #tpu.memory_space<vmem>>
      %dma_wait3A_93 = arith.constant 0 : i32
      %dma_wait3A_94 = tpu.memref_slice %arg3[%dma_wait3A_93] : memref<323840xi32, #tpu.memory_space<hbm>> -> memref<128xi32, #tpu.memory_space<hbm>>
      %dma_wait3A_95 = arith.constant 0 : i32
      %dma_wait3A_96 = tpu.memref_slice %arg7[%dma_wait3A, %dma_wait3A_95] : memref<2x128xi32, #tpu.memory_space<vmem>> -> memref<1x128xi32, #tpu.memory_space<vmem>>
      %dma_wait3A_97 = tpu.memref_squeeze %dma_wait3A_96 : memref<1x128xi32, #tpu.memory_space<vmem>> -> memref<128xi32, #tpu.memory_space<vmem>>
      %dma_wait3A_98 = arith.constant 0 : i32
      %dma_wait3A_99 = tpu.memref_slice %arg3[%dma_wait3A_98] : memref<323840xi32, #tpu.memory_space<hbm>> -> memref<128xi32, #tpu.memory_space<hbm>>
      tpu.wait_dma2 semaphore(%arg22 : memref<!tpu.dma_semaphore, #tpu.memory_space<semaphore_mem>>) src(%dma_wait3A_99 : memref<128xi32, #tpu.memory_space<hbm>>) dst(%dma_wait3A_97 : memref<128xi32, #tpu.memory_space<vmem>>)
      %dma_wait3A_100 = arith.constant 0 : i32
      %dma_wait3A_101 = arith.constant 0 : i32
      %dma_wait3A_102 = tpu.memref_slice %arg8[%dma_wait3A_100, %dma_wait3A_101] : memref<2x128xi32, #tpu.memory_space<vmem>> -> memref<1x128xi32, #tpu.memory_space<vmem>>
      %dma_wait3A_103 = tpu.memref_squeeze %dma_wait3A_102 : memref<1x128xi32, #tpu.memory_space<vmem>> -> memref<128xi32, #tpu.memory_space<vmem>>
      %dma_wait3A_104 = arith.constant 0 : i32
      %dma_wait3A_105 = tpu.memref_slice %arg4[%dma_wait3A_104] : memref<323840xi32, #tpu.memory_space<hbm>> -> memref<128xi32, #tpu.memory_space<hbm>>
      %dma_wait3A_106 = arith.constant 0 : i32
      %dma_wait3A_107 = tpu.memref_slice %arg8[%dma_wait3A_100, %dma_wait3A_106] : memref<2x128xi32, #tpu.memory_space<vmem>> -> memref<1x128xi32, #tpu.memory_space<vmem>>
      %dma_wait3A_108 = tpu.memref_squeeze %dma_wait3A_107 : memref<1x128xi32, #tpu.memory_space<vmem>> -> memref<128xi32, #tpu.memory_space<vmem>>
      %dma_wait3A_109 = arith.constant 0 : i32
      %dma_wait3A_110 = tpu.memref_slice %arg4[%dma_wait3A_109] : memref<323840xi32, #tpu.memory_space<hbm>> -> memref<128xi32, #tpu.memory_space<hbm>>
      tpu.wait_dma2 semaphore(%arg24 : memref<!tpu.dma_semaphore, #tpu.memory_space<semaphore_mem>>) src(%dma_wait3A_110 : memref<128xi32, #tpu.memory_space<hbm>>) dst(%dma_wait3A_108 : memref<128xi32, #tpu.memory_space<vmem>>)
      %scan3A_111 = arith.constant 0 : i32
      %scan3A_112 = arith.constant 8 : i32
      %scan3A_113 = arith.addi %scan3A_111, %scan3A_112 : i32
      %scan3A_114 = arith.constant 1 : i32
      scf.for %scan3A_151 = %scan3A_111 to %scan3A_113 step %scan3A_114  : i32 {
        %mul3A_152 = arith.constant 1 : i32
        %mul3A_153 = arith.muli %scan3A_151, %mul3A_152 : i32
        %add3A_154 = arith.constant 0 : i32
        %add3A_155 = arith.addi %add3A_154, %mul3A_153 : i32
        %mul3A_156 = arith.constant 16 : i32
        %mul3A_157 = arith.muli %add3A_155, %mul3A_156 : i32
        %get3A = arith.constant 0 : i32
        %get3A_158 = arith.index_cast %get3A : i32 to index
        %get3A_159 = arith.index_cast %mul3A_157 : i32 to index
        %get3A_160 = tpu.vector_load %arg7[%get3A_158, %get3A_159] {strides = array<i32>} : memref<2x128xi32, #tpu.memory_space<vmem>>, vector<1x16xi32>,
        %get3A_161 = vector.shape_cast %get3A_160 : vector<1x16xi32> to vector<16xi32>
        %add3A_162 = arith.constant 0 : i32
        %add3A_163 = vector.broadcast %add3A_162 : i32 to vector<16xi32>
        %add3A_164 = arith.addi %get3A_161, %add3A_163 : vector<16xi32>
        %swap3A = arith.constant 0 : i32
        %swap3A_165 = arith.index_cast %swap3A : i32 to index
        %swap3A_166 = arith.index_cast %mul3A_157 : i32 to index
        %swap3A_167 = tpu.vector_load %arg9[%swap3A_165, %swap3A_166] {strides = array<i32>} : memref<2x128xi32, #tpu.memory_space<vmem>>, vector<1x16xi32>,
        %swap3A_168 = vector.shape_cast %swap3A_167 : vector<1x16xi32> to vector<16xi32>
        %swap3A_169 = vector.shape_cast %add3A_164 : vector<16xi32> to vector<1x16xi32>
        tpu.vector_store %arg9[%swap3A_165, %swap3A_166], %swap3A_169 {strides = array<i32>} : memref<2x128xi32, #tpu.memory_space<vmem>>, vector<1x16xi32>,
        %get3A_170 = arith.constant 0 : i32
        %get3A_171 = arith.index_cast %get3A_170 : i32 to index
        %get3A_172 = arith.index_cast %mul3A_157 : i32 to index
        %get3A_173 = tpu.vector_load %arg8[%get3A_171, %get3A_172] {strides = array<i32>} : memref<2x128xi32, #tpu.memory_space<vmem>>, vector<1x16xi32>,
        %get3A_174 = vector.shape_cast %get3A_173 : vector<1x16xi32> to vector<16xi32>
        %add3A_175 = arith.constant 0 : i32
        %add3A_176 = vector.broadcast %add3A_175 : i32 to vector<16xi32>
        %add3A_177 = arith.addi %get3A_174, %add3A_176 : vector<16xi32>
        %swap3A_178 = arith.constant 0 : i32
        %swap3A_179 = arith.index_cast %swap3A_178 : i32 to index
        %swap3A_180 = arith.index_cast %mul3A_157 : i32 to index
        %swap3A_181 = tpu.vector_load %arg10[%swap3A_179, %swap3A_180] {strides = array<i32>} : memref<2x128xi32, #tpu.memory_space<vmem>>, vector<1x16xi32>,
        %swap3A_182 = vector.shape_cast %swap3A_181 : vector<1x16xi32> to vector<16xi32>
        %swap3A_183 = vector.shape_cast %add3A_177 : vector<16xi32> to vector<1x16xi32>
        tpu.vector_store %arg10[%swap3A_179, %swap3A_180], %swap3A_183 {strides = array<i32>} : memref<2x128xi32, #tpu.memory_space<vmem>>, vector<1x16xi32>,
      }
      %scan3A_115 = arith.constant 8 : i32
      %dma_start3A_116 = arith.constant 0 : i32
      %dma_start3A_117 = arith.constant 0 : i32
      %dma_start3A_118 = tpu.memref_slice %arg10[%dma_start3A_116, %dma_start3A_117] : memref<2x128xi32, #tpu.memory_space<vmem>> -> memref<1x128xi32, #tpu.memory_space<vmem>>
      %dma_start3A_119 = tpu.memref_squeeze %dma_start3A_118 : memref<1x128xi32, #tpu.memory_space<vmem>> -> memref<128xi32, #tpu.memory_space<vmem>>
      %dma_start3A_120 = arith.constant 0 : i32
      %dma_start3A_121 = arith.constant 0 : i32
      %dma_start3A_122 = tpu.memref_slice %arg20[%dma_start3A_120, %dma_start3A_121] : memref<20480x32xf32, #tpu.memory_space<vmem_shared>> -> memref<20480x32xf32, #tpu.memory_space<vmem_shared>>
      tpu.enqueue_indirect_dma source(%dma_start3A_122 : memref<20480x32xf32, #tpu.memory_space<vmem_shared>>) target(%arg15 : memref<128x32xf32, #tpu.memory_space<vmem>>) offsets(%dma_start3A_119 : memref<128xi32, #tpu.memory_space<vmem>>) semaphore(%arg28 : memref<!tpu.dma_semaphore, #tpu.memory_space<semaphore_mem>>)
      %dma_wait3A_123 = arith.constant 0 : i32
      %dma_wait3A_124 = arith.constant 0 : i32
      %dma_wait3A_125 = arith.constant 0 : i32
      %dma_wait3A_126 = tpu.memref_slice %arg11[%dma_wait3A_123, %dma_wait3A_124, %dma_wait3A_125] : memref<2x128x16xf32, #tpu.memory_space<vmem>> -> memref<1x128x16xf32, #tpu.memory_space<vmem>>
      %dma_wait3A_127 = tpu.memref_squeeze %dma_wait3A_126 : memref<1x128x16xf32, #tpu.memory_space<vmem>> -> memref<128x16xf32, #tpu.memory_space<vmem>>
      %dma_wait3A_128 = arith.constant 0 : i32
      %dma_wait3A_129 = arith.constant 0 : i32
      %dma_wait3A_130 = tpu.memref_slice %arg21[%dma_wait3A_128, %dma_wait3A_129] : memref<647424x16xf32, #tpu.memory_space<hbm>> -> memref<128x16xf32, #tpu.memory_space<hbm>>
      %dma_wait3A_131 = arith.constant 0 : i32
      %dma_wait3A_132 = arith.constant 0 : i32
      %dma_wait3A_133 = tpu.memref_slice %arg11[%dma_wait3A_123, %dma_wait3A_131, %dma_wait3A_132] : memref<2x128x16xf32, #tpu.memory_space<vmem>> -> memref<1x128x16xf32, #tpu.memory_space<vmem>>
      %dma_wait3A_134 = tpu.memref_squeeze %dma_wait3A_133 : memref<1x128x16xf32, #tpu.memory_space<vmem>> -> memref<128x16xf32, #tpu.memory_space<vmem>>
      %dma_wait3A_135 = arith.constant 0 : i32
      %dma_wait3A_136 = arith.constant 0 : i32
      %dma_wait3A_137 = tpu.memref_slice %arg21[%dma_wait3A_135, %dma_wait3A_136] : memref<647424x16xf32, #tpu.memory_space<hbm>> -> memref<128x16xf32, #tpu.memory_space<hbm>>
      tpu.wait_dma2 semaphore(%arg26 : memref<!tpu.dma_semaphore, #tpu.memory_space<semaphore_mem>>) src(%dma_wait3A_137 : memref<128x16xf32, #tpu.memory_space<hbm>>) dst(%dma_wait3A_134 : memref<128x16xf32, #tpu.memory_space<vmem>>)
      %dma_wait3A_138 = arith.constant 0 : i32
      %dma_wait3A_139 = arith.constant 0 : i32
      %dma_wait3A_140 = tpu.memref_slice %arg10[%dma_wait3A_138, %dma_wait3A_139] : memref<2x128xi32, #tpu.memory_space<vmem>> -> memref<1x128xi32, #tpu.memory_space<vmem>>
      %dma_wait3A_141 = tpu.memref_squeeze %dma_wait3A_140 : memref<1x128xi32, #tpu.memory_space<vmem>> -> memref<128xi32, #tpu.memory_space<vmem>>
      %dma_wait3A_142 = arith.constant 0 : i32
      %dma_wait3A_143 = arith.constant 0 : i32
      %dma_wait3A_144 = tpu.memref_slice %arg20[%dma_wait3A_142, %dma_wait3A_143] : memref<20480x32xf32, #tpu.memory_space<vmem_shared>> -> memref<20480x32xf32, #tpu.memory_space<vmem_shared>>
      tpu.wait_indirect_dma semaphore(%arg28 : memref<!tpu.dma_semaphore, #tpu.memory_space<semaphore_mem>>) src(%dma_wait3A_144 : memref<20480x32xf32, #tpu.memory_space<vmem_shared>>) dst(%arg15 : memref<128x32xf32, #tpu.memory_space<vmem>>)
      %scan3A_145 = arith.constant 0 : i32
      %scan3A_146 = arith.constant 128 : i32
      %scan3A_147 = arith.addi %scan3A_145, %scan3A_146 : i32
      %scan3A_148 = arith.constant 1 : i32
      scf.for %scan3A_151 = %scan3A_145 to %scan3A_147 step %scan3A_148  : i32 {
        %mul3A_152 = arith.constant 1 : i32
        %mul3A_153 = arith.muli %scan3A_151, %mul3A_152 : i32
        %add3A_154 = arith.constant 0 : i32
        %add3A_155 = arith.addi %add3A_154, %mul3A_153 : i32
        %get3A = arith.constant 0 : i32
        %get3A_156 = arith.index_cast %get3A : i32 to index
        %get3A_157 = arith.index_cast %add3A_155 : i32 to index
        %get3A_158 = arith.constant 0 : index
        %get3A_159 = tpu.vector_load %arg11[%get3A_156, %get3A_157, %get3A_158] {strides = array<i32>} : memref<2x128x16xf32, #tpu.memory_space<vmem>>, vector<1x1x16xf32>,
        %get3A_160 = vector.shape_cast %get3A_159 : vector<1x1x16xf32> to vector<16xf32>
        %get3A_161 = arith.index_cast %add3A_155 : i32 to index
        %get3A_162 = arith.constant 0 : index
        %get3A_163 = tpu.vector_load %arg15[%get3A_161, %get3A_162] {strides = array<i32>} : memref<128x32xf32, #tpu.memory_space<vmem>>, vector<1x16xf32>,
        %get3A_164 = vector.shape_cast %get3A_163 : vector<1x16xf32> to vector<16xf32>
        %add3A_165 = arith.constant 1.000000e-16 : f32
        %add3A_166 = vector.broadcast %add3A_165 : f32 to vector<16xf32>
        %add3A_167 = arith.addf %get3A_164, %add3A_166 : vector<16xf32>
        %div3A = arith.divf %get3A_160, %add3A_167 : vector<16xf32>
        %swap3A = arith.constant 0 : i32
        %swap3A_168 = arith.index_cast %swap3A : i32 to index
        %swap3A_169 = arith.index_cast %add3A_155 : i32 to index
        %swap3A_170 = arith.constant 0 : index
        %swap3A_171 = tpu.vector_load %arg11[%swap3A_168, %swap3A_169, %swap3A_170] {strides = array<i32>} : memref<2x128x16xf32, #tpu.memory_space<vmem>>, vector<1x1x16xf32>,
        %swap3A_172 = vector.shape_cast %swap3A_171 : vector<1x1x16xf32> to vector<16xf32>
        %swap3A_173 = vector.shape_cast %div3A : vector<16xf32> to vector<1x1x16xf32>
        tpu.vector_store %arg11[%swap3A_168, %swap3A_169, %swap3A_170], %swap3A_173 {strides = array<i32>} : memref<2x128x16xf32, #tpu.memory_space<vmem>>, vector<1x1x16xf32>,
      }
      %scan3A_149 = arith.constant 128 : i32
      %add3A_150 = arith.addi %mul3A_9, %add3A_52 : i32
      %run_scoped3A = arith.constant 0 : i32
      "tpu.region"() ({
        %run_scoped3A_151 = tpu.sem_alloc : memref<!tpu.dma_semaphore, #tpu.memory_space<semaphore_mem>>
        %dma_start3A_152 = arith.constant 0 : i32
        %dma_start3A_153 = arith.constant 0 : i32
        %dma_start3A_154 = tpu.memref_slice %arg11[%run_scoped3A, %dma_start3A_152, %dma_start3A_153] : memref<2x128x16xf32, #tpu.memory_space<vmem>> -> memref<1x128x16xf32, #tpu.memory_space<vmem>>
        %dma_start3A_155 = tpu.memref_squeeze %dma_start3A_154 : memref<1x128x16xf32, #tpu.memory_space<vmem>> -> memref<128x16xf32, #tpu.memory_space<vmem>>
        %dma_start3A_156 = arith.constant 0 : i32
        %dma_start3A_157 = tpu.memref_slice %arg21[%add3A_150, %dma_start3A_156] : memref<647424x16xf32, #tpu.memory_space<hbm>> -> memref<128x16xf32, #tpu.memory_space<hbm>>
        %dma_start3A_158 = arith.constant 0 : i32
        %dma_start3A_159 = tpu.memref_slice %arg21[%add3A_150, %dma_start3A_158] : memref<647424x16xf32, #tpu.memory_space<hbm>> -> memref<128x16xf32, #tpu.memory_space<hbm>>
        %dma_start3A_160 = arith.constant 0 : i32
        %dma_start3A_161 = arith.constant 0 : i32
        %dma_start3A_162 = tpu.memref_slice %arg11[%run_scoped3A, %dma_start3A_160, %dma_start3A_161] : memref<2x128x16xf32, #tpu.memory_space<vmem>> -> memref<1x128x16xf32, #tpu.memory_space<vmem>>
        %dma_start3A_163 = tpu.memref_squeeze %dma_start3A_162 : memref<1x128x16xf32, #tpu.memory_space<vmem>> -> memref<128x16xf32, #tpu.memory_space<vmem>>
        tpu.enqueue_dma source(%dma_start3A_163 : memref<128x16xf32, #tpu.memory_space<vmem>>) target(%dma_start3A_159 : memref<128x16xf32, #tpu.memory_space<hbm>>) target_semaphore(%run_scoped3A_151 : memref<!tpu.dma_semaphore, #tpu.memory_space<semaphore_mem>>)
        %dma_wait3A_164 = arith.constant 0 : i32
        %dma_wait3A_165 = arith.constant 0 : i32
        %dma_wait3A_166 = tpu.memref_slice %arg11[%run_scoped3A, %dma_wait3A_164, %dma_wait3A_165] : memref<2x128x16xf32, #tpu.memory_space<vmem>> -> memref<1x128x16xf32, #tpu.memory_space<vmem>>
        %dma_wait3A_167 = tpu.memref_squeeze %dma_wait3A_166 : memref<1x128x16xf32, #tpu.memory_space<vmem>> -> memref<128x16xf32, #tpu.memory_space<vmem>>
        %dma_wait3A_168 = arith.constant 0 : i32
        %dma_wait3A_169 = tpu.memref_slice %arg21[%add3A_150, %dma_wait3A_168] : memref<647424x16xf32, #tpu.memory_space<hbm>> -> memref<128x16xf32, #tpu.memory_space<hbm>>
        %dma_wait3A_170 = arith.constant 0 : i32
        %dma_wait3A_171 = tpu.memref_slice %arg21[%add3A_150, %dma_wait3A_170] : memref<647424x16xf32, #tpu.memory_space<hbm>> -> memref<128x16xf32, #tpu.memory_space<hbm>>
        %dma_wait3A_172 = arith.constant 0 : i32
        %dma_wait3A_173 = arith.constant 0 : i32
        %dma_wait3A_174 = tpu.memref_slice %arg11[%run_scoped3A, %dma_wait3A_172, %dma_wait3A_173] : memref<2x128x16xf32, #tpu.memory_space<vmem>> -> memref<1x128x16xf32, #tpu.memory_space<vmem>>
        %dma_wait3A_175 = tpu.memref_squeeze %dma_wait3A_174 : memref<1x128x16xf32, #tpu.memory_space<vmem>> -> memref<128x16xf32, #tpu.memory_space<vmem>>
        tpu.wait_dma2 semaphore(%run_scoped3A_151 : memref<!tpu.dma_semaphore, #tpu.memory_space<semaphore_mem>>) src(%dma_wait3A_175 : memref<128x16xf32, #tpu.memory_space<vmem>>) dst(%dma_wait3A_171 : memref<128x16xf32, #tpu.memory_space<hbm>>)
        tpu.yield
      }) : () -> ()
    }
    %scan3A_38 = arith.constant 158 : i32
    %barrier3A_39 = arith.constant 0 : index
    tpu.barrier barrier_id(%barrier3A_39)
    %scan3A_40 = arith.constant 0 : i32
    %scan3A_41 = arith.constant 2 : i32
    %scan3A_42 = arith.addi %scan3A_40, %scan3A_41 : i32
    %scan3A_43 = arith.constant 1 : i32
    scf.for %scan3A_45 = %scan3A_40 to %scan3A_42 step %scan3A_43  : i32 {
      %mul3A_46 = arith.constant 1 : i32
      %mul3A_47 = arith.muli %scan3A_45, %mul3A_46 : i32
      %add3A_48 = arith.constant 0 : i32
      %add3A_49 = arith.addi %add3A_48, %mul3A_47 : i32
      %mul3A_50 = arith.constant 2 : i32
      %mul3A_51 = arith.muli %mul3A_50, %arg0 : i32
      %add3A_52 = arith.addi %mul3A_51, %add3A_49 : i32
      %mul3A_53 = arith.constant 10240 : i32
      %mul3A_54 = arith.muli %add3A_52, %mul3A_53 : i32
      %add3A_55 = arith.addi %mul3A_54, %mul3A_2 : i32
      "tpu.region"() ({
        %run_scoped3A = tpu.sem_alloc : memref<!tpu.dma_semaphore, #tpu.memory_space<semaphore_mem>>
        %dma_start3A = arith.constant 0 : i32
        %dma_start3A_66 = tpu.memref_slice %arg20[%mul3A_2, %dma_start3A] : memref<20480x32xf32, #tpu.memory_space<vmem_shared>> -> memref<640x32xf32, #tpu.memory_space<vmem_shared>>
        %dma_start3A_67 = arith.constant 0 : i32
        %dma_start3A_68 = tpu.memref_slice %arg5[%add3A_55, %dma_start3A_67] : memref<40960x32xf32, #tpu.memory_space<hbm>> -> memref<640x32xf32, #tpu.memory_space<hbm>>
        tpu.enqueue_dma source(%dma_start3A_68 : memref<640x32xf32, #tpu.memory_space<hbm>>) target(%dma_start3A_66 : memref<640x32xf32, #tpu.memory_space<vmem_shared>>) target_semaphore(%run_scoped3A : memref<!tpu.dma_semaphore, #tpu.memory_space<semaphore_mem>>)
        %dma_wait3A = arith.constant 0 : i32
        %dma_wait3A_69 = tpu.memref_slice %arg20[%mul3A_2, %dma_wait3A] : memref<20480x32xf32, #tpu.memory_space<vmem_shared>> -> memref<640x32xf32, #tpu.memory_space<vmem_shared>>
        %dma_wait3A_70 = arith.constant 0 : i32
        %dma_wait3A_71 = tpu.memref_slice %arg5[%add3A_55, %dma_wait3A_70] : memref<40960x32xf32, #tpu.memory_space<hbm>> -> memref<640x32xf32, #tpu.memory_space<hbm>>
        tpu.wait_dma2 semaphore(%run_scoped3A : memref<!tpu.dma_semaphore, #tpu.memory_space<semaphore_mem>>) src(%dma_wait3A_71 : memref<640x32xf32, #tpu.memory_space<hbm>>) dst(%dma_wait3A_69 : memref<640x32xf32, #tpu.memory_space<vmem_shared>>)
        tpu.yield
      }) : () -> ()
      %barrier3A_56 = arith.constant 0 : index
      tpu.barrier barrier_id(%barrier3A_56)
      %scan3A_57 = arith.constant 0 : i32
      %scan3A_58 = arith.constant 5 : i32
      %scan3A_59 = arith.addi %scan3A_57, %scan3A_58 : i32
      %scan3A_60 = arith.constant 1 : i32
      scf.for %scan3A_66 = %scan3A_57 to %scan3A_59 step %scan3A_60  : i32 {
        %mul3A_67 = arith.constant 1 : i32
        %mul3A_68 = arith.muli %scan3A_66, %mul3A_67 : i32
        %add3A_69 = arith.constant 0 : i32
        %add3A_70 = arith.addi %add3A_69, %mul3A_68 : i32
        %and3A_71 = arith.constant 1 : i32
        %and3A_72 = arith.andi %add3A_70, %and3A_71 : i32
        %mul3A_73 = arith.constant 10240 : i32
        %mul3A_74 = arith.muli %and3A_72, %mul3A_73 : i32
        %sub3A = arith.constant 10240 : i32
        %sub3A_75 = arith.subi %sub3A, %mul3A_74 : i32
        %scan3A_76 = arith.constant 0 : i32
        %scan3A_77 = arith.constant 640 : i32
        %scan3A_78 = arith.addi %scan3A_76, %scan3A_77 : i32
        %scan3A_79 = arith.constant 1 : i32
        scf.for %scan3A_274 = %scan3A_76 to %scan3A_78 step %scan3A_79  : i32 {
          %mul3A_275 = arith.constant 1 : i32
          %mul3A_276 = arith.muli %scan3A_274, %mul3A_275 : i32
          %add3A_277 = arith.constant 0 : i32
          %add3A_278 = arith.addi %add3A_277, %mul3A_276 : i32
          %swap3A = arith.index_cast %add3A_278 : i32 to index
          %swap3A_279 = arith.constant 0 : index
          %swap3A_280 = tpu.vector_load %arg18[%swap3A, %swap3A_279] {strides = array<i32>} : memref<640x32xf32, #tpu.memory_space<vmem>>, vector<1x16xf32>,
          %swap3A_281 = vector.shape_cast %swap3A_280 : vector<1x16xf32> to vector<16xf32>
          %swap3A_282 = vector.shape_cast %broadcast_in_dim3A_10 : vector<16xf32> to vector<1x16xf32>
          tpu.vector_store %arg18[%swap3A, %swap3A_279], %swap3A_282 {strides = array<i32>} : memref<640x32xf32, #tpu.memory_space<vmem>>, vector<1x16xf32>,
          %swap3A_283 = arith.index_cast %add3A_278 : i32 to index
          %swap3A_284 = arith.constant 16 : index
          %swap3A_285 = tpu.vector_load %arg18[%swap3A_283, %swap3A_284] {strides = array<i32>} : memref<640x32xf32, #tpu.memory_space<vmem>>, vector<1x16xf32>,
          %swap3A_286 = vector.shape_cast %swap3A_285 : vector<1x16xf32> to vector<16xf32>
          %swap3A_287 = vector.shape_cast %broadcast_in_dim3A_10 : vector<16xf32> to vector<1x16xf32>
          tpu.vector_store %arg18[%swap3A_283, %swap3A_284], %swap3A_287 {strides = array<i32>} : memref<640x32xf32, #tpu.memory_space<vmem>>, vector<1x16xf32>,
        }
        %scan3A_80 = arith.constant 640 : i32
        %add3A_81 = arith.addi %sub3A_75, %mul3A_2 : i32
        "tpu.region"() ({
          %run_scoped3A = tpu.sem_alloc : memref<!tpu.dma_semaphore, #tpu.memory_space<semaphore_mem>>
          %dma_start3A_274 = arith.constant 0 : i32
          %dma_start3A_275 = tpu.memref_slice %arg20[%add3A_81, %dma_start3A_274] : memref<20480x32xf32, #tpu.memory_space<vmem_shared>> -> memref<640x32xf32, #tpu.memory_space<vmem_shared>>
          %dma_start3A_276 = arith.constant 0 : i32
          %dma_start3A_277 = tpu.memref_slice %arg20[%add3A_81, %dma_start3A_276] : memref<20480x32xf32, #tpu.memory_space<vmem_shared>> -> memref<640x32xf32, #tpu.memory_space<vmem_shared>>
          tpu.enqueue_dma source(%arg18 : memref<640x32xf32, #tpu.memory_space<vmem>>) target(%dma_start3A_277 : memref<640x32xf32, #tpu.memory_space<vmem_shared>>) target_semaphore(%run_scoped3A : memref<!tpu.dma_semaphore, #tpu.memory_space<semaphore_mem>>)
          %dma_wait3A_278 = arith.constant 0 : i32
          %dma_wait3A_279 = tpu.memref_slice %arg20[%add3A_81, %dma_wait3A_278] : memref<20480x32xf32, #tpu.memory_space<vmem_shared>> -> memref<640x32xf32, #tpu.memory_space<vmem_shared>>
          %dma_wait3A_280 = arith.constant 0 : i32
          %dma_wait3A_281 = tpu.memref_slice %arg20[%add3A_81, %dma_wait3A_280] : memref<20480x32xf32, #tpu.memory_space<vmem_shared>> -> memref<640x32xf32, #tpu.memory_space<vmem_shared>>
          tpu.wait_dma2 semaphore(%run_scoped3A : memref<!tpu.dma_semaphore, #tpu.memory_space<semaphore_mem>>) src(%arg18 : memref<640x32xf32, #tpu.memory_space<vmem>>) dst(%dma_wait3A_281 : memref<640x32xf32, #tpu.memory_space<vmem_shared>>)
          tpu.yield
        }) : () -> ()
        %barrier3A_82 = arith.constant 0 : index
        tpu.barrier barrier_id(%barrier3A_82)
        %add3A_83 = arith.constant 0 : i32
        %add3A_84 = arith.addi %mul3A_0, %add3A_83 : i32
        %dma_start3A = arith.constant 0 : i32
        %dma_start3A_85 = arith.constant 0 : i32
        %dma_start3A_86 = tpu.memref_slice %arg7[%dma_start3A, %dma_start3A_85] : memref<2x128xi32, #tpu.memory_space<vmem>> -> memref<1x128xi32, #tpu.memory_space<vmem>>
        %dma_start3A_87 = tpu.memref_squeeze %dma_start3A_86 : memref<1x128xi32, #tpu.memory_space<vmem>> -> memref<128xi32, #tpu.memory_space<vmem>>
        %dma_start3A_88 = tpu.memref_slice %arg3[%add3A_84] : memref<323840xi32, #tpu.memory_space<hbm>> -> memref<128xi32, #tpu.memory_space<hbm>>
        %dma_start3A_89 = arith.constant 0 : i32
        %dma_start3A_90 = tpu.memref_slice %arg7[%dma_start3A, %dma_start3A_89] : memref<2x128xi32, #tpu.memory_space<vmem>> -> memref<1x128xi32, #tpu.memory_space<vmem>>
        %dma_start3A_91 = tpu.memref_squeeze %dma_start3A_90 : memref<1x128xi32, #tpu.memory_space<vmem>> -> memref<128xi32, #tpu.memory_space<vmem>>
        %dma_start3A_92 = tpu.memref_slice %arg3[%add3A_84] : memref<323840xi32, #tpu.memory_space<hbm>> -> memref<128xi32, #tpu.memory_space<hbm>>
        tpu.enqueue_dma source(%dma_start3A_92 : memref<128xi32, #tpu.memory_space<hbm>>) target(%dma_start3A_91 : memref<128xi32, #tpu.memory_space<vmem>>) target_semaphore(%arg22 : memref<!tpu.dma_semaphore, #tpu.memory_space<semaphore_mem>>)
        %dma_start3A_93 = arith.constant 0 : i32
        %dma_start3A_94 = arith.constant 0 : i32
        %dma_start3A_95 = tpu.memref_slice %arg8[%dma_start3A_93, %dma_start3A_94] : memref<2x128xi32, #tpu.memory_space<vmem>> -> memref<1x128xi32, #tpu.memory_space<vmem>>
        %dma_start3A_96 = tpu.memref_squeeze %dma_start3A_95 : memref<1x128xi32, #tpu.memory_space<vmem>> -> memref<128xi32, #tpu.memory_space<vmem>>
        %dma_start3A_97 = tpu.memref_slice %arg4[%add3A_84] : memref<323840xi32, #tpu.memory_space<hbm>> -> memref<128xi32, #tpu.memory_space<hbm>>
        %dma_start3A_98 = arith.constant 0 : i32
        %dma_start3A_99 = tpu.memref_slice %arg8[%dma_start3A_93, %dma_start3A_98] : memref<2x128xi32, #tpu.memory_space<vmem>> -> memref<1x128xi32, #tpu.memory_space<vmem>>
        %dma_start3A_100 = tpu.memref_squeeze %dma_start3A_99 : memref<1x128xi32, #tpu.memory_space<vmem>> -> memref<128xi32, #tpu.memory_space<vmem>>
        %dma_start3A_101 = tpu.memref_slice %arg4[%add3A_84] : memref<323840xi32, #tpu.memory_space<hbm>> -> memref<128xi32, #tpu.memory_space<hbm>>
        tpu.enqueue_dma source(%dma_start3A_101 : memref<128xi32, #tpu.memory_space<hbm>>) target(%dma_start3A_100 : memref<128xi32, #tpu.memory_space<vmem>>) target_semaphore(%arg24 : memref<!tpu.dma_semaphore, #tpu.memory_space<semaphore_mem>>)
        %add3A_102 = arith.constant 0 : i32
        %add3A_103 = arith.addi %mul3A_0, %add3A_102 : i32
        %add3A_104 = arith.addi %mul3A_9, %add3A_103 : i32
        %dma_start3A_105 = arith.constant 0 : i32
        %dma_start3A_106 = arith.constant 0 : i32
        %dma_start3A_107 = arith.constant 0 : i32
        %dma_start3A_108 = tpu.memref_slice %arg11[%dma_start3A_105, %dma_start3A_106, %dma_start3A_107] : memref<2x128x16xf32, #tpu.memory_space<vmem>> -> memref<1x128x16xf32, #tpu.memory_space<vmem>>
        %dma_start3A_109 = tpu.memref_squeeze %dma_start3A_108 : memref<1x128x16xf32, #tpu.memory_space<vmem>> -> memref<128x16xf32, #tpu.memory_space<vmem>>
        %dma_start3A_110 = arith.constant 0 : i32
        %dma_start3A_111 = tpu.memref_slice %arg21[%add3A_104, %dma_start3A_110] : memref<647424x16xf32, #tpu.memory_space<hbm>> -> memref<128x16xf32, #tpu.memory_space<hbm>>
        %dma_start3A_112 = arith.constant 0 : i32
        %dma_start3A_113 = arith.constant 0 : i32
        %dma_start3A_114 = tpu.memref_slice %arg11[%dma_start3A_105, %dma_start3A_112, %dma_start3A_113] : memref<2x128x16xf32, #tpu.memory_space<vmem>> -> memref<1x128x16xf32, #tpu.memory_space<vmem>>
        %dma_start3A_115 = tpu.memref_squeeze %dma_start3A_114 : memref<1x128x16xf32, #tpu.memory_space<vmem>> -> memref<128x16xf32, #tpu.memory_space<vmem>>
        %dma_start3A_116 = arith.constant 0 : i32
        %dma_start3A_117 = tpu.memref_slice %arg21[%add3A_104, %dma_start3A_116] : memref<647424x16xf32, #tpu.memory_space<hbm>> -> memref<128x16xf32, #tpu.memory_space<hbm>>
        tpu.enqueue_dma source(%dma_start3A_117 : memref<128x16xf32, #tpu.memory_space<hbm>>) target(%dma_start3A_115 : memref<128x16xf32, #tpu.memory_space<vmem>>) target_semaphore(%arg26 : memref<!tpu.dma_semaphore, #tpu.memory_space<semaphore_mem>>)
        %dma_wait3A = arith.constant 0 : i32
        %dma_wait3A_118 = arith.constant 0 : i32
        %dma_wait3A_119 = tpu.memref_slice %arg7[%dma_wait3A, %dma_wait3A_118] : memref<2x128xi32, #tpu.memory_space<vmem>> -> memref<1x128xi32, #tpu.memory_space<vmem>>
        %dma_wait3A_120 = tpu.memref_squeeze %dma_wait3A_119 : memref<1x128xi32, #tpu.memory_space<vmem>> -> memref<128xi32, #tpu.memory_space<vmem>>
        %dma_wait3A_121 = arith.constant 0 : i32
        %dma_wait3A_122 = tpu.memref_slice %arg3[%dma_wait3A_121] : memref<323840xi32, #tpu.memory_space<hbm>> -> memref<128xi32, #tpu.memory_space<hbm>>
        %dma_wait3A_123 = arith.constant 0 : i32
        %dma_wait3A_124 = tpu.memref_slice %arg7[%dma_wait3A, %dma_wait3A_123] : memref<2x128xi32, #tpu.memory_space<vmem>> -> memref<1x128xi32, #tpu.memory_space<vmem>>
        %dma_wait3A_125 = tpu.memref_squeeze %dma_wait3A_124 : memref<1x128xi32, #tpu.memory_space<vmem>> -> memref<128xi32, #tpu.memory_space<vmem>>
        %dma_wait3A_126 = arith.constant 0 : i32
        %dma_wait3A_127 = tpu.memref_slice %arg3[%dma_wait3A_126] : memref<323840xi32, #tpu.memory_space<hbm>> -> memref<128xi32, #tpu.memory_space<hbm>>
        tpu.wait_dma2 semaphore(%arg22 : memref<!tpu.dma_semaphore, #tpu.memory_space<semaphore_mem>>) src(%dma_wait3A_127 : memref<128xi32, #tpu.memory_space<hbm>>) dst(%dma_wait3A_125 : memref<128xi32, #tpu.memory_space<vmem>>)
        %dma_wait3A_128 = arith.constant 0 : i32
        %dma_wait3A_129 = arith.constant 0 : i32
        %dma_wait3A_130 = tpu.memref_slice %arg8[%dma_wait3A_128, %dma_wait3A_129] : memref<2x128xi32, #tpu.memory_space<vmem>> -> memref<1x128xi32, #tpu.memory_space<vmem>>
        %dma_wait3A_131 = tpu.memref_squeeze %dma_wait3A_130 : memref<1x128xi32, #tpu.memory_space<vmem>> -> memref<128xi32, #tpu.memory_space<vmem>>
        %dma_wait3A_132 = arith.constant 0 : i32
        %dma_wait3A_133 = tpu.memref_slice %arg4[%dma_wait3A_132] : memref<323840xi32, #tpu.memory_space<hbm>> -> memref<128xi32, #tpu.memory_space<hbm>>
        %dma_wait3A_134 = arith.constant 0 : i32
        %dma_wait3A_135 = tpu.memref_slice %arg8[%dma_wait3A_128, %dma_wait3A_134] : memref<2x128xi32, #tpu.memory_space<vmem>> -> memref<1x128xi32, #tpu.memory_space<vmem>>
        %dma_wait3A_136 = tpu.memref_squeeze %dma_wait3A_135 : memref<1x128xi32, #tpu.memory_space<vmem>> -> memref<128xi32, #tpu.memory_space<vmem>>
        %dma_wait3A_137 = arith.constant 0 : i32
        %dma_wait3A_138 = tpu.memref_slice %arg4[%dma_wait3A_137] : memref<323840xi32, #tpu.memory_space<hbm>> -> memref<128xi32, #tpu.memory_space<hbm>>
        tpu.wait_dma2 semaphore(%arg24 : memref<!tpu.dma_semaphore, #tpu.memory_space<semaphore_mem>>) src(%dma_wait3A_138 : memref<128xi32, #tpu.memory_space<hbm>>) dst(%dma_wait3A_136 : memref<128xi32, #tpu.memory_space<vmem>>)
        %scan3A_139 = arith.constant 0 : i32
        %scan3A_140 = arith.constant 8 : i32
        %scan3A_141 = arith.addi %scan3A_139, %scan3A_140 : i32
        %scan3A_142 = arith.constant 1 : i32
        scf.for %scan3A_274 = %scan3A_139 to %scan3A_141 step %scan3A_142  : i32 {
          %mul3A_275 = arith.constant 1 : i32
          %mul3A_276 = arith.muli %scan3A_274, %mul3A_275 : i32
          %add3A_277 = arith.constant 0 : i32
          %add3A_278 = arith.addi %add3A_277, %mul3A_276 : i32
          %mul3A_279 = arith.constant 16 : i32
          %mul3A_280 = arith.muli %add3A_278, %mul3A_279 : i32
          %get3A = arith.constant 0 : i32
          %get3A_281 = arith.index_cast %get3A : i32 to index
          %get3A_282 = arith.index_cast %mul3A_280 : i32 to index
          %get3A_283 = tpu.vector_load %arg7[%get3A_281, %get3A_282] {strides = array<i32>} : memref<2x128xi32, #tpu.memory_space<vmem>>, vector<1x16xi32>,
          %get3A_284 = vector.shape_cast %get3A_283 : vector<1x16xi32> to vector<16xi32>
          %add3A_285 = vector.broadcast %mul3A_74 : i32 to vector<16xi32>
          %add3A_286 = arith.addi %get3A_284, %add3A_285 : vector<16xi32>
          %swap3A = arith.constant 0 : i32
          %swap3A_287 = arith.index_cast %swap3A : i32 to index
          %swap3A_288 = arith.index_cast %mul3A_280 : i32 to index
          %swap3A_289 = tpu.vector_load %arg9[%swap3A_287, %swap3A_288] {strides = array<i32>} : memref<2x128xi32, #tpu.memory_space<vmem>>, vector<1x16xi32>,
          %swap3A_290 = vector.shape_cast %swap3A_289 : vector<1x16xi32> to vector<16xi32>
          %swap3A_291 = vector.shape_cast %add3A_286 : vector<16xi32> to vector<1x16xi32>
          tpu.vector_store %arg9[%swap3A_287, %swap3A_288], %swap3A_291 {strides = array<i32>} : memref<2x128xi32, #tpu.memory_space<vmem>>, vector<1x16xi32>,
          %get3A_292 = arith.constant 0 : i32
          %get3A_293 = arith.index_cast %get3A_292 : i32 to index
          %get3A_294 = arith.index_cast %mul3A_280 : i32 to index
          %get3A_295 = tpu.vector_load %arg8[%get3A_293, %get3A_294] {strides = array<i32>} : memref<2x128xi32, #tpu.memory_space<vmem>>, vector<1x16xi32>,
          %get3A_296 = vector.shape_cast %get3A_295 : vector<1x16xi32> to vector<16xi32>
          %add3A_297 = vector.broadcast %sub3A_75 : i32 to vector<16xi32>
          %add3A_298 = arith.addi %get3A_296, %add3A_297 : vector<16xi32>
          %swap3A_299 = arith.constant 0 : i32
          %swap3A_300 = arith.index_cast %swap3A_299 : i32 to index
          %swap3A_301 = arith.index_cast %mul3A_280 : i32 to index
          %swap3A_302 = tpu.vector_load %arg10[%swap3A_300, %swap3A_301] {strides = array<i32>} : memref<2x128xi32, #tpu.memory_space<vmem>>, vector<1x16xi32>,
          %swap3A_303 = vector.shape_cast %swap3A_302 : vector<1x16xi32> to vector<16xi32>
          %swap3A_304 = vector.shape_cast %add3A_298 : vector<16xi32> to vector<1x16xi32>
          tpu.vector_store %arg10[%swap3A_300, %swap3A_301], %swap3A_304 {strides = array<i32>} : memref<2x128xi32, #tpu.memory_space<vmem>>, vector<1x16xi32>,
        }
        %scan3A_143 = arith.constant 8 : i32
        %dma_start3A_144 = arith.constant 0 : i32
        %dma_start3A_145 = arith.constant 0 : i32
        %dma_start3A_146 = arith.constant 0 : i32
        %dma_start3A_147 = arith.constant 0 : i32
        %dma_start3A_148 = tpu.memref_slice %arg16[%dma_start3A_145, %dma_start3A_146, %dma_start3A_147] : memref<2x128x32xf32, #tpu.memory_space<vmem>> -> memref<1x128x32xf32, #tpu.memory_space<vmem>>
        %dma_start3A_149 = tpu.memref_squeeze %dma_start3A_148 : memref<1x128x32xf32, #tpu.memory_space<vmem>> -> memref<128x32xf32, #tpu.memory_space<vmem>>
        %dma_start3A_150 = arith.constant 0 : i32
        %dma_start3A_151 = tpu.memref_slice %arg9[%dma_start3A_144, %dma_start3A_150] : memref<2x128xi32, #tpu.memory_space<vmem>> -> memref<1x128xi32, #tpu.memory_space<vmem>>
        %dma_start3A_152 = tpu.memref_squeeze %dma_start3A_151 : memref<1x128xi32, #tpu.memory_space<vmem>> -> memref<128xi32, #tpu.memory_space<vmem>>
        %dma_start3A_153 = arith.constant 0 : i32
        %dma_start3A_154 = arith.constant 0 : i32
        %dma_start3A_155 = tpu.memref_slice %arg20[%dma_start3A_153, %dma_start3A_154] : memref<20480x32xf32, #tpu.memory_space<vmem_shared>> -> memref<20480x32xf32, #tpu.memory_space<vmem_shared>>
        tpu.enqueue_indirect_dma source(%dma_start3A_155 : memref<20480x32xf32, #tpu.memory_space<vmem_shared>>) target(%dma_start3A_149 : memref<128x32xf32, #tpu.memory_space<vmem>>) offsets(%dma_start3A_152 : memref<128xi32, #tpu.memory_space<vmem>>) semaphore(%arg28 : memref<!tpu.dma_semaphore, #tpu.memory_space<semaphore_mem>>)
        %add3A_156 = arith.constant 128 : i32
        %add3A_157 = arith.addi %mul3A_0, %add3A_156 : i32
        %dma_start3A_158 = arith.constant 1 : i32
        %dma_start3A_159 = arith.constant 0 : i32
        %dma_start3A_160 = tpu.memref_slice %arg7[%dma_start3A_158, %dma_start3A_159] : memref<2x128xi32, #tpu.memory_space<vmem>> -> memref<1x128xi32, #tpu.memory_space<vmem>>
        %dma_start3A_161 = tpu.memref_squeeze %dma_start3A_160 : memref<1x128xi32, #tpu.memory_space<vmem>> -> memref<128xi32, #tpu.memory_space<vmem>>
        %dma_start3A_162 = tpu.memref_slice %arg3[%add3A_157] : memref<323840xi32, #tpu.memory_space<hbm>> -> memref<128xi32, #tpu.memory_space<hbm>>
        %dma_start3A_163 = arith.constant 0 : i32
        %dma_start3A_164 = tpu.memref_slice %arg7[%dma_start3A_158, %dma_start3A_163] : memref<2x128xi32, #tpu.memory_space<vmem>> -> memref<1x128xi32, #tpu.memory_space<vmem>>
        %dma_start3A_165 = tpu.memref_squeeze %dma_start3A_164 : memref<1x128xi32, #tpu.memory_space<vmem>> -> memref<128xi32, #tpu.memory_space<vmem>>
        %dma_start3A_166 = tpu.memref_slice %arg3[%add3A_157] : memref<323840xi32, #tpu.memory_space<hbm>> -> memref<128xi32, #tpu.memory_space<hbm>>
        tpu.enqueue_dma source(%dma_start3A_166 : memref<128xi32, #tpu.memory_space<hbm>>) target(%dma_start3A_165 : memref<128xi32, #tpu.memory_space<vmem>>) target_semaphore(%arg23 : memref<!tpu.dma_semaphore, #tpu.memory_space<semaphore_mem>>)
        %dma_start3A_167 = arith.constant 1 : i32
        %dma_start3A_168 = arith.constant 0 : i32
        %dma_start3A_169 = tpu.memref_slice %arg8[%dma_start3A_167, %dma_start3A_168] : memref<2x128xi32, #tpu.memory_space<vmem>> -> memref<1x128xi32, #tpu.memory_space<vmem>>
        %dma_start3A_170 = tpu.memref_squeeze %dma_start3A_169 : memref<1x128xi32, #tpu.memory_space<vmem>> -> memref<128xi32, #tpu.memory_space<vmem>>
        %dma_start3A_171 = tpu.memref_slice %arg4[%add3A_157] : memref<323840xi32, #tpu.memory_space<hbm>> -> memref<128xi32, #tpu.memory_space<hbm>>
        %dma_start3A_172 = arith.constant 0 : i32
        %dma_start3A_173 = tpu.memref_slice %arg8[%dma_start3A_167, %dma_start3A_172] : memref<2x128xi32, #tpu.memory_space<vmem>> -> memref<1x128xi32, #tpu.memory_space<vmem>>
        %dma_start3A_174 = tpu.memref_squeeze %dma_start3A_173 : memref<1x128xi32, #tpu.memory_space<vmem>> -> memref<128xi32, #tpu.memory_space<vmem>>
        %dma_start3A_175 = tpu.memref_slice %arg4[%add3A_157] : memref<323840xi32, #tpu.memory_space<hbm>> -> memref<128xi32, #tpu.memory_space<hbm>>
        tpu.enqueue_dma source(%dma_start3A_175 : memref<128xi32, #tpu.memory_space<hbm>>) target(%dma_start3A_174 : memref<128xi32, #tpu.memory_space<vmem>>) target_semaphore(%arg25 : memref<!tpu.dma_semaphore, #tpu.memory_space<semaphore_mem>>)
        %add3A_176 = arith.constant 128 : i32
        %add3A_177 = arith.addi %mul3A_0, %add3A_176 : i32
        %add3A_178 = arith.addi %mul3A_9, %add3A_177 : i32
        %dma_start3A_179 = arith.constant 1 : i32
        %dma_start3A_180 = arith.constant 0 : i32
        %dma_start3A_181 = arith.constant 0 : i32
        %dma_start3A_182 = tpu.memref_slice %arg11[%dma_start3A_179, %dma_start3A_180, %dma_start3A_181] : memref<2x128x16xf32, #tpu.memory_space<vmem>> -> memref<1x128x16xf32, #tpu.memory_space<vmem>>
        %dma_start3A_183 = tpu.memref_squeeze %dma_start3A_182 : memref<1x128x16xf32, #tpu.memory_space<vmem>> -> memref<128x16xf32, #tpu.memory_space<vmem>>
        %dma_start3A_184 = arith.constant 0 : i32
        %dma_start3A_185 = tpu.memref_slice %arg21[%add3A_178, %dma_start3A_184] : memref<647424x16xf32, #tpu.memory_space<hbm>> -> memref<128x16xf32, #tpu.memory_space<hbm>>
        %dma_start3A_186 = arith.constant 0 : i32
        %dma_start3A_187 = arith.constant 0 : i32
        %dma_start3A_188 = tpu.memref_slice %arg11[%dma_start3A_179, %dma_start3A_186, %dma_start3A_187] : memref<2x128x16xf32, #tpu.memory_space<vmem>> -> memref<1x128x16xf32, #tpu.memory_space<vmem>>
        %dma_start3A_189 = tpu.memref_squeeze %dma_start3A_188 : memref<1x128x16xf32, #tpu.memory_space<vmem>> -> memref<128x16xf32, #tpu.memory_space<vmem>>
        %dma_start3A_190 = arith.constant 0 : i32
        %dma_start3A_191 = tpu.memref_slice %arg21[%add3A_178, %dma_start3A_190] : memref<647424x16xf32, #tpu.memory_space<hbm>> -> memref<128x16xf32, #tpu.memory_space<hbm>>
        tpu.enqueue_dma source(%dma_start3A_191 : memref<128x16xf32, #tpu.memory_space<hbm>>) target(%dma_start3A_189 : memref<128x16xf32, #tpu.memory_space<vmem>>) target_semaphore(%arg27 : memref<!tpu.dma_semaphore, #tpu.memory_space<semaphore_mem>>)
        %scan3A_192 = arith.constant 0 : i32
        %scan3A_193 = arith.constant 79 : i32
        %scan3A_194 = arith.addi %scan3A_192, %scan3A_193 : i32
        %scan3A_195 = arith.constant 1 : i32
        scf.for %scan3A_274 = %scan3A_192 to %scan3A_194 step %scan3A_195  : i32 {
          %mul3A_275 = arith.constant 1 : i32
          %mul3A_276 = arith.muli %scan3A_274, %mul3A_275 : i32
          %add3A_277 = arith.constant 0 : i32
          %add3A_278 = arith.addi %add3A_277, %mul3A_276 : i32
          %mul3A_279 = arith.constant 2 : i32
          %mul3A_280 = arith.muli %mul3A_279, %add3A_278 : i32
          %add3A_281 = arith.constant 2 : i32
          %add3A_282 = arith.addi %mul3A_280, %add3A_281 : i32
          %dma_wait3A_283 = arith.constant 1 : i32
          %dma_wait3A_284 = arith.constant 0 : i32
          %dma_wait3A_285 = tpu.memref_slice %arg7[%dma_wait3A_283, %dma_wait3A_284] : memref<2x128xi32, #tpu.memory_space<vmem>> -> memref<1x128xi32, #tpu.memory_space<vmem>>
          %dma_wait3A_286 = tpu.memref_squeeze %dma_wait3A_285 : memref<1x128xi32, #tpu.memory_space<vmem>> -> memref<128xi32, #tpu.memory_space<vmem>>
          %dma_wait3A_287 = arith.constant 0 : i32
          %dma_wait3A_288 = tpu.memref_slice %arg3[%dma_wait3A_287] : memref<323840xi32, #tpu.memory_space<hbm>> -> memref<128xi32, #tpu.memory_space<hbm>>
          %dma_wait3A_289 = arith.constant 0 : i32
          %dma_wait3A_290 = tpu.memref_slice %arg7[%dma_wait3A_283, %dma_wait3A_289] : memref<2x128xi32, #tpu.memory_space<vmem>> -> memref<1x128xi32, #tpu.memory_space<vmem>>
          %dma_wait3A_291 = tpu.memref_squeeze %dma_wait3A_290 : memref<1x128xi32, #tpu.memory_space<vmem>> -> memref<128xi32, #tpu.memory_space<vmem>>
          %dma_wait3A_292 = arith.constant 0 : i32
          %dma_wait3A_293 = tpu.memref_slice %arg3[%dma_wait3A_292] : memref<323840xi32, #tpu.memory_space<hbm>> -> memref<128xi32, #tpu.memory_space<hbm>>
          tpu.wait_dma2 semaphore(%arg23 : memref<!tpu.dma_semaphore, #tpu.memory_space<semaphore_mem>>) src(%dma_wait3A_293 : memref<128xi32, #tpu.memory_space<hbm>>) dst(%dma_wait3A_291 : memref<128xi32, #tpu.memory_space<vmem>>)
          %dma_wait3A_294 = arith.constant 1 : i32
          %dma_wait3A_295 = arith.constant 0 : i32
          %dma_wait3A_296 = tpu.memref_slice %arg8[%dma_wait3A_294, %dma_wait3A_295] : memref<2x128xi32, #tpu.memory_space<vmem>> -> memref<1x128xi32, #tpu.memory_space<vmem>>
          %dma_wait3A_297 = tpu.memref_squeeze %dma_wait3A_296 : memref<1x128xi32, #tpu.memory_space<vmem>> -> memref<128xi32, #tpu.memory_space<vmem>>
          %dma_wait3A_298 = arith.constant 0 : i32
          %dma_wait3A_299 = tpu.memref_slice %arg4[%dma_wait3A_298] : memref<323840xi32, #tpu.memory_space<hbm>> -> memref<128xi32, #tpu.memory_space<hbm>>
          %dma_wait3A_300 = arith.constant 0 : i32
          %dma_wait3A_301 = tpu.memref_slice %arg8[%dma_wait3A_294, %dma_wait3A_300] : memref<2x128xi32, #tpu.memory_space<vmem>> -> memref<1x128xi32, #tpu.memory_space<vmem>>
          %dma_wait3A_302 = tpu.memref_squeeze %dma_wait3A_301 : memref<1x128xi32, #tpu.memory_space<vmem>> -> memref<128xi32, #tpu.memory_space<vmem>>
          %dma_wait3A_303 = arith.constant 0 : i32
          %dma_wait3A_304 = tpu.memref_slice %arg4[%dma_wait3A_303] : memref<323840xi32, #tpu.memory_space<hbm>> -> memref<128xi32, #tpu.memory_space<hbm>>
          tpu.wait_dma2 semaphore(%arg25 : memref<!tpu.dma_semaphore, #tpu.memory_space<semaphore_mem>>) src(%dma_wait3A_304 : memref<128xi32, #tpu.memory_space<hbm>>) dst(%dma_wait3A_302 : memref<128xi32, #tpu.memory_space<vmem>>)
          %scan3A_305 = arith.constant 0 : i32
          %scan3A_306 = arith.constant 8 : i32
          %scan3A_307 = arith.addi %scan3A_305, %scan3A_306 : i32
          %scan3A_308 = arith.constant 1 : i32
          scf.for %scan3A_514 = %scan3A_305 to %scan3A_307 step %scan3A_308  : i32 {
            %mul3A_515 = arith.constant 1 : i32
            %mul3A_516 = arith.muli %scan3A_514, %mul3A_515 : i32
            %add3A_517 = arith.constant 0 : i32
            %add3A_518 = arith.addi %add3A_517, %mul3A_516 : i32
            %mul3A_519 = arith.constant 16 : i32
            %mul3A_520 = arith.muli %add3A_518, %mul3A_519 : i32
            %get3A = arith.constant 1 : i32
            %get3A_521 = arith.index_cast %get3A : i32 to index
            %get3A_522 = arith.index_cast %mul3A_520 : i32 to index
            %get3A_523 = tpu.vector_load %arg7[%get3A_521, %get3A_522] {strides = array<i32>} : memref<2x128xi32, #tpu.memory_space<vmem>>, vector<1x16xi32>,
            %get3A_524 = vector.shape_cast %get3A_523 : vector<1x16xi32> to vector<16xi32>
            %add3A_525 = vector.broadcast %mul3A_74 : i32 to vector<16xi32>
            %add3A_526 = arith.addi %get3A_524, %add3A_525 : vector<16xi32>
            %swap3A = arith.constant 1 : i32
            %swap3A_527 = arith.index_cast %swap3A : i32 to index
            %swap3A_528 = arith.index_cast %mul3A_520 : i32 to index
            %swap3A_529 = tpu.vector_load %arg9[%swap3A_527, %swap3A_528] {strides = array<i32>} : memref<2x128xi32, #tpu.memory_space<vmem>>, vector<1x16xi32>,
            %swap3A_530 = vector.shape_cast %swap3A_529 : vector<1x16xi32> to vector<16xi32>
            %swap3A_531 = vector.shape_cast %add3A_526 : vector<16xi32> to vector<1x16xi32>
            tpu.vector_store %arg9[%swap3A_527, %swap3A_528], %swap3A_531 {strides = array<i32>} : memref<2x128xi32, #tpu.memory_space<vmem>>, vector<1x16xi32>,
            %get3A_532 = arith.constant 1 : i32
            %get3A_533 = arith.index_cast %get3A_532 : i32 to index
            %get3A_534 = arith.index_cast %mul3A_520 : i32 to index
            %get3A_535 = tpu.vector_load %arg8[%get3A_533, %get3A_534] {strides = array<i32>} : memref<2x128xi32, #tpu.memory_space<vmem>>, vector<1x16xi32>,
            %get3A_536 = vector.shape_cast %get3A_535 : vector<1x16xi32> to vector<16xi32>
            %add3A_537 = vector.broadcast %sub3A_75 : i32 to vector<16xi32>
            %add3A_538 = arith.addi %get3A_536, %add3A_537 : vector<16xi32>
            %swap3A_539 = arith.constant 1 : i32
            %swap3A_540 = arith.index_cast %swap3A_539 : i32 to index
            %swap3A_541 = arith.index_cast %mul3A_520 : i32 to index
            %swap3A_542 = tpu.vector_load %arg10[%swap3A_540, %swap3A_541] {strides = array<i32>} : memref<2x128xi32, #tpu.memory_space<vmem>>, vector<1x16xi32>,
            %swap3A_543 = vector.shape_cast %swap3A_542 : vector<1x16xi32> to vector<16xi32>
            %swap3A_544 = vector.shape_cast %add3A_538 : vector<16xi32> to vector<1x16xi32>
            tpu.vector_store %arg10[%swap3A_540, %swap3A_541], %swap3A_544 {strides = array<i32>} : memref<2x128xi32, #tpu.memory_space<vmem>>, vector<1x16xi32>,
          }
          %scan3A_309 = arith.constant 8 : i32
          %dma_start3A_310 = arith.constant 1 : i32
          %dma_start3A_311 = arith.constant 1 : i32
          %dma_start3A_312 = arith.constant 0 : i32
          %dma_start3A_313 = arith.constant 0 : i32
          %dma_start3A_314 = tpu.memref_slice %arg16[%dma_start3A_311, %dma_start3A_312, %dma_start3A_313] : memref<2x128x32xf32, #tpu.memory_space<vmem>> -> memref<1x128x32xf32, #tpu.memory_space<vmem>>
          %dma_start3A_315 = tpu.memref_squeeze %dma_start3A_314 : memref<1x128x32xf32, #tpu.memory_space<vmem>> -> memref<128x32xf32, #tpu.memory_space<vmem>>
          %dma_start3A_316 = arith.constant 0 : i32
          %dma_start3A_317 = tpu.memref_slice %arg9[%dma_start3A_310, %dma_start3A_316] : memref<2x128xi32, #tpu.memory_space<vmem>> -> memref<1x128xi32, #tpu.memory_space<vmem>>
          %dma_start3A_318 = tpu.memref_squeeze %dma_start3A_317 : memref<1x128xi32, #tpu.memory_space<vmem>> -> memref<128xi32, #tpu.memory_space<vmem>>
          %dma_start3A_319 = arith.constant 0 : i32
          %dma_start3A_320 = arith.constant 0 : i32
          %dma_start3A_321 = tpu.memref_slice %arg20[%dma_start3A_319, %dma_start3A_320] : memref<20480x32xf32, #tpu.memory_space<vmem_shared>> -> memref<20480x32xf32, #tpu.memory_space<vmem_shared>>
          tpu.enqueue_indirect_dma source(%dma_start3A_321 : memref<20480x32xf32, #tpu.memory_space<vmem_shared>>) target(%dma_start3A_315 : memref<128x32xf32, #tpu.memory_space<vmem>>) offsets(%dma_start3A_318 : memref<128xi32, #tpu.memory_space<vmem>>) semaphore(%arg29 : memref<!tpu.dma_semaphore, #tpu.memory_space<semaphore_mem>>)
          %mul3A_322 = arith.constant 128 : i32
          %mul3A_323 = arith.muli %add3A_282, %mul3A_322 : i32
          %add3A_324 = arith.addi %mul3A_0, %mul3A_323 : i32
          %dma_start3A_325 = arith.constant 0 : i32
          %dma_start3A_326 = arith.constant 0 : i32
          %dma_start3A_327 = tpu.memref_slice %arg7[%dma_start3A_325, %dma_start3A_326] : memref<2x128xi32, #tpu.memory_space<vmem>> -> memref<1x128xi32, #tpu.memory_space<vmem>>
          %dma_start3A_328 = tpu.memref_squeeze %dma_start3A_327 : memref<1x128xi32, #tpu.memory_space<vmem>> -> memref<128xi32, #tpu.memory_space<vmem>>
          %dma_start3A_329 = tpu.memref_slice %arg3[%add3A_324] : memref<323840xi32, #tpu.memory_space<hbm>> -> memref<128xi32, #tpu.memory_space<hbm>>
          %dma_start3A_330 = arith.constant 0 : i32
          %dma_start3A_331 = tpu.memref_slice %arg7[%dma_start3A_325, %dma_start3A_330] : memref<2x128xi32, #tpu.memory_space<vmem>> -> memref<1x128xi32, #tpu.memory_space<vmem>>
          %dma_start3A_332 = tpu.memref_squeeze %dma_start3A_331 : memref<1x128xi32, #tpu.memory_space<vmem>> -> memref<128xi32, #tpu.memory_space<vmem>>
          %dma_start3A_333 = tpu.memref_slice %arg3[%add3A_324] : memref<323840xi32, #tpu.memory_space<hbm>> -> memref<128xi32, #tpu.memory_space<hbm>>
          tpu.enqueue_dma source(%dma_start3A_333 : memref<128xi32, #tpu.memory_space<hbm>>) target(%dma_start3A_332 : memref<128xi32, #tpu.memory_space<vmem>>) target_semaphore(%arg22 : memref<!tpu.dma_semaphore, #tpu.memory_space<semaphore_mem>>)
          %dma_start3A_334 = arith.constant 0 : i32
          %dma_start3A_335 = arith.constant 0 : i32
          %dma_start3A_336 = tpu.memref_slice %arg8[%dma_start3A_334, %dma_start3A_335] : memref<2x128xi32, #tpu.memory_space<vmem>> -> memref<1x128xi32, #tpu.memory_space<vmem>>
          %dma_start3A_337 = tpu.memref_squeeze %dma_start3A_336 : memref<1x128xi32, #tpu.memory_space<vmem>> -> memref<128xi32, #tpu.memory_space<vmem>>
          %dma_start3A_338 = tpu.memref_slice %arg4[%add3A_324] : memref<323840xi32, #tpu.memory_space<hbm>> -> memref<128xi32, #tpu.memory_space<hbm>>
          %dma_start3A_339 = arith.constant 0 : i32
          %dma_start3A_340 = tpu.memref_slice %arg8[%dma_start3A_334, %dma_start3A_339] : memref<2x128xi32, #tpu.memory_space<vmem>> -> memref<1x128xi32, #tpu.memory_space<vmem>>
          %dma_start3A_341 = tpu.memref_squeeze %dma_start3A_340 : memref<1x128xi32, #tpu.memory_space<vmem>> -> memref<128xi32, #tpu.memory_space<vmem>>
          %dma_start3A_342 = tpu.memref_slice %arg4[%add3A_324] : memref<323840xi32, #tpu.memory_space<hbm>> -> memref<128xi32, #tpu.memory_space<hbm>>
          tpu.enqueue_dma source(%dma_start3A_342 : memref<128xi32, #tpu.memory_space<hbm>>) target(%dma_start3A_341 : memref<128xi32, #tpu.memory_space<vmem>>) target_semaphore(%arg24 : memref<!tpu.dma_semaphore, #tpu.memory_space<semaphore_mem>>)
          %dma_wait3A_343 = arith.constant 0 : i32
          %dma_wait3A_344 = arith.constant 0 : i32
          %dma_wait3A_345 = arith.constant 0 : i32
          %dma_wait3A_346 = tpu.memref_slice %arg16[%dma_wait3A_343, %dma_wait3A_344, %dma_wait3A_345] : memref<2x128x32xf32, #tpu.memory_space<vmem>> -> memref<1x128x32xf32, #tpu.memory_space<vmem>>
          %dma_wait3A_347 = tpu.memref_squeeze %dma_wait3A_346 : memref<1x128x32xf32, #tpu.memory_space<vmem>> -> memref<128x32xf32, #tpu.memory_space<vmem>>
          %dma_wait3A_348 = arith.constant 0 : i32
          %dma_wait3A_349 = arith.constant 0 : i32
          %dma_wait3A_350 = tpu.memref_slice %arg5[%dma_wait3A_348, %dma_wait3A_349] : memref<40960x32xf32, #tpu.memory_space<hbm>> -> memref<128x32xf32, #tpu.memory_space<hbm>>
          %dma_wait3A_351 = arith.constant 0 : i32
          %dma_wait3A_352 = arith.constant 0 : i32
          %dma_wait3A_353 = tpu.memref_slice %arg16[%dma_wait3A_343, %dma_wait3A_351, %dma_wait3A_352] : memref<2x128x32xf32, #tpu.memory_space<vmem>> -> memref<1x128x32xf32, #tpu.memory_space<vmem>>
          %dma_wait3A_354 = tpu.memref_squeeze %dma_wait3A_353 : memref<1x128x32xf32, #tpu.memory_space<vmem>> -> memref<128x32xf32, #tpu.memory_space<vmem>>
          %dma_wait3A_355 = arith.constant 0 : i32
          %dma_wait3A_356 = arith.constant 0 : i32
          %dma_wait3A_357 = tpu.memref_slice %arg5[%dma_wait3A_355, %dma_wait3A_356] : memref<40960x32xf32, #tpu.memory_space<hbm>> -> memref<128x32xf32, #tpu.memory_space<hbm>>
          tpu.wait_dma2 semaphore(%arg28 : memref<!tpu.dma_semaphore, #tpu.memory_space<semaphore_mem>>) src(%dma_wait3A_357 : memref<128x32xf32, #tpu.memory_space<hbm>>) dst(%dma_wait3A_354 : memref<128x32xf32, #tpu.memory_space<vmem>>)
          %dma_wait3A_358 = arith.constant 0 : i32
          %dma_wait3A_359 = arith.constant 0 : i32
          %dma_wait3A_360 = arith.constant 0 : i32
          %dma_wait3A_361 = tpu.memref_slice %arg11[%dma_wait3A_358, %dma_wait3A_359, %dma_wait3A_360] : memref<2x128x16xf32, #tpu.memory_space<vmem>> -> memref<1x128x16xf32, #tpu.memory_space<vmem>>
          %dma_wait3A_362 = tpu.memref_squeeze %dma_wait3A_361 : memref<1x128x16xf32, #tpu.memory_space<vmem>> -> memref<128x16xf32, #tpu.memory_space<vmem>>
          %dma_wait3A_363 = arith.constant 0 : i32
          %dma_wait3A_364 = arith.constant 0 : i32
          %dma_wait3A_365 = tpu.memref_slice %arg21[%dma_wait3A_363, %dma_wait3A_364] : memref<647424x16xf32, #tpu.memory_space<hbm>> -> memref<128x16xf32, #tpu.memory_space<hbm>>
          %dma_wait3A_366 = arith.constant 0 : i32
          %dma_wait3A_367 = arith.constant 0 : i32
          %dma_wait3A_368 = tpu.memref_slice %arg11[%dma_wait3A_358, %dma_wait3A_366, %dma_wait3A_367] : memref<2x128x16xf32, #tpu.memory_space<vmem>> -> memref<1x128x16xf32, #tpu.memory_space<vmem>>
          %dma_wait3A_369 = tpu.memref_squeeze %dma_wait3A_368 : memref<1x128x16xf32, #tpu.memory_space<vmem>> -> memref<128x16xf32, #tpu.memory_space<vmem>>
          %dma_wait3A_370 = arith.constant 0 : i32
          %dma_wait3A_371 = arith.constant 0 : i32
          %dma_wait3A_372 = tpu.memref_slice %arg21[%dma_wait3A_370, %dma_wait3A_371] : memref<647424x16xf32, #tpu.memory_space<hbm>> -> memref<128x16xf32, #tpu.memory_space<hbm>>
          tpu.wait_dma2 semaphore(%arg26 : memref<!tpu.dma_semaphore, #tpu.memory_space<semaphore_mem>>) src(%dma_wait3A_372 : memref<128x16xf32, #tpu.memory_space<hbm>>) dst(%dma_wait3A_369 : memref<128x16xf32, #tpu.memory_space<vmem>>)
          %scan3A_373 = arith.constant 0 : i32
          %scan3A_374 = arith.constant 128 : i32
          %scan3A_375 = arith.addi %scan3A_373, %scan3A_374 : i32
          %scan3A_376 = arith.constant 1 : i32
          scf.for %scan3A_514 = %scan3A_373 to %scan3A_375 step %scan3A_376  : i32 {
            %mul3A_515 = arith.constant 1 : i32
            %mul3A_516 = arith.muli %scan3A_514, %mul3A_515 : i32
            %add3A_517 = arith.constant 0 : i32
            %add3A_518 = arith.addi %add3A_517, %mul3A_516 : i32
            %get3A = arith.constant 0 : i32
            %get3A_519 = arith.index_cast %get3A : i32 to index
            %get3A_520 = arith.index_cast %add3A_518 : i32 to index
            %get3A_521 = arith.constant 0 : index
            %get3A_522 = tpu.vector_load %arg11[%get3A_519, %get3A_520, %get3A_521] {strides = array<i32>} : memref<2x128x16xf32, #tpu.memory_space<vmem>>, vector<1x1x16xf32>,
            %get3A_523 = vector.shape_cast %get3A_522 : vector<1x1x16xf32> to vector<16xf32>
            %mul3A_524 = arith.constant 2 : i32
            %mul3A_525 = arith.muli %mul3A_524, %add3A_49 : i32
            %add3A_526 = arith.addi %mul3A_4, %mul3A_525 : i32
            %add3A_527 = arith.constant 0 : i32
            %add3A_528 = arith.addi %add3A_526, %add3A_527 : i32
            %broadcast_in_dim3A_529 = vector.broadcast %add3A_528 : i32 to vector<16xi32>
            %broadcast_in_dim3A_530 = vector.shape_cast %broadcast_in_dim3A_529 : vector<16xi32> to vector<16x1xi32>
            %gather3A = vector.shape_cast %broadcast_in_dim3A_530 : vector<16x1xi32> to vector<16xi32>
            %gather3A_531 = tpu.dynamic_gather %get3A_523[%gather3A] in [0] : vector<16xf32>, vector<16xi32> -> vector<16xf32>
            %get3A_532 = arith.constant 0 : i32
            %get3A_533 = arith.index_cast %get3A_532 : i32 to index
            %get3A_534 = arith.index_cast %add3A_518 : i32 to index
            %get3A_535 = arith.constant 0 : index
            %get3A_536 = tpu.vector_load %arg16[%get3A_533, %get3A_534, %get3A_535] {strides = array<i32>} : memref<2x128x32xf32, #tpu.memory_space<vmem>>, vector<1x1x16xf32>,
            %get3A_537 = vector.shape_cast %get3A_536 : vector<1x1x16xf32> to vector<16xf32>
            %mul3A_538 = arith.mulf %get3A_537, %gather3A_531 : vector<16xf32>
            %swap3A = arith.constant 0 : i32
            %swap3A_539 = arith.index_cast %swap3A : i32 to index
            %swap3A_540 = arith.index_cast %add3A_518 : i32 to index
            %swap3A_541 = arith.constant 0 : index
            %swap3A_542 = tpu.vector_load %arg17[%swap3A_539, %swap3A_540, %swap3A_541] {strides = array<i32>} : memref<2x128x32xf32, #tpu.memory_space<vmem>>, vector<1x1x16xf32>,
            %swap3A_543 = vector.shape_cast %swap3A_542 : vector<1x1x16xf32> to vector<16xf32>
            %swap3A_544 = vector.shape_cast %mul3A_538 : vector<16xf32> to vector<1x1x16xf32>
            tpu.vector_store %arg17[%swap3A_539, %swap3A_540, %swap3A_541], %swap3A_544 {strides = array<i32>} : memref<2x128x32xf32, #tpu.memory_space<vmem>>, vector<1x1x16xf32>,
            %mul3A_545 = arith.constant 2 : i32
            %mul3A_546 = arith.muli %mul3A_545, %add3A_49 : i32
            %add3A_547 = arith.addi %mul3A_4, %mul3A_546 : i32
            %add3A_548 = arith.constant 1 : i32
            %add3A_549 = arith.addi %add3A_547, %add3A_548 : i32
            %broadcast_in_dim3A_550 = vector.broadcast %add3A_549 : i32 to vector<16xi32>
            %broadcast_in_dim3A_551 = vector.shape_cast %broadcast_in_dim3A_550 : vector<16xi32> to vector<16x1xi32>
            %gather3A_552 = vector.shape_cast %broadcast_in_dim3A_551 : vector<16x1xi32> to vector<16xi32>
            %gather3A_553 = tpu.dynamic_gather %get3A_523[%gather3A_552] in [0] : vector<16xf32>, vector<16xi32> -> vector<16xf32>
            %get3A_554 = arith.constant 0 : i32
            %get3A_555 = arith.index_cast %get3A_554 : i32 to index
            %get3A_556 = arith.index_cast %add3A_518 : i32 to index
            %get3A_557 = arith.constant 16 : index
            %get3A_558 = tpu.vector_load %arg16[%get3A_555, %get3A_556, %get3A_557] {strides = array<i32>} : memref<2x128x32xf32, #tpu.memory_space<vmem>>, vector<1x1x16xf32>,
            %get3A_559 = vector.shape_cast %get3A_558 : vector<1x1x16xf32> to vector<16xf32>
            %mul3A_560 = arith.mulf %get3A_559, %gather3A_553 : vector<16xf32>
            %swap3A_561 = arith.constant 0 : i32
            %swap3A_562 = arith.index_cast %swap3A_561 : i32 to index
            %swap3A_563 = arith.index_cast %add3A_518 : i32 to index
            %swap3A_564 = arith.constant 16 : index
            %swap3A_565 = tpu.vector_load %arg17[%swap3A_562, %swap3A_563, %swap3A_564] {strides = array<i32>} : memref<2x128x32xf32, #tpu.memory_space<vmem>>, vector<1x1x16xf32>,
            %swap3A_566 = vector.shape_cast %swap3A_565 : vector<1x1x16xf32> to vector<16xf32>
            %swap3A_567 = vector.shape_cast %mul3A_560 : vector<16xf32> to vector<1x1x16xf32>
            tpu.vector_store %arg17[%swap3A_562, %swap3A_563, %swap3A_564], %swap3A_567 {strides = array<i32>} : memref<2x128x32xf32, #tpu.memory_space<vmem>>, vector<1x1x16xf32>,
          }
          %scan3A_377 = arith.constant 128 : i32
          %run_scoped3A = arith.constant 0 : i32
          %run_scoped3A_378 = arith.constant 0 : i32
          "tpu.region"() ({
            %run_scoped3A_514 = tpu.sem_alloc : memref<!tpu.dma_semaphore, #tpu.memory_space<semaphore_mem>>
            %dma_start3A_515 = arith.constant 0 : i32
            %dma_start3A_516 = arith.constant 0 : i32
            %dma_start3A_517 = tpu.memref_slice %arg17[%run_scoped3A, %dma_start3A_515, %dma_start3A_516] : memref<2x128x32xf32, #tpu.memory_space<vmem>> -> memref<1x128x32xf32, #tpu.memory_space<vmem>>
            %dma_start3A_518 = tpu.memref_squeeze %dma_start3A_517 : memref<1x128x32xf32, #tpu.memory_space<vmem>> -> memref<128x32xf32, #tpu.memory_space<vmem>>
            %dma_start3A_519 = arith.constant 0 : i32
            %dma_start3A_520 = tpu.memref_slice %arg10[%run_scoped3A_378, %dma_start3A_519] : memref<2x128xi32, #tpu.memory_space<vmem>> -> memref<1x128xi32, #tpu.memory_space<vmem>>
            %dma_start3A_521 = tpu.memref_squeeze %dma_start3A_520 : memref<1x128xi32, #tpu.memory_space<vmem>> -> memref<128xi32, #tpu.memory_space<vmem>>
            %dma_start3A_522 = arith.constant 0 : i32
            %dma_start3A_523 = arith.constant 0 : i32
            %dma_start3A_524 = tpu.memref_slice %arg20[%dma_start3A_522, %dma_start3A_523] : memref<20480x32xf32, #tpu.memory_space<vmem_shared>> -> memref<20480x32xf32, #tpu.memory_space<vmem_shared>>
            tpu.enqueue_indirect_dma source(%dma_start3A_518 : memref<128x32xf32, #tpu.memory_space<vmem>>) target(%dma_start3A_524 : memref<20480x32xf32, #tpu.memory_space<vmem_shared>>) offsets(%dma_start3A_521 : memref<128xi32, #tpu.memory_space<vmem>>) semaphore(%run_scoped3A_514 : memref<!tpu.dma_semaphore, #tpu.memory_space<semaphore_mem>>) {add = true}
            %dma_wait3A_525 = arith.constant 0 : i32
            %dma_wait3A_526 = arith.constant 0 : i32
            %dma_wait3A_527 = tpu.memref_slice %arg17[%run_scoped3A, %dma_wait3A_525, %dma_wait3A_526] : memref<2x128x32xf32, #tpu.memory_space<vmem>> -> memref<1x128x32xf32, #tpu.memory_space<vmem>>
            %dma_wait3A_528 = tpu.memref_squeeze %dma_wait3A_527 : memref<1x128x32xf32, #tpu.memory_space<vmem>> -> memref<128x32xf32, #tpu.memory_space<vmem>>
            %dma_wait3A_529 = arith.constant 0 : i32
            %dma_wait3A_530 = tpu.memref_slice %arg10[%run_scoped3A_378, %dma_wait3A_529] : memref<2x128xi32, #tpu.memory_space<vmem>> -> memref<1x128xi32, #tpu.memory_space<vmem>>
            %dma_wait3A_531 = tpu.memref_squeeze %dma_wait3A_530 : memref<1x128xi32, #tpu.memory_space<vmem>> -> memref<128xi32, #tpu.memory_space<vmem>>
            %dma_wait3A_532 = arith.constant 0 : i32
            %dma_wait3A_533 = arith.constant 0 : i32
            %dma_wait3A_534 = tpu.memref_slice %arg20[%dma_wait3A_532, %dma_wait3A_533] : memref<20480x32xf32, #tpu.memory_space<vmem_shared>> -> memref<20480x32xf32, #tpu.memory_space<vmem_shared>>
            tpu.wait_indirect_dma semaphore(%run_scoped3A_514 : memref<!tpu.dma_semaphore, #tpu.memory_space<semaphore_mem>>) src(%dma_wait3A_528 : memref<128x32xf32, #tpu.memory_space<vmem>>) dst(%dma_wait3A_534 : memref<20480x32xf32, #tpu.memory_space<vmem_shared>>)
            tpu.yield
          }) : () -> ()
          %mul3A_379 = arith.constant 128 : i32
          %mul3A_380 = arith.muli %add3A_282, %mul3A_379 : i32
          %add3A_381 = arith.addi %mul3A_0, %mul3A_380 : i32
          %add3A_382 = arith.addi %mul3A_9, %add3A_381 : i32
          %dma_start3A_383 = arith.constant 0 : i32
          %dma_start3A_384 = arith.constant 0 : i32
          %dma_start3A_385 = arith.constant 0 : i32
          %dma_start3A_386 = tpu.memref_slice %arg11[%dma_start3A_383, %dma_start3A_384, %dma_start3A_385] : memref<2x128x16xf32, #tpu.memory_space<vmem>> -> memref<1x128x16xf32, #tpu.memory_space<vmem>>
          %dma_start3A_387 = tpu.memref_squeeze %dma_start3A_386 : memref<1x128x16xf32, #tpu.memory_space<vmem>> -> memref<128x16xf32, #tpu.memory_space<vmem>>
          %dma_start3A_388 = arith.constant 0 : i32
          %dma_start3A_389 = tpu.memref_slice %arg21[%add3A_382, %dma_start3A_388] : memref<647424x16xf32, #tpu.memory_space<hbm>> -> memref<128x16xf32, #tpu.memory_space<hbm>>
          %dma_start3A_390 = arith.constant 0 : i32
          %dma_start3A_391 = arith.constant 0 : i32
          %dma_start3A_392 = tpu.memref_slice %arg11[%dma_start3A_383, %dma_start3A_390, %dma_start3A_391] : memref<2x128x16xf32, #tpu.memory_space<vmem>> -> memref<1x128x16xf32, #tpu.memory_space<vmem>>
          %dma_start3A_393 = tpu.memref_squeeze %dma_start3A_392 : memref<1x128x16xf32, #tpu.memory_space<vmem>> -> memref<128x16xf32, #tpu.memory_space<vmem>>
          %dma_start3A_394 = arith.constant 0 : i32
          %dma_start3A_395 = tpu.memref_slice %arg21[%add3A_382, %dma_start3A_394] : memref<647424x16xf32, #tpu.memory_space<hbm>> -> memref<128x16xf32, #tpu.memory_space<hbm>>
          tpu.enqueue_dma source(%dma_start3A_395 : memref<128x16xf32, #tpu.memory_space<hbm>>) target(%dma_start3A_393 : memref<128x16xf32, #tpu.memory_space<vmem>>) target_semaphore(%arg26 : memref<!tpu.dma_semaphore, #tpu.memory_space<semaphore_mem>>)
          %dma_wait3A_396 = arith.constant 0 : i32
          %dma_wait3A_397 = arith.constant 0 : i32
          %dma_wait3A_398 = tpu.memref_slice %arg7[%dma_wait3A_396, %dma_wait3A_397] : memref<2x128xi32, #tpu.memory_space<vmem>> -> memref<1x128xi32, #tpu.memory_space<vmem>>
          %dma_wait3A_399 = tpu.memref_squeeze %dma_wait3A_398 : memref<1x128xi32, #tpu.memory_space<vmem>> -> memref<128xi32, #tpu.memory_space<vmem>>
          %dma_wait3A_400 = arith.constant 0 : i32
          %dma_wait3A_401 = tpu.memref_slice %arg3[%dma_wait3A_400] : memref<323840xi32, #tpu.memory_space<hbm>> -> memref<128xi32, #tpu.memory_space<hbm>>
          %dma_wait3A_402 = arith.constant 0 : i32
          %dma_wait3A_403 = tpu.memref_slice %arg7[%dma_wait3A_396, %dma_wait3A_402] : memref<2x128xi32, #tpu.memory_space<vmem>> -> memref<1x128xi32, #tpu.memory_space<vmem>>
          %dma_wait3A_404 = tpu.memref_squeeze %dma_wait3A_403 : memref<1x128xi32, #tpu.memory_space<vmem>> -> memref<128xi32, #tpu.memory_space<vmem>>
          %dma_wait3A_405 = arith.constant 0 : i32
          %dma_wait3A_406 = tpu.memref_slice %arg3[%dma_wait3A_405] : memref<323840xi32, #tpu.memory_space<hbm>> -> memref<128xi32, #tpu.memory_space<hbm>>
          tpu.wait_dma2 semaphore(%arg22 : memref<!tpu.dma_semaphore, #tpu.memory_space<semaphore_mem>>) src(%dma_wait3A_406 : memref<128xi32, #tpu.memory_space<hbm>>) dst(%dma_wait3A_404 : memref<128xi32, #tpu.memory_space<vmem>>)
          %dma_wait3A_407 = arith.constant 0 : i32
          %dma_wait3A_408 = arith.constant 0 : i32
          %dma_wait3A_409 = tpu.memref_slice %arg8[%dma_wait3A_407, %dma_wait3A_408] : memref<2x128xi32, #tpu.memory_space<vmem>> -> memref<1x128xi32, #tpu.memory_space<vmem>>
          %dma_wait3A_410 = tpu.memref_squeeze %dma_wait3A_409 : memref<1x128xi32, #tpu.memory_space<vmem>> -> memref<128xi32, #tpu.memory_space<vmem>>
          %dma_wait3A_411 = arith.constant 0 : i32
          %dma_wait3A_412 = tpu.memref_slice %arg4[%dma_wait3A_411] : memref<323840xi32, #tpu.memory_space<hbm>> -> memref<128xi32, #tpu.memory_space<hbm>>
          %dma_wait3A_413 = arith.constant 0 : i32
          %dma_wait3A_414 = tpu.memref_slice %arg8[%dma_wait3A_407, %dma_wait3A_413] : memref<2x128xi32, #tpu.memory_space<vmem>> -> memref<1x128xi32, #tpu.memory_space<vmem>>
          %dma_wait3A_415 = tpu.memref_squeeze %dma_wait3A_414 : memref<1x128xi32, #tpu.memory_space<vmem>> -> memref<128xi32, #tpu.memory_space<vmem>>
          %dma_wait3A_416 = arith.constant 0 : i32
          %dma_wait3A_417 = tpu.memref_slice %arg4[%dma_wait3A_416] : memref<323840xi32, #tpu.memory_space<hbm>> -> memref<128xi32, #tpu.memory_space<hbm>>
          tpu.wait_dma2 semaphore(%arg24 : memref<!tpu.dma_semaphore, #tpu.memory_space<semaphore_mem>>) src(%dma_wait3A_417 : memref<128xi32, #tpu.memory_space<hbm>>) dst(%dma_wait3A_415 : memref<128xi32, #tpu.memory_space<vmem>>)
          %scan3A_418 = arith.constant 0 : i32
          %scan3A_419 = arith.constant 8 : i32
          %scan3A_420 = arith.addi %scan3A_418, %scan3A_419 : i32
          %scan3A_421 = arith.constant 1 : i32
          scf.for %scan3A_514 = %scan3A_418 to %scan3A_420 step %scan3A_421  : i32 {
            %mul3A_515 = arith.constant 1 : i32
            %mul3A_516 = arith.muli %scan3A_514, %mul3A_515 : i32
            %add3A_517 = arith.constant 0 : i32
            %add3A_518 = arith.addi %add3A_517, %mul3A_516 : i32
            %mul3A_519 = arith.constant 16 : i32
            %mul3A_520 = arith.muli %add3A_518, %mul3A_519 : i32
            %get3A = arith.constant 0 : i32
            %get3A_521 = arith.index_cast %get3A : i32 to index
            %get3A_522 = arith.index_cast %mul3A_520 : i32 to index
            %get3A_523 = tpu.vector_load %arg7[%get3A_521, %get3A_522] {strides = array<i32>} : memref<2x128xi32, #tpu.memory_space<vmem>>, vector<1x16xi32>,
            %get3A_524 = vector.shape_cast %get3A_523 : vector<1x16xi32> to vector<16xi32>
            %add3A_525 = vector.broadcast %mul3A_74 : i32 to vector<16xi32>
            %add3A_526 = arith.addi %get3A_524, %add3A_525 : vector<16xi32>
            %swap3A = arith.constant 0 : i32
            %swap3A_527 = arith.index_cast %swap3A : i32 to index
            %swap3A_528 = arith.index_cast %mul3A_520 : i32 to index
            %swap3A_529 = tpu.vector_load %arg9[%swap3A_527, %swap3A_528] {strides = array<i32>} : memref<2x128xi32, #tpu.memory_space<vmem>>, vector<1x16xi32>,
            %swap3A_530 = vector.shape_cast %swap3A_529 : vector<1x16xi32> to vector<16xi32>
            %swap3A_531 = vector.shape_cast %add3A_526 : vector<16xi32> to vector<1x16xi32>
            tpu.vector_store %arg9[%swap3A_527, %swap3A_528], %swap3A_531 {strides = array<i32>} : memref<2x128xi32, #tpu.memory_space<vmem>>, vector<1x16xi32>,
            %get3A_532 = arith.constant 0 : i32
            %get3A_533 = arith.index_cast %get3A_532 : i32 to index
            %get3A_534 = arith.index_cast %mul3A_520 : i32 to index
            %get3A_535 = tpu.vector_load %arg8[%get3A_533, %get3A_534] {strides = array<i32>} : memref<2x128xi32, #tpu.memory_space<vmem>>, vector<1x16xi32>,
            %get3A_536 = vector.shape_cast %get3A_535 : vector<1x16xi32> to vector<16xi32>
            %add3A_537 = vector.broadcast %sub3A_75 : i32 to vector<16xi32>
            %add3A_538 = arith.addi %get3A_536, %add3A_537 : vector<16xi32>
            %swap3A_539 = arith.constant 0 : i32
            %swap3A_540 = arith.index_cast %swap3A_539 : i32 to index
            %swap3A_541 = arith.index_cast %mul3A_520 : i32 to index
            %swap3A_542 = tpu.vector_load %arg10[%swap3A_540, %swap3A_541] {strides = array<i32>} : memref<2x128xi32, #tpu.memory_space<vmem>>, vector<1x16xi32>,
            %swap3A_543 = vector.shape_cast %swap3A_542 : vector<1x16xi32> to vector<16xi32>
            %swap3A_544 = vector.shape_cast %add3A_538 : vector<16xi32> to vector<1x16xi32>
            tpu.vector_store %arg10[%swap3A_540, %swap3A_541], %swap3A_544 {strides = array<i32>} : memref<2x128xi32, #tpu.memory_space<vmem>>, vector<1x16xi32>,
          }
          %scan3A_422 = arith.constant 8 : i32
          %dma_start3A_423 = arith.constant 0 : i32
          %dma_start3A_424 = arith.constant 0 : i32
          %dma_start3A_425 = arith.constant 0 : i32
          %dma_start3A_426 = arith.constant 0 : i32
          %dma_start3A_427 = tpu.memref_slice %arg16[%dma_start3A_424, %dma_start3A_425, %dma_start3A_426] : memref<2x128x32xf32, #tpu.memory_space<vmem>> -> memref<1x128x32xf32, #tpu.memory_space<vmem>>
          %dma_start3A_428 = tpu.memref_squeeze %dma_start3A_427 : memref<1x128x32xf32, #tpu.memory_space<vmem>> -> memref<128x32xf32, #tpu.memory_space<vmem>>
          %dma_start3A_429 = arith.constant 0 : i32
          %dma_start3A_430 = tpu.memref_slice %arg9[%dma_start3A_423, %dma_start3A_429] : memref<2x128xi32, #tpu.memory_space<vmem>> -> memref<1x128xi32, #tpu.memory_space<vmem>>
          %dma_start3A_431 = tpu.memref_squeeze %dma_start3A_430 : memref<1x128xi32, #tpu.memory_space<vmem>> -> memref<128xi32, #tpu.memory_space<vmem>>
          %dma_start3A_432 = arith.constant 0 : i32
          %dma_start3A_433 = arith.constant 0 : i32
          %dma_start3A_434 = tpu.memref_slice %arg20[%dma_start3A_432, %dma_start3A_433] : memref<20480x32xf32, #tpu.memory_space<vmem_shared>> -> memref<20480x32xf32, #tpu.memory_space<vmem_shared>>
          tpu.enqueue_indirect_dma source(%dma_start3A_434 : memref<20480x32xf32, #tpu.memory_space<vmem_shared>>) target(%dma_start3A_428 : memref<128x32xf32, #tpu.memory_space<vmem>>) offsets(%dma_start3A_431 : memref<128xi32, #tpu.memory_space<vmem>>) semaphore(%arg28 : memref<!tpu.dma_semaphore, #tpu.memory_space<semaphore_mem>>)
          %add3A_435 = arith.constant 1 : i32
          %add3A_436 = arith.addi %add3A_282, %add3A_435 : i32
          %mul3A_437 = arith.constant 128 : i32
          %mul3A_438 = arith.muli %add3A_436, %mul3A_437 : i32
          %add3A_439 = arith.addi %mul3A_0, %mul3A_438 : i32
          %dma_start3A_440 = arith.constant 1 : i32
          %dma_start3A_441 = arith.constant 0 : i32
          %dma_start3A_442 = tpu.memref_slice %arg7[%dma_start3A_440, %dma_start3A_441] : memref<2x128xi32, #tpu.memory_space<vmem>> -> memref<1x128xi32, #tpu.memory_space<vmem>>
          %dma_start3A_443 = tpu.memref_squeeze %dma_start3A_442 : memref<1x128xi32, #tpu.memory_space<vmem>> -> memref<128xi32, #tpu.memory_space<vmem>>
          %dma_start3A_444 = tpu.memref_slice %arg3[%add3A_439] : memref<323840xi32, #tpu.memory_space<hbm>> -> memref<128xi32, #tpu.memory_space<hbm>>
          %dma_start3A_445 = arith.constant 0 : i32
          %dma_start3A_446 = tpu.memref_slice %arg7[%dma_start3A_440, %dma_start3A_445] : memref<2x128xi32, #tpu.memory_space<vmem>> -> memref<1x128xi32, #tpu.memory_space<vmem>>
          %dma_start3A_447 = tpu.memref_squeeze %dma_start3A_446 : memref<1x128xi32, #tpu.memory_space<vmem>> -> memref<128xi32, #tpu.memory_space<vmem>>
          %dma_start3A_448 = tpu.memref_slice %arg3[%add3A_439] : memref<323840xi32, #tpu.memory_space<hbm>> -> memref<128xi32, #tpu.memory_space<hbm>>
          tpu.enqueue_dma source(%dma_start3A_448 : memref<128xi32, #tpu.memory_space<hbm>>) target(%dma_start3A_447 : memref<128xi32, #tpu.memory_space<vmem>>) target_semaphore(%arg23 : memref<!tpu.dma_semaphore, #tpu.memory_space<semaphore_mem>>)
          %dma_start3A_449 = arith.constant 1 : i32
          %dma_start3A_450 = arith.constant 0 : i32
          %dma_start3A_451 = tpu.memref_slice %arg8[%dma_start3A_449, %dma_start3A_450] : memref<2x128xi32, #tpu.memory_space<vmem>> -> memref<1x128xi32, #tpu.memory_space<vmem>>
          %dma_start3A_452 = tpu.memref_squeeze %dma_start3A_451 : memref<1x128xi32, #tpu.memory_space<vmem>> -> memref<128xi32, #tpu.memory_space<vmem>>
          %dma_start3A_453 = tpu.memref_slice %arg4[%add3A_439] : memref<323840xi32, #tpu.memory_space<hbm>> -> memref<128xi32, #tpu.memory_space<hbm>>
          %dma_start3A_454 = arith.constant 0 : i32
          %dma_start3A_455 = tpu.memref_slice %arg8[%dma_start3A_449, %dma_start3A_454] : memref<2x128xi32, #tpu.memory_space<vmem>> -> memref<1x128xi32, #tpu.memory_space<vmem>>
          %dma_start3A_456 = tpu.memref_squeeze %dma_start3A_455 : memref<1x128xi32, #tpu.memory_space<vmem>> -> memref<128xi32, #tpu.memory_space<vmem>>
          %dma_start3A_457 = tpu.memref_slice %arg4[%add3A_439] : memref<323840xi32, #tpu.memory_space<hbm>> -> memref<128xi32, #tpu.memory_space<hbm>>
          tpu.enqueue_dma source(%dma_start3A_457 : memref<128xi32, #tpu.memory_space<hbm>>) target(%dma_start3A_456 : memref<128xi32, #tpu.memory_space<vmem>>) target_semaphore(%arg25 : memref<!tpu.dma_semaphore, #tpu.memory_space<semaphore_mem>>)
          %dma_wait3A_458 = arith.constant 1 : i32
          %dma_wait3A_459 = arith.constant 0 : i32
          %dma_wait3A_460 = arith.constant 0 : i32
          %dma_wait3A_461 = tpu.memref_slice %arg16[%dma_wait3A_458, %dma_wait3A_459, %dma_wait3A_460] : memref<2x128x32xf32, #tpu.memory_space<vmem>> -> memref<1x128x32xf32, #tpu.memory_space<vmem>>
          %dma_wait3A_462 = tpu.memref_squeeze %dma_wait3A_461 : memref<1x128x32xf32, #tpu.memory_space<vmem>> -> memref<128x32xf32, #tpu.memory_space<vmem>>
          %dma_wait3A_463 = arith.constant 0 : i32
          %dma_wait3A_464 = arith.constant 0 : i32
          %dma_wait3A_465 = tpu.memref_slice %arg5[%dma_wait3A_463, %dma_wait3A_464] : memref<40960x32xf32, #tpu.memory_space<hbm>> -> memref<128x32xf32, #tpu.memory_space<hbm>>
          %dma_wait3A_466 = arith.constant 0 : i32
          %dma_wait3A_467 = arith.constant 0 : i32
          %dma_wait3A_468 = tpu.memref_slice %arg16[%dma_wait3A_458, %dma_wait3A_466, %dma_wait3A_467] : memref<2x128x32xf32, #tpu.memory_space<vmem>> -> memref<1x128x32xf32, #tpu.memory_space<vmem>>
          %dma_wait3A_469 = tpu.memref_squeeze %dma_wait3A_468 : memref<1x128x32xf32, #tpu.memory_space<vmem>> -> memref<128x32xf32, #tpu.memory_space<vmem>>
          %dma_wait3A_470 = arith.constant 0 : i32
          %dma_wait3A_471 = arith.constant 0 : i32
          %dma_wait3A_472 = tpu.memref_slice %arg5[%dma_wait3A_470, %dma_wait3A_471] : memref<40960x32xf32, #tpu.memory_space<hbm>> -> memref<128x32xf32, #tpu.memory_space<hbm>>
          tpu.wait_dma2 semaphore(%arg29 : memref<!tpu.dma_semaphore, #tpu.memory_space<semaphore_mem>>) src(%dma_wait3A_472 : memref<128x32xf32, #tpu.memory_space<hbm>>) dst(%dma_wait3A_469 : memref<128x32xf32, #tpu.memory_space<vmem>>)
          %dma_wait3A_473 = arith.constant 1 : i32
          %dma_wait3A_474 = arith.constant 0 : i32
          %dma_wait3A_475 = arith.constant 0 : i32
          %dma_wait3A_476 = tpu.memref_slice %arg11[%dma_wait3A_473, %dma_wait3A_474, %dma_wait3A_475] : memref<2x128x16xf32, #tpu.memory_space<vmem>> -> memref<1x128x16xf32, #tpu.memory_space<vmem>>
          %dma_wait3A_477 = tpu.memref_squeeze %dma_wait3A_476 : memref<1x128x16xf32, #tpu.memory_space<vmem>> -> memref<128x16xf32, #tpu.memory_space<vmem>>
          %dma_wait3A_478 = arith.constant 0 : i32
          %dma_wait3A_479 = arith.constant 0 : i32
          %dma_wait3A_480 = tpu.memref_slice %arg21[%dma_wait3A_478, %dma_wait3A_479] : memref<647424x16xf32, #tpu.memory_space<hbm>> -> memref<128x16xf32, #tpu.memory_space<hbm>>
          %dma_wait3A_481 = arith.constant 0 : i32
          %dma_wait3A_482 = arith.constant 0 : i32
          %dma_wait3A_483 = tpu.memref_slice %arg11[%dma_wait3A_473, %dma_wait3A_481, %dma_wait3A_482] : memref<2x128x16xf32, #tpu.memory_space<vmem>> -> memref<1x128x16xf32, #tpu.memory_space<vmem>>
          %dma_wait3A_484 = tpu.memref_squeeze %dma_wait3A_483 : memref<1x128x16xf32, #tpu.memory_space<vmem>> -> memref<128x16xf32, #tpu.memory_space<vmem>>
          %dma_wait3A_485 = arith.constant 0 : i32
          %dma_wait3A_486 = arith.constant 0 : i32
          %dma_wait3A_487 = tpu.memref_slice %arg21[%dma_wait3A_485, %dma_wait3A_486] : memref<647424x16xf32, #tpu.memory_space<hbm>> -> memref<128x16xf32, #tpu.memory_space<hbm>>
          tpu.wait_dma2 semaphore(%arg27 : memref<!tpu.dma_semaphore, #tpu.memory_space<semaphore_mem>>) src(%dma_wait3A_487 : memref<128x16xf32, #tpu.memory_space<hbm>>) dst(%dma_wait3A_484 : memref<128x16xf32, #tpu.memory_space<vmem>>)
          %scan3A_488 = arith.constant 0 : i32
          %scan3A_489 = arith.constant 128 : i32
          %scan3A_490 = arith.addi %scan3A_488, %scan3A_489 : i32
          %scan3A_491 = arith.constant 1 : i32
          scf.for %scan3A_514 = %scan3A_488 to %scan3A_490 step %scan3A_491  : i32 {
            %mul3A_515 = arith.constant 1 : i32
            %mul3A_516 = arith.muli %scan3A_514, %mul3A_515 : i32
            %add3A_517 = arith.constant 0 : i32
            %add3A_518 = arith.addi %add3A_517, %mul3A_516 : i32
            %get3A = arith.constant 1 : i32
            %get3A_519 = arith.index_cast %get3A : i32 to index
            %get3A_520 = arith.index_cast %add3A_518 : i32 to index
            %get3A_521 = arith.constant 0 : index
            %get3A_522 = tpu.vector_load %arg11[%get3A_519, %get3A_520, %get3A_521] {strides = array<i32>} : memref<2x128x16xf32, #tpu.memory_space<vmem>>, vector<1x1x16xf32>,
            %get3A_523 = vector.shape_cast %get3A_522 : vector<1x1x16xf32> to vector<16xf32>
            %mul3A_524 = arith.constant 2 : i32
            %mul3A_525 = arith.muli %mul3A_524, %add3A_49 : i32
            %add3A_526 = arith.addi %mul3A_4, %mul3A_525 : i32
            %add3A_527 = arith.constant 0 : i32
            %add3A_528 = arith.addi %add3A_526, %add3A_527 : i32
            %broadcast_in_dim3A_529 = vector.broadcast %add3A_528 : i32 to vector<16xi32>
            %broadcast_in_dim3A_530 = vector.shape_cast %broadcast_in_dim3A_529 : vector<16xi32> to vector<16x1xi32>
            %gather3A = vector.shape_cast %broadcast_in_dim3A_530 : vector<16x1xi32> to vector<16xi32>
            %gather3A_531 = tpu.dynamic_gather %get3A_523[%gather3A] in [0] : vector<16xf32>, vector<16xi32> -> vector<16xf32>
            %get3A_532 = arith.constant 1 : i32
            %get3A_533 = arith.index_cast %get3A_532 : i32 to index
            %get3A_534 = arith.index_cast %add3A_518 : i32 to index
            %get3A_535 = arith.constant 0 : index
            %get3A_536 = tpu.vector_load %arg16[%get3A_533, %get3A_534, %get3A_535] {strides = array<i32>} : memref<2x128x32xf32, #tpu.memory_space<vmem>>, vector<1x1x16xf32>,
            %get3A_537 = vector.shape_cast %get3A_536 : vector<1x1x16xf32> to vector<16xf32>
            %mul3A_538 = arith.mulf %get3A_537, %gather3A_531 : vector<16xf32>
            %swap3A = arith.constant 1 : i32
            %swap3A_539 = arith.index_cast %swap3A : i32 to index
            %swap3A_540 = arith.index_cast %add3A_518 : i32 to index
            %swap3A_541 = arith.constant 0 : index
            %swap3A_542 = tpu.vector_load %arg17[%swap3A_539, %swap3A_540, %swap3A_541] {strides = array<i32>} : memref<2x128x32xf32, #tpu.memory_space<vmem>>, vector<1x1x16xf32>,
            %swap3A_543 = vector.shape_cast %swap3A_542 : vector<1x1x16xf32> to vector<16xf32>
            %swap3A_544 = vector.shape_cast %mul3A_538 : vector<16xf32> to vector<1x1x16xf32>
            tpu.vector_store %arg17[%swap3A_539, %swap3A_540, %swap3A_541], %swap3A_544 {strides = array<i32>} : memref<2x128x32xf32, #tpu.memory_space<vmem>>, vector<1x1x16xf32>,
            %mul3A_545 = arith.constant 2 : i32
            %mul3A_546 = arith.muli %mul3A_545, %add3A_49 : i32
            %add3A_547 = arith.addi %mul3A_4, %mul3A_546 : i32
            %add3A_548 = arith.constant 1 : i32
            %add3A_549 = arith.addi %add3A_547, %add3A_548 : i32
            %broadcast_in_dim3A_550 = vector.broadcast %add3A_549 : i32 to vector<16xi32>
            %broadcast_in_dim3A_551 = vector.shape_cast %broadcast_in_dim3A_550 : vector<16xi32> to vector<16x1xi32>
            %gather3A_552 = vector.shape_cast %broadcast_in_dim3A_551 : vector<16x1xi32> to vector<16xi32>
            %gather3A_553 = tpu.dynamic_gather %get3A_523[%gather3A_552] in [0] : vector<16xf32>, vector<16xi32> -> vector<16xf32>
            %get3A_554 = arith.constant 1 : i32
            %get3A_555 = arith.index_cast %get3A_554 : i32 to index
            %get3A_556 = arith.index_cast %add3A_518 : i32 to index
            %get3A_557 = arith.constant 16 : index
            %get3A_558 = tpu.vector_load %arg16[%get3A_555, %get3A_556, %get3A_557] {strides = array<i32>} : memref<2x128x32xf32, #tpu.memory_space<vmem>>, vector<1x1x16xf32>,
            %get3A_559 = vector.shape_cast %get3A_558 : vector<1x1x16xf32> to vector<16xf32>
            %mul3A_560 = arith.mulf %get3A_559, %gather3A_553 : vector<16xf32>
            %swap3A_561 = arith.constant 1 : i32
            %swap3A_562 = arith.index_cast %swap3A_561 : i32 to index
            %swap3A_563 = arith.index_cast %add3A_518 : i32 to index
            %swap3A_564 = arith.constant 16 : index
            %swap3A_565 = tpu.vector_load %arg17[%swap3A_562, %swap3A_563, %swap3A_564] {strides = array<i32>} : memref<2x128x32xf32, #tpu.memory_space<vmem>>, vector<1x1x16xf32>,
            %swap3A_566 = vector.shape_cast %swap3A_565 : vector<1x1x16xf32> to vector<16xf32>
            %swap3A_567 = vector.shape_cast %mul3A_560 : vector<16xf32> to vector<1x1x16xf32>
            tpu.vector_store %arg17[%swap3A_562, %swap3A_563, %swap3A_564], %swap3A_567 {strides = array<i32>} : memref<2x128x32xf32, #tpu.memory_space<vmem>>, vector<1x1x16xf32>,
          }
          %scan3A_492 = arith.constant 128 : i32
          %run_scoped3A_493 = arith.constant 1 : i32
          %run_scoped3A_494 = arith.constant 1 : i32
          "tpu.region"() ({
            %run_scoped3A_514 = tpu.sem_alloc : memref<!tpu.dma_semaphore, #tpu.memory_space<semaphore_mem>>
            %dma_start3A_515 = arith.constant 0 : i32
            %dma_start3A_516 = arith.constant 0 : i32
            %dma_start3A_517 = tpu.memref_slice %arg17[%run_scoped3A_493, %dma_start3A_515, %dma_start3A_516] : memref<2x128x32xf32, #tpu.memory_space<vmem>> -> memref<1x128x32xf32, #tpu.memory_space<vmem>>
            %dma_start3A_518 = tpu.memref_squeeze %dma_start3A_517 : memref<1x128x32xf32, #tpu.memory_space<vmem>> -> memref<128x32xf32, #tpu.memory_space<vmem>>
            %dma_start3A_519 = arith.constant 0 : i32
            %dma_start3A_520 = tpu.memref_slice %arg10[%run_scoped3A_494, %dma_start3A_519] : memref<2x128xi32, #tpu.memory_space<vmem>> -> memref<1x128xi32, #tpu.memory_space<vmem>>
            %dma_start3A_521 = tpu.memref_squeeze %dma_start3A_520 : memref<1x128xi32, #tpu.memory_space<vmem>> -> memref<128xi32, #tpu.memory_space<vmem>>
            %dma_start3A_522 = arith.constant 0 : i32
            %dma_start3A_523 = arith.constant 0 : i32
            %dma_start3A_524 = tpu.memref_slice %arg20[%dma_start3A_522, %dma_start3A_523] : memref<20480x32xf32, #tpu.memory_space<vmem_shared>> -> memref<20480x32xf32, #tpu.memory_space<vmem_shared>>
            tpu.enqueue_indirect_dma source(%dma_start3A_518 : memref<128x32xf32, #tpu.memory_space<vmem>>) target(%dma_start3A_524 : memref<20480x32xf32, #tpu.memory_space<vmem_shared>>) offsets(%dma_start3A_521 : memref<128xi32, #tpu.memory_space<vmem>>) semaphore(%run_scoped3A_514 : memref<!tpu.dma_semaphore, #tpu.memory_space<semaphore_mem>>) {add = true}
            %dma_wait3A_525 = arith.constant 0 : i32
            %dma_wait3A_526 = arith.constant 0 : i32
            %dma_wait3A_527 = tpu.memref_slice %arg17[%run_scoped3A_493, %dma_wait3A_525, %dma_wait3A_526] : memref<2x128x32xf32, #tpu.memory_space<vmem>> -> memref<1x128x32xf32, #tpu.memory_space<vmem>>
            %dma_wait3A_528 = tpu.memref_squeeze %dma_wait3A_527 : memref<1x128x32xf32, #tpu.memory_space<vmem>> -> memref<128x32xf32, #tpu.memory_space<vmem>>
            %dma_wait3A_529 = arith.constant 0 : i32
            %dma_wait3A_530 = tpu.memref_slice %arg10[%run_scoped3A_494, %dma_wait3A_529] : memref<2x128xi32, #tpu.memory_space<vmem>> -> memref<1x128xi32, #tpu.memory_space<vmem>>
            %dma_wait3A_531 = tpu.memref_squeeze %dma_wait3A_530 : memref<1x128xi32, #tpu.memory_space<vmem>> -> memref<128xi32, #tpu.memory_space<vmem>>
            %dma_wait3A_532 = arith.constant 0 : i32
            %dma_wait3A_533 = arith.constant 0 : i32
            %dma_wait3A_534 = tpu.memref_slice %arg20[%dma_wait3A_532, %dma_wait3A_533] : memref<20480x32xf32, #tpu.memory_space<vmem_shared>> -> memref<20480x32xf32, #tpu.memory_space<vmem_shared>>
            tpu.wait_indirect_dma semaphore(%run_scoped3A_514 : memref<!tpu.dma_semaphore, #tpu.memory_space<semaphore_mem>>) src(%dma_wait3A_528 : memref<128x32xf32, #tpu.memory_space<vmem>>) dst(%dma_wait3A_534 : memref<20480x32xf32, #tpu.memory_space<vmem_shared>>)
            tpu.yield
          }) : () -> ()
          %add3A_495 = arith.constant 1 : i32
          %add3A_496 = arith.addi %add3A_282, %add3A_495 : i32
          %mul3A_497 = arith.constant 128 : i32
          %mul3A_498 = arith.muli %add3A_496, %mul3A_497 : i32
          %add3A_499 = arith.addi %mul3A_0, %mul3A_498 : i32
          %add3A_500 = arith.addi %mul3A_9, %add3A_499 : i32
          %dma_start3A_501 = arith.constant 1 : i32
          %dma_start3A_502 = arith.constant 0 : i32
          %dma_start3A_503 = arith.constant 0 : i32
          %dma_start3A_504 = tpu.memref_slice %arg11[%dma_start3A_501, %dma_start3A_502, %dma_start3A_503] : memref<2x128x16xf32, #tpu.memory_space<vmem>> -> memref<1x128x16xf32, #tpu.memory_space<vmem>>
          %dma_start3A_505 = tpu.memref_squeeze %dma_start3A_504 : memref<1x128x16xf32, #tpu.memory_space<vmem>> -> memref<128x16xf32, #tpu.memory_space<vmem>>
          %dma_start3A_506 = arith.constant 0 : i32
          %dma_start3A_507 = tpu.memref_slice %arg21[%add3A_500, %dma_start3A_506] : memref<647424x16xf32, #tpu.memory_space<hbm>> -> memref<128x16xf32, #tpu.memory_space<hbm>>
          %dma_start3A_508 = arith.constant 0 : i32
          %dma_start3A_509 = arith.constant 0 : i32
          %dma_start3A_510 = tpu.memref_slice %arg11[%dma_start3A_501, %dma_start3A_508, %dma_start3A_509] : memref<2x128x16xf32, #tpu.memory_space<vmem>> -> memref<1x128x16xf32, #tpu.memory_space<vmem>>
          %dma_start3A_511 = tpu.memref_squeeze %dma_start3A_510 : memref<1x128x16xf32, #tpu.memory_space<vmem>> -> memref<128x16xf32, #tpu.memory_space<vmem>>
          %dma_start3A_512 = arith.constant 0 : i32
          %dma_start3A_513 = tpu.memref_slice %arg21[%add3A_500, %dma_start3A_512] : memref<647424x16xf32, #tpu.memory_space<hbm>> -> memref<128x16xf32, #tpu.memory_space<hbm>>
          tpu.enqueue_dma source(%dma_start3A_513 : memref<128x16xf32, #tpu.memory_space<hbm>>) target(%dma_start3A_511 : memref<128x16xf32, #tpu.memory_space<vmem>>) target_semaphore(%arg27 : memref<!tpu.dma_semaphore, #tpu.memory_space<semaphore_mem>>)
        }
        %scan3A_196 = arith.constant 79 : i32
        %dma_wait3A_197 = arith.constant 0 : i32
        %dma_wait3A_198 = arith.constant 0 : i32
        %dma_wait3A_199 = arith.constant 0 : i32
        %dma_wait3A_200 = tpu.memref_slice %arg16[%dma_wait3A_197, %dma_wait3A_198, %dma_wait3A_199] : memref<2x128x32xf32, #tpu.memory_space<vmem>> -> memref<1x128x32xf32, #tpu.memory_space<vmem>>
        %dma_wait3A_201 = tpu.memref_squeeze %dma_wait3A_200 : memref<1x128x32xf32, #tpu.memory_space<vmem>> -> memref<128x32xf32, #tpu.memory_space<vmem>>
        %dma_wait3A_202 = arith.constant 0 : i32
        %dma_wait3A_203 = arith.constant 0 : i32
        %dma_wait3A_204 = tpu.memref_slice %arg5[%dma_wait3A_202, %dma_wait3A_203] : memref<40960x32xf32, #tpu.memory_space<hbm>> -> memref<128x32xf32, #tpu.memory_space<hbm>>
        %dma_wait3A_205 = arith.constant 0 : i32
        %dma_wait3A_206 = arith.constant 0 : i32
        %dma_wait3A_207 = tpu.memref_slice %arg16[%dma_wait3A_197, %dma_wait3A_205, %dma_wait3A_206] : memref<2x128x32xf32, #tpu.memory_space<vmem>> -> memref<1x128x32xf32, #tpu.memory_space<vmem>>
        %dma_wait3A_208 = tpu.memref_squeeze %dma_wait3A_207 : memref<1x128x32xf32, #tpu.memory_space<vmem>> -> memref<128x32xf32, #tpu.memory_space<vmem>>
        %dma_wait3A_209 = arith.constant 0 : i32
        %dma_wait3A_210 = arith.constant 0 : i32
        %dma_wait3A_211 = tpu.memref_slice %arg5[%dma_wait3A_209, %dma_wait3A_210] : memref<40960x32xf32, #tpu.memory_space<hbm>> -> memref<128x32xf32, #tpu.memory_space<hbm>>
        tpu.wait_dma2 semaphore(%arg28 : memref<!tpu.dma_semaphore, #tpu.memory_space<semaphore_mem>>) src(%dma_wait3A_211 : memref<128x32xf32, #tpu.memory_space<hbm>>) dst(%dma_wait3A_208 : memref<128x32xf32, #tpu.memory_space<vmem>>)
        %dma_wait3A_212 = arith.constant 0 : i32
        %dma_wait3A_213 = arith.constant 0 : i32
        %dma_wait3A_214 = arith.constant 0 : i32
        %dma_wait3A_215 = tpu.memref_slice %arg11[%dma_wait3A_212, %dma_wait3A_213, %dma_wait3A_214] : memref<2x128x16xf32, #tpu.memory_space<vmem>> -> memref<1x128x16xf32, #tpu.memory_space<vmem>>
        %dma_wait3A_216 = tpu.memref_squeeze %dma_wait3A_215 : memref<1x128x16xf32, #tpu.memory_space<vmem>> -> memref<128x16xf32, #tpu.memory_space<vmem>>
        %dma_wait3A_217 = arith.constant 0 : i32
        %dma_wait3A_218 = arith.constant 0 : i32
        %dma_wait3A_219 = tpu.memref_slice %arg21[%dma_wait3A_217, %dma_wait3A_218] : memref<647424x16xf32, #tpu.memory_space<hbm>> -> memref<128x16xf32, #tpu.memory_space<hbm>>
        %dma_wait3A_220 = arith.constant 0 : i32
        %dma_wait3A_221 = arith.constant 0 : i32
        %dma_wait3A_222 = tpu.memref_slice %arg11[%dma_wait3A_212, %dma_wait3A_220, %dma_wait3A_221] : memref<2x128x16xf32, #tpu.memory_space<vmem>> -> memref<1x128x16xf32, #tpu.memory_space<vmem>>
        %dma_wait3A_223 = tpu.memref_squeeze %dma_wait3A_222 : memref<1x128x16xf32, #tpu.memory_space<vmem>> -> memref<128x16xf32, #tpu.memory_space<vmem>>
        %dma_wait3A_224 = arith.constant 0 : i32
        %dma_wait3A_225 = arith.constant 0 : i32
        %dma_wait3A_226 = tpu.memref_slice %arg21[%dma_wait3A_224, %dma_wait3A_225] : memref<647424x16xf32, #tpu.memory_space<hbm>> -> memref<128x16xf32, #tpu.memory_space<hbm>>
        tpu.wait_dma2 semaphore(%arg26 : memref<!tpu.dma_semaphore, #tpu.memory_space<semaphore_mem>>) src(%dma_wait3A_226 : memref<128x16xf32, #tpu.memory_space<hbm>>) dst(%dma_wait3A_223 : memref<128x16xf32, #tpu.memory_space<vmem>>)
        %dma_wait3A_227 = arith.constant 1 : i32
        %dma_wait3A_228 = arith.constant 0 : i32
        %dma_wait3A_229 = tpu.memref_slice %arg7[%dma_wait3A_227, %dma_wait3A_228] : memref<2x128xi32, #tpu.memory_space<vmem>> -> memref<1x128xi32, #tpu.memory_space<vmem>>
        %dma_wait3A_230 = tpu.memref_squeeze %dma_wait3A_229 : memref<1x128xi32, #tpu.memory_space<vmem>> -> memref<128xi32, #tpu.memory_space<vmem>>
        %dma_wait3A_231 = arith.constant 0 : i32
        %dma_wait3A_232 = tpu.memref_slice %arg3[%dma_wait3A_231] : memref<323840xi32, #tpu.memory_space<hbm>> -> memref<128xi32, #tpu.memory_space<hbm>>
        %dma_wait3A_233 = arith.constant 0 : i32
        %dma_wait3A_234 = tpu.memref_slice %arg7[%dma_wait3A_227, %dma_wait3A_233] : memref<2x128xi32, #tpu.memory_space<vmem>> -> memref<1x128xi32, #tpu.memory_space<vmem>>
        %dma_wait3A_235 = tpu.memref_squeeze %dma_wait3A_234 : memref<1x128xi32, #tpu.memory_space<vmem>> -> memref<128xi32, #tpu.memory_space<vmem>>
        %dma_wait3A_236 = arith.constant 0 : i32
        %dma_wait3A_237 = tpu.memref_slice %arg3[%dma_wait3A_236] : memref<323840xi32, #tpu.memory_space<hbm>> -> memref<128xi32, #tpu.memory_space<hbm>>
        tpu.wait_dma2 semaphore(%arg23 : memref<!tpu.dma_semaphore, #tpu.memory_space<semaphore_mem>>) src(%dma_wait3A_237 : memref<128xi32, #tpu.memory_space<hbm>>) dst(%dma_wait3A_235 : memref<128xi32, #tpu.memory_space<vmem>>)
        %dma_wait3A_238 = arith.constant 1 : i32
        %dma_wait3A_239 = arith.constant 0 : i32
        %dma_wait3A_240 = tpu.memref_slice %arg8[%dma_wait3A_238, %dma_wait3A_239] : memref<2x128xi32, #tpu.memory_space<vmem>> -> memref<1x128xi32, #tpu.memory_space<vmem>>
        %dma_wait3A_241 = tpu.memref_squeeze %dma_wait3A_240 : memref<1x128xi32, #tpu.memory_space<vmem>> -> memref<128xi32, #tpu.memory_space<vmem>>
        %dma_wait3A_242 = arith.constant 0 : i32
        %dma_wait3A_243 = tpu.memref_slice %arg4[%dma_wait3A_242] : memref<323840xi32, #tpu.memory_space<hbm>> -> memref<128xi32, #tpu.memory_space<hbm>>
        %dma_wait3A_244 = arith.constant 0 : i32
        %dma_wait3A_245 = tpu.memref_slice %arg8[%dma_wait3A_238, %dma_wait3A_244] : memref<2x128xi32, #tpu.memory_space<vmem>> -> memref<1x128xi32, #tpu.memory_space<vmem>>
        %dma_wait3A_246 = tpu.memref_squeeze %dma_wait3A_245 : memref<1x128xi32, #tpu.memory_space<vmem>> -> memref<128xi32, #tpu.memory_space<vmem>>
        %dma_wait3A_247 = arith.constant 0 : i32
        %dma_wait3A_248 = tpu.memref_slice %arg4[%dma_wait3A_247] : memref<323840xi32, #tpu.memory_space<hbm>> -> memref<128xi32, #tpu.memory_space<hbm>>
        tpu.wait_dma2 semaphore(%arg25 : memref<!tpu.dma_semaphore, #tpu.memory_space<semaphore_mem>>) src(%dma_wait3A_248 : memref<128xi32, #tpu.memory_space<hbm>>) dst(%dma_wait3A_246 : memref<128xi32, #tpu.memory_space<vmem>>)
        %dma_wait3A_249 = arith.constant 1 : i32
        %dma_wait3A_250 = arith.constant 0 : i32
        %dma_wait3A_251 = arith.constant 0 : i32
        %dma_wait3A_252 = tpu.memref_slice %arg11[%dma_wait3A_249, %dma_wait3A_250, %dma_wait3A_251] : memref<2x128x16xf32, #tpu.memory_space<vmem>> -> memref<1x128x16xf32, #tpu.memory_space<vmem>>
        %dma_wait3A_253 = tpu.memref_squeeze %dma_wait3A_252 : memref<1x128x16xf32, #tpu.memory_space<vmem>> -> memref<128x16xf32, #tpu.memory_space<vmem>>
        %dma_wait3A_254 = arith.constant 0 : i32
        %dma_wait3A_255 = arith.constant 0 : i32
        %dma_wait3A_256 = tpu.memref_slice %arg21[%dma_wait3A_254, %dma_wait3A_255] : memref<647424x16xf32, #tpu.memory_space<hbm>> -> memref<128x16xf32, #tpu.memory_space<hbm>>
        %dma_wait3A_257 = arith.constant 0 : i32
        %dma_wait3A_258 = arith.constant 0 : i32
        %dma_wait3A_259 = tpu.memref_slice %arg11[%dma_wait3A_249, %dma_wait3A_257, %dma_wait3A_258] : memref<2x128x16xf32, #tpu.memory_space<vmem>> -> memref<1x128x16xf32, #tpu.memory_space<vmem>>
        %dma_wait3A_260 = tpu.memref_squeeze %dma_wait3A_259 : memref<1x128x16xf32, #tpu.memory_space<vmem>> -> memref<128x16xf32, #tpu.memory_space<vmem>>
        %dma_wait3A_261 = arith.constant 0 : i32
        %dma_wait3A_262 = arith.constant 0 : i32
        %dma_wait3A_263 = tpu.memref_slice %arg21[%dma_wait3A_261, %dma_wait3A_262] : memref<647424x16xf32, #tpu.memory_space<hbm>> -> memref<128x16xf32, #tpu.memory_space<hbm>>
        tpu.wait_dma2 semaphore(%arg27 : memref<!tpu.dma_semaphore, #tpu.memory_space<semaphore_mem>>) src(%dma_wait3A_263 : memref<128x16xf32, #tpu.memory_space<hbm>>) dst(%dma_wait3A_260 : memref<128x16xf32, #tpu.memory_space<vmem>>)
        %barrier3A_264 = arith.constant 0 : index
        tpu.barrier barrier_id(%barrier3A_264)
        %add3A_265 = arith.addi %sub3A_75, %mul3A_2 : i32
        "tpu.region"() ({
          %run_scoped3A = tpu.sem_alloc : memref<!tpu.dma_semaphore, #tpu.memory_space<semaphore_mem>>
          %dma_start3A_274 = arith.constant 0 : i32
          %dma_start3A_275 = tpu.memref_slice %arg20[%add3A_265, %dma_start3A_274] : memref<20480x32xf32, #tpu.memory_space<vmem_shared>> -> memref<640x32xf32, #tpu.memory_space<vmem_shared>>
          %dma_start3A_276 = arith.constant 0 : i32
          %dma_start3A_277 = tpu.memref_slice %arg20[%add3A_265, %dma_start3A_276] : memref<20480x32xf32, #tpu.memory_space<vmem_shared>> -> memref<640x32xf32, #tpu.memory_space<vmem_shared>>
          tpu.enqueue_dma source(%dma_start3A_277 : memref<640x32xf32, #tpu.memory_space<vmem_shared>>) target(%arg18 : memref<640x32xf32, #tpu.memory_space<vmem>>) target_semaphore(%run_scoped3A : memref<!tpu.dma_semaphore, #tpu.memory_space<semaphore_mem>>)
          %dma_wait3A_278 = arith.constant 0 : i32
          %dma_wait3A_279 = tpu.memref_slice %arg20[%add3A_265, %dma_wait3A_278] : memref<20480x32xf32, #tpu.memory_space<vmem_shared>> -> memref<640x32xf32, #tpu.memory_space<vmem_shared>>
          %dma_wait3A_280 = arith.constant 0 : i32
          %dma_wait3A_281 = tpu.memref_slice %arg20[%add3A_265, %dma_wait3A_280] : memref<20480x32xf32, #tpu.memory_space<vmem_shared>> -> memref<640x32xf32, #tpu.memory_space<vmem_shared>>
          tpu.wait_dma2 semaphore(%run_scoped3A : memref<!tpu.dma_semaphore, #tpu.memory_space<semaphore_mem>>) src(%dma_wait3A_281 : memref<640x32xf32, #tpu.memory_space<vmem_shared>>) dst(%arg18 : memref<640x32xf32, #tpu.memory_space<vmem>>)
          tpu.yield
        }) : () -> ()
        %add3A_266 = arith.addi %mul3A_54, %mul3A_2 : i32
        "tpu.region"() ({
          %run_scoped3A = tpu.sem_alloc : memref<!tpu.dma_semaphore, #tpu.memory_space<semaphore_mem>>
          %dma_start3A_274 = arith.constant 0 : i32
          %dma_start3A_275 = tpu.memref_slice %arg5[%add3A_266, %dma_start3A_274] : memref<40960x32xf32, #tpu.memory_space<hbm>> -> memref<640x32xf32, #tpu.memory_space<hbm>>
          %dma_start3A_276 = arith.constant 0 : i32
          %dma_start3A_277 = tpu.memref_slice %arg5[%add3A_266, %dma_start3A_276] : memref<40960x32xf32, #tpu.memory_space<hbm>> -> memref<640x32xf32, #tpu.memory_space<hbm>>
          tpu.enqueue_dma source(%dma_start3A_277 : memref<640x32xf32, #tpu.memory_space<hbm>>) target(%arg19 : memref<640x32xf32, #tpu.memory_space<vmem>>) target_semaphore(%run_scoped3A : memref<!tpu.dma_semaphore, #tpu.memory_space<semaphore_mem>>)
          %dma_wait3A_278 = arith.constant 0 : i32
          %dma_wait3A_279 = tpu.memref_slice %arg5[%add3A_266, %dma_wait3A_278] : memref<40960x32xf32, #tpu.memory_space<hbm>> -> memref<640x32xf32, #tpu.memory_space<hbm>>
          %dma_wait3A_280 = arith.constant 0 : i32
          %dma_wait3A_281 = tpu.memref_slice %arg5[%add3A_266, %dma_wait3A_280] : memref<40960x32xf32, #tpu.memory_space<hbm>> -> memref<640x32xf32, #tpu.memory_space<hbm>>
          tpu.wait_dma2 semaphore(%run_scoped3A : memref<!tpu.dma_semaphore, #tpu.memory_space<semaphore_mem>>) src(%dma_wait3A_281 : memref<640x32xf32, #tpu.memory_space<hbm>>) dst(%arg19 : memref<640x32xf32, #tpu.memory_space<vmem>>)
          tpu.yield
        }) : () -> ()
        %scan3A_267 = arith.constant 0 : i32
        %scan3A_268 = arith.constant 640 : i32
        %scan3A_269 = arith.addi %scan3A_267, %scan3A_268 : i32
        %scan3A_270 = arith.constant 1 : i32
        scf.for %scan3A_274 = %scan3A_267 to %scan3A_269 step %scan3A_270  : i32 {
          %mul3A_275 = arith.constant 1 : i32
          %mul3A_276 = arith.muli %scan3A_274, %mul3A_275 : i32
          %add3A_277 = arith.constant 0 : i32
          %add3A_278 = arith.addi %add3A_277, %mul3A_276 : i32
          %get3A = arith.index_cast %add3A_278 : i32 to index
          %get3A_279 = arith.constant 0 : index
          %get3A_280 = tpu.vector_load %arg18[%get3A, %get3A_279] {strides = array<i32>} : memref<640x32xf32, #tpu.memory_space<vmem>>, vector<1x16xf32>,
          %get3A_281 = vector.shape_cast %get3A_280 : vector<1x16xf32> to vector<16xf32>
          %mul3A_282 = arith.constant 8.500000e-01 : f32
          %mul3A_283 = vector.broadcast %mul3A_282 : f32 to vector<16xf32>
          %mul3A_284 = arith.mulf %mul3A_283, %get3A_281 : vector<16xf32>
          %get3A_285 = arith.index_cast %add3A_278 : i32 to index
          %get3A_286 = arith.constant 0 : index
          %get3A_287 = tpu.vector_load %arg19[%get3A_285, %get3A_286] {strides = array<i32>} : memref<640x32xf32, #tpu.memory_space<vmem>>, vector<1x16xf32>,
          %get3A_288 = vector.shape_cast %get3A_287 : vector<1x16xf32> to vector<16xf32>
          %mul3A_289 = arith.constant 1.500000e-01 : f32
          %mul3A_290 = vector.broadcast %mul3A_289 : f32 to vector<16xf32>
          %mul3A_291 = arith.mulf %mul3A_290, %get3A_288 : vector<16xf32>
          %add3A_292 = arith.addf %mul3A_284, %mul3A_291 : vector<16xf32>
          %swap3A = arith.index_cast %add3A_278 : i32 to index
          %swap3A_293 = arith.constant 0 : index
          %swap3A_294 = tpu.vector_load %arg18[%swap3A, %swap3A_293] {strides = array<i32>} : memref<640x32xf32, #tpu.memory_space<vmem>>, vector<1x16xf32>,
          %swap3A_295 = vector.shape_cast %swap3A_294 : vector<1x16xf32> to vector<16xf32>
          %swap3A_296 = vector.shape_cast %add3A_292 : vector<16xf32> to vector<1x16xf32>
          tpu.vector_store %arg18[%swap3A, %swap3A_293], %swap3A_296 {strides = array<i32>} : memref<640x32xf32, #tpu.memory_space<vmem>>, vector<1x16xf32>,
          %get3A_297 = arith.index_cast %add3A_278 : i32 to index
          %get3A_298 = arith.constant 16 : index
          %get3A_299 = tpu.vector_load %arg18[%get3A_297, %get3A_298] {strides = array<i32>} : memref<640x32xf32, #tpu.memory_space<vmem>>, vector<1x16xf32>,
          %get3A_300 = vector.shape_cast %get3A_299 : vector<1x16xf32> to vector<16xf32>
          %mul3A_301 = arith.constant 8.500000e-01 : f32
          %mul3A_302 = vector.broadcast %mul3A_301 : f32 to vector<16xf32>
          %mul3A_303 = arith.mulf %mul3A_302, %get3A_300 : vector<16xf32>
          %get3A_304 = arith.index_cast %add3A_278 : i32 to index
          %get3A_305 = arith.constant 16 : index
          %get3A_306 = tpu.vector_load %arg19[%get3A_304, %get3A_305] {strides = array<i32>} : memref<640x32xf32, #tpu.memory_space<vmem>>, vector<1x16xf32>,
          %get3A_307 = vector.shape_cast %get3A_306 : vector<1x16xf32> to vector<16xf32>
          %mul3A_308 = arith.constant 1.500000e-01 : f32
          %mul3A_309 = vector.broadcast %mul3A_308 : f32 to vector<16xf32>
          %mul3A_310 = arith.mulf %mul3A_309, %get3A_307 : vector<16xf32>
          %add3A_311 = arith.addf %mul3A_303, %mul3A_310 : vector<16xf32>
          %swap3A_312 = arith.index_cast %add3A_278 : i32 to index
          %swap3A_313 = arith.constant 16 : index
          %swap3A_314 = tpu.vector_load %arg18[%swap3A_312, %swap3A_313] {strides = array<i32>} : memref<640x32xf32, #tpu.memory_space<vmem>>, vector<1x16xf32>,
          %swap3A_315 = vector.shape_cast %swap3A_314 : vector<1x16xf32> to vector<16xf32>
          %swap3A_316 = vector.shape_cast %add3A_311 : vector<16xf32> to vector<1x16xf32>
          tpu.vector_store %arg18[%swap3A_312, %swap3A_313], %swap3A_316 {strides = array<i32>} : memref<640x32xf32, #tpu.memory_space<vmem>>, vector<1x16xf32>,
        }
        %scan3A_271 = arith.constant 640 : i32
        %add3A_272 = arith.addi %sub3A_75, %mul3A_2 : i32
        "tpu.region"() ({
          %run_scoped3A = tpu.sem_alloc : memref<!tpu.dma_semaphore, #tpu.memory_space<semaphore_mem>>
          %dma_start3A_274 = arith.constant 0 : i32
          %dma_start3A_275 = tpu.memref_slice %arg20[%add3A_272, %dma_start3A_274] : memref<20480x32xf32, #tpu.memory_space<vmem_shared>> -> memref<640x32xf32, #tpu.memory_space<vmem_shared>>
          %dma_start3A_276 = arith.constant 0 : i32
          %dma_start3A_277 = tpu.memref_slice %arg20[%add3A_272, %dma_start3A_276] : memref<20480x32xf32, #tpu.memory_space<vmem_shared>> -> memref<640x32xf32, #tpu.memory_space<vmem_shared>>
          tpu.enqueue_dma source(%arg18 : memref<640x32xf32, #tpu.memory_space<vmem>>) target(%dma_start3A_277 : memref<640x32xf32, #tpu.memory_space<vmem_shared>>) target_semaphore(%run_scoped3A : memref<!tpu.dma_semaphore, #tpu.memory_space<semaphore_mem>>)
          %dma_wait3A_278 = arith.constant 0 : i32
          %dma_wait3A_279 = tpu.memref_slice %arg20[%add3A_272, %dma_wait3A_278] : memref<20480x32xf32, #tpu.memory_space<vmem_shared>> -> memref<640x32xf32, #tpu.memory_space<vmem_shared>>
          %dma_wait3A_280 = arith.constant 0 : i32
          %dma_wait3A_281 = tpu.memref_slice %arg20[%add3A_272, %dma_wait3A_280] : memref<20480x32xf32, #tpu.memory_space<vmem_shared>> -> memref<640x32xf32, #tpu.memory_space<vmem_shared>>
          tpu.wait_dma2 semaphore(%run_scoped3A : memref<!tpu.dma_semaphore, #tpu.memory_space<semaphore_mem>>) src(%arg18 : memref<640x32xf32, #tpu.memory_space<vmem>>) dst(%dma_wait3A_281 : memref<640x32xf32, #tpu.memory_space<vmem_shared>>)
          tpu.yield
        }) : () -> ()
        %barrier3A_273 = arith.constant 0 : index
        tpu.barrier barrier_id(%barrier3A_273)
      }
      %scan3A_61 = arith.constant 5 : i32
      %add3A_62 = arith.constant 10240 : i32
      %add3A_63 = arith.addi %add3A_62, %mul3A_2 : i32
      %add3A_64 = arith.addi %mul3A_54, %mul3A_2 : i32
      "tpu.region"() ({
        %run_scoped3A = tpu.sem_alloc : memref<!tpu.dma_semaphore, #tpu.memory_space<semaphore_mem>>
        %dma_start3A = arith.constant 0 : i32
        %dma_start3A_66 = tpu.memref_slice %arg6[%add3A_64, %dma_start3A] : memref<40960x32xf32, #tpu.memory_space<hbm>> -> memref<640x32xf32, #tpu.memory_space<hbm>>
        %dma_start3A_67 = arith.constant 0 : i32
        %dma_start3A_68 = tpu.memref_slice %arg20[%add3A_63, %dma_start3A_67] : memref<20480x32xf32, #tpu.memory_space<vmem_shared>> -> memref<640x32xf32, #tpu.memory_space<vmem_shared>>
        tpu.enqueue_dma source(%dma_start3A_68 : memref<640x32xf32, #tpu.memory_space<vmem_shared>>) target(%dma_start3A_66 : memref<640x32xf32, #tpu.memory_space<hbm>>) target_semaphore(%run_scoped3A : memref<!tpu.dma_semaphore, #tpu.memory_space<semaphore_mem>>)
        %dma_wait3A = arith.constant 0 : i32
        %dma_wait3A_69 = tpu.memref_slice %arg6[%add3A_64, %dma_wait3A] : memref<40960x32xf32, #tpu.memory_space<hbm>> -> memref<640x32xf32, #tpu.memory_space<hbm>>
        %dma_wait3A_70 = arith.constant 0 : i32
        %dma_wait3A_71 = tpu.memref_slice %arg20[%add3A_63, %dma_wait3A_70] : memref<20480x32xf32, #tpu.memory_space<vmem_shared>> -> memref<640x32xf32, #tpu.memory_space<vmem_shared>>
        tpu.wait_dma2 semaphore(%run_scoped3A : memref<!tpu.dma_semaphore, #tpu.memory_space<semaphore_mem>>) src(%dma_wait3A_71 : memref<640x32xf32, #tpu.memory_space<vmem_shared>>) dst(%dma_wait3A_69 : memref<640x32xf32, #tpu.memory_space<hbm>>)
        tpu.yield
      }) : () -> ()
      %barrier3A_65 = arith.constant 0 : index
      tpu.barrier barrier_id(%barrier3A_65)
    }
    %scan3A_44 = arith.constant 2 : i32
    return
  }
}

module attributes {stable_mosaic.version = 14 : i64} {
  func.func @_head_body(%arg0: i32, %arg1: memref<1000x128xf32, #tpu.memory_space<vmem>>, %arg2: memref<128x128xf32, #tpu.memory_space<vmem>>, %arg3: memref<128x8xf32, #tpu.memory_space<vmem>>, %arg4: memref<128x8xf32, #tpu.memory_space<vmem>>, %arg5: memref<1x128xf32, #tpu.memory_space<vmem>>, %arg6: memref<1x128xf32, #tpu.memory_space<vmem>>, %arg7: memref<1000x128xf32, #tpu.memory_space<vmem>>, %arg8: memref<1000x128xf32, #tpu.memory_space<vmem>>, %arg9: memref<1000x32xf32, #tpu.memory_space<vmem>>) attributes {dimension_semantics = [#tpu.dimension_semantics<arbitrary>], iteration_bounds = array<i64: 10>, scalar_prefetch = 0 : i64, scratch_operands = 0 : i64, tpu.core_type = #tpu.core_type<tc>, window_params = [{transform_indices = @transform_0, window_bounds = array<i64: 1000, 128>}, {pipeline_mode = #tpu.pipeline_mode<synchronous>, transform_indices = @transform_1, window_bounds = array<i64: 128, 128>}, {pipeline_mode = #tpu.pipeline_mode<synchronous>, transform_indices = @transform_2, window_bounds = array<i64: 128, 8>}, {pipeline_mode = #tpu.pipeline_mode<synchronous>, transform_indices = @transform_3, window_bounds = array<i64: 128, 8>}, {pipeline_mode = #tpu.pipeline_mode<synchronous>, transform_indices = @transform_4, window_bounds = array<i64: 1, 128>}, {pipeline_mode = #tpu.pipeline_mode<synchronous>, transform_indices = @transform_5, window_bounds = array<i64: 1, 128>}, {transform_indices = @transform_6, window_bounds = array<i64: 1000, 128>}, {transform_indices = @transform_7, window_bounds = array<i64: 1000, 128>}, {transform_indices = @transform_8, window_bounds = array<i64: 1000, 32>}]} {
    %get3A = arith.constant 0 : index
    %get3A_0 = arith.constant 0 : index
    %get3A_1 = vector.load %arg1[%get3A, %get3A_0] : memref<1000x128xf32, #tpu.memory_space<vmem>>, vector<1000x128xf32>
    %reduce_sum3A = arith.constant dense<0.000000e+00> : vector<1000xf32>
    %reduce_sum3A_2 = vector.multi_reduction <add>, %get3A_1, %reduce_sum3A [1] : vector<1000x128xf32> to vector<1000xf32>
    %broadcast_in_dim3A = vector.shape_cast %reduce_sum3A_2 : vector<1000xf32> to vector<1000x1xf32>
    %div3A = arith.constant 1.280000e+02 : f32
    %div3A_3 = vector.broadcast %div3A : f32 to vector<1000x1xf32>
    %div3A_4 = arith.divf %broadcast_in_dim3A, %div3A_3 : vector<1000x1xf32>
    %sub3A = vector.broadcast %div3A_4 : vector<1000x1xf32> to vector<1000x128xf32>
    %sub3A_5 = arith.subf %get3A_1, %sub3A : vector<1000x128xf32>
    %mul3A = arith.mulf %sub3A_5, %sub3A_5 : vector<1000x128xf32>
    %reduce_sum3A_6 = arith.constant dense<0.000000e+00> : vector<1000xf32>
    %reduce_sum3A_7 = vector.multi_reduction <add>, %mul3A, %reduce_sum3A_6 [1] : vector<1000x128xf32> to vector<1000xf32>
    %broadcast_in_dim3A_8 = vector.shape_cast %reduce_sum3A_7 : vector<1000xf32> to vector<1000x1xf32>
    %div3A_9 = arith.constant 1.280000e+02 : f32
    %div3A_10 = vector.broadcast %div3A_9 : f32 to vector<1000x1xf32>
    %div3A_11 = arith.divf %broadcast_in_dim3A_8, %div3A_10 : vector<1000x1xf32>
    %add3A = arith.constant 9.99999974E-6 : f32
    %add3A_12 = vector.broadcast %add3A : f32 to vector<1000x1xf32>
    %add3A_13 = arith.addf %div3A_11, %add3A_12 : vector<1000x1xf32>
    %rsqrt3A = math.rsqrt %add3A_13 : vector<1000x1xf32>
    %mul3A_14 = vector.broadcast %rsqrt3A : vector<1000x1xf32> to vector<1000x128xf32>
    %mul3A_15 = arith.mulf %sub3A_5, %mul3A_14 : vector<1000x128xf32>
    %get3A_16 = arith.constant 0 : index
    %get3A_17 = arith.constant 0 : index
    %get3A_18 = vector.load %arg5[%get3A_16, %get3A_17] : memref<1x128xf32, #tpu.memory_space<vmem>>, vector<1x128xf32>
    %mul3A_19 = vector.broadcast %get3A_18 : vector<1x128xf32> to vector<1000x128xf32>
    %mul3A_20 = arith.mulf %mul3A_15, %mul3A_19 : vector<1000x128xf32>
    %get3A_21 = arith.constant 0 : index
    %get3A_22 = arith.constant 0 : index
    %get3A_23 = vector.load %arg6[%get3A_21, %get3A_22] : memref<1x128xf32, #tpu.memory_space<vmem>>, vector<1x128xf32>
    %add3A_24 = vector.broadcast %get3A_23 : vector<1x128xf32> to vector<1000x128xf32>
    %add3A_25 = arith.addf %mul3A_20, %add3A_24 : vector<1000x128xf32>
    %get3A_26 = arith.constant 0 : index
    %get3A_27 = arith.constant 0 : index
    %get3A_28 = vector.load %arg2[%get3A_26, %get3A_27] : memref<128x128xf32, #tpu.memory_space<vmem>>, vector<128x128xf32>
    %dot_general3A = arith.constant dense<0.000000e+00> : vector<1000x128xf32>
    %dot_general3A_29 = tpu.matmul %add3A_25, %get3A_28, %dot_general3A {dimension_numbers = #tpu.dot_dimension_numbers<[1], [0], [0], [1], [0, 0, 1, 1], [], []>, transpose_lhs_hint = false} : vector<1000x128xf32>, vector<128x128xf32>, vector<1000x128xf32> -> vector<1000x128xf32>
    %get3A_30 = arith.constant 0 : index
    %get3A_31 = arith.constant 0 : index
    %get3A_32 = vector.load %arg3[%get3A_30, %get3A_31] : memref<128x8xf32, #tpu.memory_space<vmem>>, vector<128x8xf32>
    %dot_general3A_33 = arith.constant dense<0.000000e+00> : vector<1000x8xf32>
    %dot_general3A_34 = tpu.matmul %dot_general3A_29, %get3A_32, %dot_general3A_33 {dimension_numbers = #tpu.dot_dimension_numbers<[1], [0], [0], [1], [0, 0, 1, 1], [], []>, transpose_lhs_hint = false} : vector<1000x128xf32>, vector<128x8xf32>, vector<1000x8xf32> -> vector<1000x8xf32>
    %get3A_35 = arith.constant 0 : index
    %get3A_36 = arith.constant 0 : index
    %get3A_37 = vector.load %arg4[%get3A_35, %get3A_36] : memref<128x8xf32, #tpu.memory_space<vmem>>, vector<128x8xf32>
    %dot_general3A_38 = arith.constant dense<0.000000e+00> : vector<1000x8xf32>
    %dot_general3A_39 = tpu.matmul %dot_general3A_29, %get3A_37, %dot_general3A_38 {dimension_numbers = #tpu.dot_dimension_numbers<[1], [0], [0], [1], [0, 0, 1, 1], [], []>, transpose_lhs_hint = false} : vector<1000x128xf32>, vector<128x8xf32>, vector<1000x8xf32> -> vector<1000x8xf32>
    %swap3A = arith.constant 0 : index
    %swap3A_40 = arith.constant 0 : index
    %swap3A_41 = vector.load %arg7[%swap3A, %swap3A_40] : memref<1000x128xf32, #tpu.memory_space<vmem>>, vector<1000x128xf32>
    tpu.vector_store %arg7[%swap3A, %swap3A_40], %add3A_25 {strides = array<i32>} : memref<1000x128xf32, #tpu.memory_space<vmem>>, vector<1000x128xf32>,
    %swap3A_42 = arith.constant 0 : index
    %swap3A_43 = arith.constant 0 : index
    %swap3A_44 = vector.load %arg8[%swap3A_42, %swap3A_43] : memref<1000x128xf32, #tpu.memory_space<vmem>>, vector<1000x128xf32>
    tpu.vector_store %arg8[%swap3A_42, %swap3A_43], %dot_general3A_29 {strides = array<i32>} : memref<1000x128xf32, #tpu.memory_space<vmem>>, vector<1000x128xf32>,
    %broadcast_in_dim3A_45 = arith.constant 0.000000e+00 : f32
    %broadcast_in_dim3A_46 = vector.broadcast %broadcast_in_dim3A_45 : f32 to vector<1000x8xf32>
    %concatenate3A = tpu.concatenate %dot_general3A_34, %dot_general3A_39, %broadcast_in_dim3A_46, %broadcast_in_dim3A_46 in 1 : vector<1000x8xf32>, vector<1000x8xf32>, vector<1000x8xf32>, vector<1000x8xf32> -> vector<1000x32xf32>
    %swap3A_47 = arith.constant 0 : index
    %swap3A_48 = arith.constant 0 : index
    %swap3A_49 = vector.load %arg9[%swap3A_47, %swap3A_48] : memref<1000x32xf32, #tpu.memory_space<vmem>>, vector<1000x32xf32>
    tpu.vector_store %arg9[%swap3A_47, %swap3A_48], %concatenate3A {strides = array<i32>} : memref<1000x32xf32, #tpu.memory_space<vmem>>, vector<1000x32xf32>,
    return
  }
  func.func @transform_0(%arg0: i32) -> (i32, i32) {
    %c0_i32 = arith.constant 0 : i32
    %c0_i32_0 = arith.constant 0 : i32
    return %arg0, %c0_i32 : i32, i32
  }
  func.func @transform_1(%arg0: i32) -> (i32, i32) {
    %c0_i32 = arith.constant 0 : i32
    %c0_i32_0 = arith.constant 0 : i32
    %c0_i32_1 = arith.constant 0 : i32
    return %c0_i32, %c0_i32_0 : i32, i32
  }
  func.func @transform_2(%arg0: i32) -> (i32, i32) {
    %c0_i32 = arith.constant 0 : i32
    %c0_i32_0 = arith.constant 0 : i32
    %c0_i32_1 = arith.constant 0 : i32
    return %c0_i32, %c0_i32_0 : i32, i32
  }
  func.func @transform_3(%arg0: i32) -> (i32, i32) {
    %c0_i32 = arith.constant 0 : i32
    %c0_i32_0 = arith.constant 0 : i32
    %c0_i32_1 = arith.constant 0 : i32
    return %c0_i32, %c0_i32_0 : i32, i32
  }
  func.func @transform_4(%arg0: i32) -> (i32, i32) {
    %c0_i32 = arith.constant 0 : i32
    %c0_i32_0 = arith.constant 0 : i32
    %c0_i32_1 = arith.constant 0 : i32
    return %c0_i32, %c0_i32_0 : i32, i32
  }
  func.func @transform_5(%arg0: i32) -> (i32, i32) {
    %c0_i32 = arith.constant 0 : i32
    %c0_i32_0 = arith.constant 0 : i32
    %c0_i32_1 = arith.constant 0 : i32
    return %c0_i32, %c0_i32_0 : i32, i32
  }
  func.func @transform_6(%arg0: i32) -> (i32, i32) {
    %c0_i32 = arith.constant 0 : i32
    %c0_i32_0 = arith.constant 0 : i32
    return %arg0, %c0_i32 : i32, i32
  }
  func.func @transform_7(%arg0: i32) -> (i32, i32) {
    %c0_i32 = arith.constant 0 : i32
    %c0_i32_0 = arith.constant 0 : i32
    return %arg0, %c0_i32 : i32, i32
  }
  func.func @transform_8(%arg0: i32) -> (i32, i32) {
    %c0_i32 = arith.constant 0 : i32
    %c0_i32_0 = arith.constant 0 : i32
    return %arg0, %c0_i32 : i32, i32
  }
}

module attributes {stable_mosaic.version = 14 : i64} {
  func.func @_ffn_body(%arg0: i32, %arg1: memref<1000x128xf32, #tpu.memory_space<vmem>>, %arg2: memref<1x1000x32xf32, #tpu.memory_space<vmem>>, %arg3: memref<1x1000x32xf32, #tpu.memory_space<vmem>>, %arg4: memref<1x1000x32xf32, #tpu.memory_space<vmem>>, %arg5: memref<1x1000x32xf32, #tpu.memory_space<vmem>>, %arg6: memref<1x128xf32, #tpu.memory_space<vmem>>, %arg7: memref<1x128xf32, #tpu.memory_space<vmem>>, %arg8: memref<128x512xf32, #tpu.memory_space<vmem>>, %arg9: memref<1x512xf32, #tpu.memory_space<vmem>>, %arg10: memref<512x128xf32, #tpu.memory_space<vmem>>, %arg11: memref<1x128xf32, #tpu.memory_space<vmem>>, %arg12: memref<1000x128xf32, #tpu.memory_space<vmem>>) attributes {dimension_semantics = [#tpu.dimension_semantics<arbitrary>], iteration_bounds = array<i64: 10>, scalar_prefetch = 0 : i64, scratch_operands = 0 : i64, tpu.core_type = #tpu.core_type<tc>, window_params = [{transform_indices = @transform_0, window_bounds = array<i64: 1000, 128>}, {transform_indices = @transform_1, window_bounds = array<i64: 1, 1000, 32>}, {transform_indices = @transform_2, window_bounds = array<i64: 1, 1000, 32>}, {transform_indices = @transform_3, window_bounds = array<i64: 1, 1000, 32>}, {transform_indices = @transform_4, window_bounds = array<i64: 1, 1000, 32>}, {pipeline_mode = #tpu.pipeline_mode<synchronous>, transform_indices = @transform_5, window_bounds = array<i64: 1, 128>}, {pipeline_mode = #tpu.pipeline_mode<synchronous>, transform_indices = @transform_6, window_bounds = array<i64: 1, 128>}, {pipeline_mode = #tpu.pipeline_mode<synchronous>, transform_indices = @transform_7, window_bounds = array<i64: 128, 512>}, {pipeline_mode = #tpu.pipeline_mode<synchronous>, transform_indices = @transform_8, window_bounds = array<i64: 1, 512>}, {pipeline_mode = #tpu.pipeline_mode<synchronous>, transform_indices = @transform_9, window_bounds = array<i64: 512, 128>}, {pipeline_mode = #tpu.pipeline_mode<synchronous>, transform_indices = @transform_10, window_bounds = array<i64: 1, 128>}, {transform_indices = @transform_11, window_bounds = array<i64: 1000, 128>}]} {
    %get3A = arith.constant 0 : index
    %get3A_0 = arith.constant 0 : index
    %get3A_1 = arith.constant 0 : index
    %get3A_2 = vector.load %arg2[%get3A, %get3A_0, %get3A_1] : memref<1x1000x32xf32, #tpu.memory_space<vmem>>, vector<1x1000x32xf32>
    %get3A_3 = vector.shape_cast %get3A_2 : vector<1x1000x32xf32> to vector<1000x32xf32>
    %get3A_4 = arith.constant 0 : index
    %get3A_5 = arith.constant 0 : index
    %get3A_6 = arith.constant 0 : index
    %get3A_7 = vector.load %arg3[%get3A_4, %get3A_5, %get3A_6] : memref<1x1000x32xf32, #tpu.memory_space<vmem>>, vector<1x1000x32xf32>
    %get3A_8 = vector.shape_cast %get3A_7 : vector<1x1000x32xf32> to vector<1000x32xf32>
    %get3A_9 = arith.constant 0 : index
    %get3A_10 = arith.constant 0 : index
    %get3A_11 = arith.constant 0 : index
    %get3A_12 = vector.load %arg4[%get3A_9, %get3A_10, %get3A_11] : memref<1x1000x32xf32, #tpu.memory_space<vmem>>, vector<1x1000x32xf32>
    %get3A_13 = vector.shape_cast %get3A_12 : vector<1x1000x32xf32> to vector<1000x32xf32>
    %get3A_14 = arith.constant 0 : index
    %get3A_15 = arith.constant 0 : index
    %get3A_16 = arith.constant 0 : index
    %get3A_17 = vector.load %arg5[%get3A_14, %get3A_15, %get3A_16] : memref<1x1000x32xf32, #tpu.memory_space<vmem>>, vector<1x1000x32xf32>
    %get3A_18 = vector.shape_cast %get3A_17 : vector<1x1000x32xf32> to vector<1000x32xf32>
    %concatenate3A = tpu.concatenate %get3A_3, %get3A_8, %get3A_13, %get3A_18 in 1 : vector<1000x32xf32>, vector<1000x32xf32>, vector<1000x32xf32>, vector<1000x32xf32> -> vector<1000x128xf32>
    %get3A_19 = arith.constant 0 : index
    %get3A_20 = arith.constant 0 : index
    %get3A_21 = vector.load %arg1[%get3A_19, %get3A_20] : memref<1000x128xf32, #tpu.memory_space<vmem>>, vector<1000x128xf32>
    %add3A = arith.addf %concatenate3A, %get3A_21 : vector<1000x128xf32>
    %reduce_sum3A = arith.constant dense<0.000000e+00> : vector<1000xf32>
    %reduce_sum3A_22 = vector.multi_reduction <add>, %add3A, %reduce_sum3A [1] : vector<1000x128xf32> to vector<1000xf32>
    %broadcast_in_dim3A = vector.shape_cast %reduce_sum3A_22 : vector<1000xf32> to vector<1000x1xf32>
    %div3A = arith.constant 1.280000e+02 : f32
    %div3A_23 = vector.broadcast %div3A : f32 to vector<1000x1xf32>
    %div3A_24 = arith.divf %broadcast_in_dim3A, %div3A_23 : vector<1000x1xf32>
    %sub3A = vector.broadcast %div3A_24 : vector<1000x1xf32> to vector<1000x128xf32>
    %sub3A_25 = arith.subf %add3A, %sub3A : vector<1000x128xf32>
    %mul3A = arith.mulf %sub3A_25, %sub3A_25 : vector<1000x128xf32>
    %reduce_sum3A_26 = arith.constant dense<0.000000e+00> : vector<1000xf32>
    %reduce_sum3A_27 = vector.multi_reduction <add>, %mul3A, %reduce_sum3A_26 [1] : vector<1000x128xf32> to vector<1000xf32>
    %broadcast_in_dim3A_28 = vector.shape_cast %reduce_sum3A_27 : vector<1000xf32> to vector<1000x1xf32>
    %div3A_29 = arith.constant 1.280000e+02 : f32
    %div3A_30 = vector.broadcast %div3A_29 : f32 to vector<1000x1xf32>
    %div3A_31 = arith.divf %broadcast_in_dim3A_28, %div3A_30 : vector<1000x1xf32>
    %add3A_32 = arith.constant 9.99999974E-6 : f32
    %add3A_33 = vector.broadcast %add3A_32 : f32 to vector<1000x1xf32>
    %add3A_34 = arith.addf %div3A_31, %add3A_33 : vector<1000x1xf32>
    %rsqrt3A = math.rsqrt %add3A_34 : vector<1000x1xf32>
    %mul3A_35 = vector.broadcast %rsqrt3A : vector<1000x1xf32> to vector<1000x128xf32>
    %mul3A_36 = arith.mulf %sub3A_25, %mul3A_35 : vector<1000x128xf32>
    %get3A_37 = arith.constant 0 : index
    %get3A_38 = arith.constant 0 : index
    %get3A_39 = vector.load %arg6[%get3A_37, %get3A_38] : memref<1x128xf32, #tpu.memory_space<vmem>>, vector<1x128xf32>
    %mul3A_40 = vector.broadcast %get3A_39 : vector<1x128xf32> to vector<1000x128xf32>
    %mul3A_41 = arith.mulf %mul3A_36, %mul3A_40 : vector<1000x128xf32>
    %get3A_42 = arith.constant 0 : index
    %get3A_43 = arith.constant 0 : index
    %get3A_44 = vector.load %arg7[%get3A_42, %get3A_43] : memref<1x128xf32, #tpu.memory_space<vmem>>, vector<1x128xf32>
    %add3A_45 = vector.broadcast %get3A_44 : vector<1x128xf32> to vector<1000x128xf32>
    %add3A_46 = arith.addf %mul3A_41, %add3A_45 : vector<1000x128xf32>
    %get3A_47 = arith.constant 0 : index
    %get3A_48 = arith.constant 0 : index
    %get3A_49 = vector.load %arg8[%get3A_47, %get3A_48] : memref<128x512xf32, #tpu.memory_space<vmem>>, vector<128x512xf32>
    %dot_general3A = arith.constant dense<0.000000e+00> : vector<1000x512xf32>
    %dot_general3A_50 = tpu.matmul %add3A_46, %get3A_49, %dot_general3A {dimension_numbers = #tpu.dot_dimension_numbers<[1], [0], [0], [1], [0, 0, 1, 1], [], []>, transpose_lhs_hint = false} : vector<1000x128xf32>, vector<128x512xf32>, vector<1000x512xf32> -> vector<1000x512xf32>
    %get3A_51 = arith.constant 0 : index
    %get3A_52 = arith.constant 0 : index
    %get3A_53 = vector.load %arg9[%get3A_51, %get3A_52] : memref<1x512xf32, #tpu.memory_space<vmem>>, vector<1x512xf32>
    %add3A_54 = vector.broadcast %get3A_53 : vector<1x512xf32> to vector<1000x512xf32>
    %add3A_55 = arith.addf %dot_general3A_50, %add3A_54 : vector<1000x512xf32>
    %max3A = arith.constant 0.000000e+00 : f32
    %max3A_56 = vector.broadcast %max3A : f32 to vector<1000x512xf32>
    %max3A_57 = arith.maximumf %add3A_55, %max3A_56 : vector<1000x512xf32>
    %get3A_58 = arith.constant 0 : index
    %get3A_59 = arith.constant 0 : index
    %get3A_60 = vector.load %arg10[%get3A_58, %get3A_59] : memref<512x128xf32, #tpu.memory_space<vmem>>, vector<512x128xf32>
    %dot_general3A_61 = arith.constant dense<0.000000e+00> : vector<1000x128xf32>
    %dot_general3A_62 = tpu.matmul %max3A_57, %get3A_60, %dot_general3A_61 {dimension_numbers = #tpu.dot_dimension_numbers<[1], [0], [0], [1], [0, 0, 1, 1], [], []>, transpose_lhs_hint = false} : vector<1000x512xf32>, vector<512x128xf32>, vector<1000x128xf32> -> vector<1000x128xf32>
    %get3A_63 = arith.constant 0 : index
    %get3A_64 = arith.constant 0 : index
    %get3A_65 = vector.load %arg11[%get3A_63, %get3A_64] : memref<1x128xf32, #tpu.memory_space<vmem>>, vector<1x128xf32>
    %add3A_66 = vector.broadcast %get3A_65 : vector<1x128xf32> to vector<1000x128xf32>
    %add3A_67 = arith.addf %dot_general3A_62, %add3A_66 : vector<1000x128xf32>
    %add3A_68 = arith.addf %add3A_67, %add3A : vector<1000x128xf32>
    %swap3A = arith.constant 0 : index
    %swap3A_69 = arith.constant 0 : index
    %swap3A_70 = vector.load %arg12[%swap3A, %swap3A_69] : memref<1000x128xf32, #tpu.memory_space<vmem>>, vector<1000x128xf32>
    tpu.vector_store %arg12[%swap3A, %swap3A_69], %add3A_68 {strides = array<i32>} : memref<1000x128xf32, #tpu.memory_space<vmem>>, vector<1000x128xf32>,
    return
  }
  func.func @transform_0(%arg0: i32) -> (i32, i32) {
    %c0_i32 = arith.constant 0 : i32
    %c0_i32_0 = arith.constant 0 : i32
    return %arg0, %c0_i32 : i32, i32
  }
  func.func @transform_1(%arg0: i32) -> (i32, i32, i32) {
    %c0_i32 = arith.constant 0 : i32
    %c0_i32_0 = arith.constant 0 : i32
    %c0_i32_1 = arith.constant 0 : i32
    return %c0_i32, %arg0, %c0_i32_0 : i32, i32, i32
  }
  func.func @transform_2(%arg0: i32) -> (i32, i32, i32) {
    %c1_i32 = arith.constant 1 : i32
    %c0_i32 = arith.constant 0 : i32
    %c0_i32_0 = arith.constant 0 : i32
    return %c1_i32, %arg0, %c0_i32 : i32, i32, i32
  }
  func.func @transform_3(%arg0: i32) -> (i32, i32, i32) {
    %c2_i32 = arith.constant 2 : i32
    %c0_i32 = arith.constant 0 : i32
    %c0_i32_0 = arith.constant 0 : i32
    return %c2_i32, %arg0, %c0_i32 : i32, i32, i32
  }
  func.func @transform_4(%arg0: i32) -> (i32, i32, i32) {
    %c3_i32 = arith.constant 3 : i32
    %c0_i32 = arith.constant 0 : i32
    %c0_i32_0 = arith.constant 0 : i32
    return %c3_i32, %arg0, %c0_i32 : i32, i32, i32
  }
  func.func @transform_5(%arg0: i32) -> (i32, i32) {
    %c0_i32 = arith.constant 0 : i32
    %c0_i32_0 = arith.constant 0 : i32
    %c0_i32_1 = arith.constant 0 : i32
    return %c0_i32, %c0_i32_0 : i32, i32
  }
  func.func @transform_6(%arg0: i32) -> (i32, i32) {
    %c0_i32 = arith.constant 0 : i32
    %c0_i32_0 = arith.constant 0 : i32
    %c0_i32_1 = arith.constant 0 : i32
    return %c0_i32, %c0_i32_0 : i32, i32
  }
  func.func @transform_7(%arg0: i32) -> (i32, i32) {
    %c0_i32 = arith.constant 0 : i32
    %c0_i32_0 = arith.constant 0 : i32
    %c0_i32_1 = arith.constant 0 : i32
    return %c0_i32, %c0_i32_0 : i32, i32
  }
  func.func @transform_8(%arg0: i32) -> (i32, i32) {
    %c0_i32 = arith.constant 0 : i32
    %c0_i32_0 = arith.constant 0 : i32
    %c0_i32_1 = arith.constant 0 : i32
    return %c0_i32, %c0_i32_0 : i32, i32
  }
  func.func @transform_9(%arg0: i32) -> (i32, i32) {
    %c0_i32 = arith.constant 0 : i32
    %c0_i32_0 = arith.constant 0 : i32
    %c0_i32_1 = arith.constant 0 : i32
    return %c0_i32, %c0_i32_0 : i32, i32
  }
  func.func @transform_10(%arg0: i32) -> (i32, i32) {
    %c0_i32 = arith.constant 0 : i32
    %c0_i32_0 = arith.constant 0 : i32
    %c0_i32_1 = arith.constant 0 : i32
    return %c0_i32, %c0_i32_0 : i32, i32
  }
  func.func @transform_11(%arg0: i32) -> (i32, i32) {
    %c0_i32 = arith.constant 0 : i32
    %c0_i32_0 = arith.constant 0 : i32
    return %arg0, %c0_i32 : i32, i32
  }
}

</mosaic_0001>

<sc_bundles>
// kernel: kernel.5.cloned.1.call-start
scs
__scs_entry_jumppad:
0x0: {  	(pc) =	sbr.rel $0x88, $3  }
0x1: {  	(tag) =	ssettag $0x0;
	lr =	simm.s32 $0x1  }
0x2: {  	[smem:$0x3F94] =	sst lr;
	_ =	strace $0xD0000000  }
0x3: {  	_ = 	snop  }
0x4: {  	_ = 	snop  }
0x5: {  	_ = 	snop  }
0x6: {  	_ = 	snop  }
0x7: {  	_ = 	snop  }
__scs_overlays_trampoline_lowered:
0x8: {  	[smem:$0x3FA3] =	sst s0  }
0x9: {  	[smem:$0x3FA4] =	sst s1  }
0xa: {  	[smem:$0x3FA5] =	sst s2  }
0xb: {  	[smem:$0x3FA6] =	sst s3  }
0xc: {  	[smem:$0x3FA7] =	sst s4  }
0xd: {  	[smem:$0x3FA8] =	sst s5  }
0xe: {  	[smem:$0x3FA9] =	sst s6  }
0xf: {  	[smem:$0x3FAA] =	sst s7  }
0x10: {  	[smem:$0x3FAB] =	sst s8  }
0x11: {  	[smem:$0x3FAC] =	sst s9;
	s0 =	simm.s32 @!p0 $0x0  }
0x12: {  	s1 =	sld [smem:$0x3F92];
	s0 =	simm.s32 @p0 $0x1  }
0x13: {  	[smem:$0x3FAD] =	sst s0;
	s0 =	simm.s32 @!p1 $0x0  }
0x14: {  	s2 =	sld [smem:$0x3F91];
	s0 =	simm.s32 @p1 $0x1  }
0x15: {  	[smem:$0x3FAE] =	sst s0;
	s0 =	simm.s32 @!p2 $0x0  }
0x16: {  	s3 =	sld [smem:$0x3FDB];
	s0 =	simm.s32 @p2 $0x1  }
0x17: {  	s4 =	simm.s32 $0x1BF5;
	[smem:$0x3FB0] =	sst s0  }
0x18: {  	s0 =	sld [smem:$0x3F93];
	_ =	swait.ge [sflag:s4], $0x0  }
0x19: {  	s7 =	sld [smem:$0x3F94]  }
0x1a: {  	s8 =	sadd.s32 $0xFFFFE003, lr  }
0x1b: {  	s9 =	sadd.s32 $0xFFFFFEF7, lr;
	s5 =	simm.s32 $0xFFFFFFFF;
	p2 =	slt.u32 s8, $0xFFFFF086  }
0x1c: {  	p1 =	slt.u32 s9, $0xF7A;
	s5 =	simm.s32 @!p2 $0x0  }
0x1d: {  	s5 =	simm.s32 @p1 $0x1;
	p0 =	seq.s32 s7, s2  }
0x1e: {  	s7 =	smul.u32 @!p0 $0xF7A, s2;
	p2 =	seq.s32 @!p0 s5, $0x0  }
0x1f: {  	s9 =	smul.u32 $0xF7A, s1;
	s8 =	simm.s32 @!p0 $0x1BF5;
	p2 =	por !p2, p0  }
0x20: {  	[sflag:s8] =	ssyncset.s32 @!p0 $0xFFFFF086;
	s6 =	sadd.s32 @!p0 s3, s7;
	s7 =	simm.s32 @!p0 $0x108  }
0x21: {  	s3 =	sadd.s32 s3, s9;
	s6 =	sadd.s32 @!p0 $0x88, s6;
	s7 =	simm.s32 @p2 $0x1082  }
0x22: {  	[simem:s7], [sflag:s8] =	dma.local @!p0 [hbm:s6], $0xF7A  }
0x23: {  	s9 =	sor.u32 $0xD0000000, s2;
	s6 =	simm.s32 $0x108;
	_ =	swait.ge @!p0 [sflag:s8], $0x0  }
0x24: {  	s3 =	sadd.s32 $0x88, s3;
	s6 =	simm.s32 @!p1 $0x1082;
	[sflag:s4] =	ssyncset.s32 $0xFFFFF086  }
0x25: {  	[simem:s6], [sflag:s4] =	dma.local [hbm:s3], $0xF7A  }
0x26: {  	[smem:$0x3F94] =	sst s1;
	(tag) =	ssettag s2;
	_ =	strace s9  }
0x27: {  	s1 =	sld [smem:$0x3FA4]  }
0x28: {  	s2 =	sld [smem:$0x3FA5]  }
0x29: {  	s4 =	sld [smem:$0x3FA7]  }
0x2a: {  	p0 =	seq.s32 s5, $0x0;
	s5 =	sld [smem:$0x3FA8]  }
0x2b: {  	s6 =	sld [smem:$0x3FA9]  }
0x2c: {  	s7 =	sld [smem:$0x3FAA]  }
0x2d: {  	s3 =	simm.s32 $0x108;
	s8 =	sld [smem:$0x3FAB]  }
0x2e: {  	s3 =	simm.s32 @!p0 $0x1082;
	s9 =	sld [smem:$0x3FAC]  }
0x2f: {  	lr =	sadd.s32 s0, s3;
	s0 =	sld [smem:$0x3FA3]  }
0x30: {  	s3 =	sld [smem:$0x3FA6]  }
0x31: {  	[smem:$0x3FAF] =	sst s10  }
0x32: {  	s10 =	sld [smem:$0x3FAD];
	_ =	sdelay $0x3  }
0x33: {  	p0 =	seq.s32 s10, $0x1;
	s10 =	sld [smem:$0x3FAF];
	_ =	sdelay $0x3  }
0x34: {  	[smem:$0x3FAF] =	sst s10  }
0x35: {  	s10 =	sld [smem:$0x3FAE];
	_ =	sdelay $0x3  }
0x36: {  	p1 =	seq.s32 s10, $0x1;
	s10 =	sld [smem:$0x3FAF];
	_ =	sdelay $0x3  }
0x37: {  	[smem:$0x3FAF] =	sst s10  }
0x38: {  	s10 =	sld [smem:$0x3FB0]  }
0x39: {  	_ = 	snop;
	(pc) =	sbr.ind lr, $3  }
0x3a: {  	_ = 	snop  }
0x3b: {  	_ = 	snop  }
0x3c: {  	p2 =	seq.s32 s10, $0x1;
	s10 =	sld [smem:$0x3FAF]  }
0x3d: {  	_ =	shalt  }
0x3e: {  	_ =	shalt  }
0x3f: {  	_ =	shalt  }
0x40: {  	_ =	shalt  }
0x41: {  	_ =	shalt  }
0x42: {  	_ =	shalt  }
0x43: {  	_ =	shalt  }
0x44: {  	_ =	shalt  }
0x45: {  	_ =	shalt  }
0x46: {  	_ =	shalt  }
0x47: {  	_ =	shalt  }
0x48: {  	_ =	shalt  }
0x49: {  	_ =	shalt  }
0x4a: {  	_ =	shalt  }
0x4b: {  	_ =	shalt  }
0x4c: {  	_ =	shalt  }
0x4d: {  	_ =	shalt  }
0x4e: {  	_ =	shalt  }
0x4f: {  	_ =	shalt  }
0x50: {  	_ =	shalt  }
0x51: {  	_ =	shalt  }
0x52: {  	_ =	shalt  }
0x53: {  	_ =	shalt  }
0x54: {  	_ =	shalt  }
0x55: {  	_ =	shalt  }
0x56: {  	_ =	shalt  }
0x57: {  	_ =	shalt  }
0x58: {  	_ =	shalt  }
0x59: {  	_ =	shalt  }
0x5a: {  	_ =	shalt  }
0x5b: {  	_ =	shalt  }
0x5c: {  	_ =	shalt  }
0x5d: {  	_ =	shalt  }
0x5e: {  	_ =	shalt  }
0x5f: {  	_ =	shalt  }
0x60: {  	_ =	shalt  }
0x61: {  	_ =	shalt  }
0x62: {  	_ =	shalt  }
0x63: {  	_ =	shalt  }
0x64: {  	_ =	shalt  }
0x65: {  	_ =	shalt  }
0x66: {  	_ =	shalt  }
0x67: {  	_ =	shalt  }
0x68: {  	_ =	shalt  }
0x69: {  	_ =	shalt  }
0x6a: {  	_ =	shalt  }
0x6b: {  	_ =	shalt  }
0x6c: {  	_ =	shalt  }
0x6d: {  	_ =	shalt  }
0x6e: {  	_ =	shalt  }
0x6f: {  	_ =	shalt  }
0x70: {  	_ =	shalt  }
0x71: {  	_ =	shalt  }
0x72: {  	_ =	shalt  }
0x73: {  	_ =	shalt  }
0x74: {  	_ =	shalt  }
0x75: {  	_ =	shalt  }
0x76: {  	_ =	shalt  }
0x77: {  	_ =	shalt  }
0x78: {  	_ =	shalt  }
0x79: {  	_ =	shalt  }
0x7a: {  	_ =	shalt  }
0x7b: {  	_ =	shalt  }
0x7c: {  	_ =	shalt  }
0x7d: {  	_ =	shalt  }
0x7e: {  	_ =	shalt  }
0x7f: {  	_ =	shalt  }
0x80: {  	_ =	shalt  }
0x81: {  	_ =	shalt  }
0x82: {  	_ =	shalt  }
0x83: {  	_ =	shalt  }
0x84: {  	_ =	shalt  }
0x85: {  	_ =	shalt  }
0x86: {  	_ =	shalt  }
0x87: {  	_ =	shalt  }
.Lfunc_end0:
.L_simem_size_0:
called_computation_lowered:
.L_overlay_start_0:
0x88: {  	s2 =	sld [smem:$0x3FD9]  }
0x89: {  	s3 =	sld [smem:$0x3FFE];
	_ =	sdelay $0x1  }
0x8a: {  	s1 =	srdreg.scid  }
0x8b: {  	s0 =	sand.u32 $0x1, s1  }
0x8c: {  	s18 =	sshll.u32 s0, $0xA;
	s2 =	sadd.s32 s3, s2  }
0x8d: {  	s3 =	sadd.s32 s2, s18  }
0x8e: {  	[smem:$0x3FBB] =	sst s3  }
0x8f: {  	_ = 	snop  }
0x90: {  	s3 =	sld [smem:$0x3FD0];
	(tm) =	ssettm $0x1  }
0x91: {  	s4 =	sld [smem:$0x3FFB];
	_ =	sdelay $0x3  }
0x92: {  	_ =	strace s4  }
0x93: {  	s4 =	sld [smem:$0x3FFC];
	_ =	sdelay $0x3  }
0x94: {  	_ =	strace s4  }
0x95: {  	s4 =	sld [smem:$0x3FFD];
	_ =	sdelay $0x3  }
0x96: {  	_ =	strace s4  }
0x97: {  	_ =	strace $0x8FFFFFFF  }
0x98: {  	s19 =	sld [smem:$0x3FDB];
	_ =	sdelay $0x1  }
0x99: {  	s5 =	simm.s32 $_scs_section_size  }
0x9a: {  	s6 =	simm.s32 $_size__tile_overlayer_lowered;
	s7 =	simm.s32 $_tile_overlayer_lowered  }
0x9b: {  	s22 =	simm.s32 $0x1BFF;
	s21 =	sshll.u32 s7, $0x1;
	s4 =	sadd.s32 s5, s19  }
0x9c: {  	s8 =	simm.s32 $0x0;
	s20 =	sshll.u32 s6, $0x1;
	s6 =	sadd.s32 s21, s4  }
0x9d: {  	[timem:s8], [sflag:s22] =	dma.local [hbm:s6], s20  }
0x9e: {  	_ =	swait.ge [sflag:s22], s20  }
0x9f: {  	s5 =	ssub.s32 $0x0, s20;
	[sflag:s22] =	ssyncset.done $0x0  }
0xa0: {  	[sflag:s22] =	ssyncadd.s32 s5;
	_ =	sdelay $0x1  }
0xa1: {  	s23 =	simm.s32 $0x1B8B  }
0xa2: {  	_ =	swait.ge [sflag:s23], $0x1  }
0xa3: {  	[sflag:s23] =	ssyncset.done $0x0  }
0xa4: {  	s25 =	simm.s32 $0x1B8E;
	s24 =	sld [smem:$0x3FFE];
	[sflag:s23] =	ssyncadd.s32 $0xFFFFFFFF  }
0xa5: {  	s26 =	simm.s32 $execute0_lowered;
	[smem:$0x3FD2] =	sst s25  }
0xa6: {  	s6 =	sshll.u32 s26, $0x1;
	_ =	strace $0x80000046;
	[dreg:$0x1] =	wrdreg $0xFFFFFFFF  }
0xa7: {  	s28 =	simm.s32 $_size_execute0_lowered;
	s4 =	sadd.s32 s4, s6;
	[dreg:$0x0] =	wrdreg $0x0  }
0xa8: {  	s6 =	sshll.u32 s28, $0x1;
	[dreg:$0x2] =	wrdreg s4  }
0xa9: {  	[dreg:$0x3] =	wrdreg s6  }
0xaa: {  	[dreg:$0x4] =	wrdreg $0xC0  }
0xab: {  	_ =	task [dreg:s8], $0x5FFFF  }
0xac: {  	[dreg:$0x1] =	wrdreg $0xFFFFFFFF  }
0xad: {  	[dreg:$0x0] =	wrdreg $0x60  }
0xae: {  	[dreg:$0x2] =	wrdreg s3  }
0xaf: {  	[dreg:$0x3] =	wrdreg s24  }
0xb0: {  	s2 =	sadd.s32 $0x800, s2;
	[dreg:$0x4] =	wrdreg $0x134000  }
0xb1: {  	[dreg:$0x5] =	wrdreg s2  }
0xb2: {  	[dreg:$0x6] =	wrdreg $0x9  }
0xb3: {  	_ =	task.clear_ibuf [dreg:s8], $0x7FFFF;
	_ =	strace $0x90000046  }
0xb4: {  	s29 =	simm.s32 $0x9;
	_ =	strace $0x80000048  }
0xb5: {  	_ =	swait.ge [sflag:s29], $0x1  }
0xb6: {  	[sflag:s29] =	ssyncadd.s32 $0xFFFFFFFF  }
0xb7: {  	_ =	strace $0x90000048  }
0xb8: {  	_ =	sfence  }
0xb9: {  	s30 =	sld [smem:$0x0];
	_ =	sdelay $0x2  }
0xba: {  	s31 =	sshll.u32 s1, $0xD;
	s1 =	sshrl.u32 s1, $0x2  }
0xbb: {  	s3 =	sand.u32 $0x4000, s31;
	s1 =	sadd.s32 s1, s30  }
0xbc: {  	s0 =	sor.u32 s3, s0;
	s1 =	sshll.u32 s1, $0x11  }
0xbd: {  	s0 =	sor.u32 s1, s0  }
0xbe: {  	s0 =	sadd.s32 $0x8F2B, s0  }
0xbf: {  	[sflag:s0] =	ssyncadd.remote.s32 $0x1  }
0xc0: {  	_ =	sfence.sel $0xFFFF  }
0xc1: {  	[dreg:$0x0] =	wrdreg $0xFFFFFFFF;
	(pc) =	sbr.abs _section_cstart, $3  }
0xc2: {  	[dreg:$0x1] =	wrdreg $0xFFFFFFFF  }
0xc3: {  	_ =	task.clear_ibuf [dreg:s8], $0x2FFFF;
	_ =	strace $0x9FFFFFFF  }
0xc4: {  	(tm) =	ssettm $0x7FFFFFFF  }
0xc5: {  	_ =	shalt  }
tec
execute0_lowered:
.L_overlay_start_1:
0x0: {  	(tag) =	ssettag $0x1  }
0x1: {  	s0 =	rddreg [dreg:$0x0]  }
0x2: {  	s3 =	rddreg [dreg:$0x1]  }
0x3: {  	s1 =	rddreg [dreg:$0x2]  }
0x4: {  	s2 =	rddreg [dreg:$0x3];
	s4 =	simm.s32 $0x0  }
0x5: {  	s11 =	srdreg.scid;
	s10 =	stileid.u32;
	s28 =	simm.s32 $0x9  }
0x6: {  	[smem:$0x7FF] =	sst s4;
	s4 =	sand.u32 $0x1, s11;
	s11 =	smul.u32 $0x4F00, s10  }
0x7: {  	s30 =	simm.s32 $0x9400;
	s31 =	simm.s32 $0x1;
	s9 =	smul.u32 $0x14000, s10  }
0x8: {  	s5 =	sadd.s32 $0x1400, s3;
	s6 =	sadd.s32 $0xB400, s3;
	s14 =	smul.u32 $0x280, s10  }
0x9: {  	s8 =	sadd.s32 $0xB5400, s3;
	s3 =	sadd.s32 $0x15400, s3;
	s16 =	smul.u32 $0x5000, s10  }
0xa: {  	s10 =	sshll.u32 s10, $0x6;
	_ =	strace $0x80000047;
	[dreg:$0x6] =	wrdreg s8  }
0xb: {  	s7 =	ssub.s32 $0x2, s4;
	[dreg:$0x7] =	wrdreg s3;
	s18 =	sshll.u32 s4, $0x2  }
0xc: {  	s20 =	sor.u32 $0x1C09, s10;
	s8 =	simm.s32 $0x8;
	s10 =	simm.s32 $0x8400  }
0xd: {  	s12 =	sshrl.u32 s7, $0x1;
	[dreg:$0x8] =	wrdreg s14;
	s15 =	sshrl.u32 s9, $0x2  }
0xe: {  	s9 =	sadd.s32 $0x4, s18;
	s17 =	sshrl.u32 s16, $0x3;
	s19 =	sshrl.u32 s11, $0x3  }
0xf: {  	s21 =	sadd.s32 s16, s1;
	s24 =	sor.u32 $0x80, s11;
	[dreg:$0x5] =	wrdreg s11  }
0x10: {  	s14 =	simm.s32 $0x7;
	s16 =	simm.s32 $0x5400;
	[dreg:$0x9] =	wrdreg s18  }
0x11: {  	v2 =	vmov s18;
	s18 =	simm.s32 $0x2;
	[dreg:$0xc] =	wrdreg s20;
	s13 =	ssub.s32 s7, s12  }
0x12: {  	s12 =	smul.u32 $0x4F000, s4;
	s7 =	sadd.s32 s15, s1;
	s0 =	sadd.s32 s0, s17  }
0x13: {  	[dreg:$0xd] =	wrdreg s21;
	s4 =	sshll.u32 s4, $0x1;
	s22 =	sadd.s32 s5, s19  }
0x14: {  	s25 =	sshrl.u32 s24, $0x3;
	s21 =	simm.s32 $0x1400;
	[dreg:$0xb] =	wrdreg s0  }
0x15: {  	s17 =	simm.s32 $0x5;
	s15 =	simm.s32 $0xC00;
	[dreg:$0xe] =	wrdreg s4  }
0x16: {  	v0 =	vmov s9;
	s9 =	simm.s32 $0x0;
	s7 =	sadd.s32 $0x50000, s7;
	[dreg:$0xf] =	wrdreg s22  }
0x17: {  	s0 =	sadd.s32 s6, s19;
	s26 =	sadd.s32 s5, s25;
	[dreg:$0xa] =	wrdreg s7  }
0x18: {  	s3 =	smax.u32 s13, $0x1;
	s13 =	simm.s32 $0x200;
	[dreg:$0x10] =	wrdreg s0  }
0x19: {  	s19 =	simm.s32 $0x4;
	s23 =	sadd.s32 s11, s12;
	[dreg:$0x11] =	wrdreg s26  }
0x1a: {  	s4 =	sadd.s32 s12, s24;
	s7 =	sadd.s32 s6, s25;
	[dreg:$0x13] =	wrdreg s3  }
0x1b: {  	s25 =	sadd.s32 $0x100, s11;
	s26 =	sadd.s32 $0x180, s11;
	s11 =	simm.s32 $0x400  }
0x1c: {  	v1 =	vlaneseq.u32;
	s24 =	simm.s32 $0x380;
	s0 =	sshll.u32 s23, $0x1;
	[dreg:$0x12] =	wrdreg s7  }
0x1d: {  	v3 =	vadd.s32 $0x1, v1;
	s4 =	sshll.u32 s4, $0x1;
	s7 =	simm.s32 $0x180;
	s0 =	sadd.s32 s0, s2  }
0x1e: {  	vm0 =	vlt.u32 v2, v3;
	vm1 =	vgt.u32 v0, v1;
	s23 =	simm.s32 $0x6;
	s29 =	sadd.s32 s4, s2;
	[dreg:$0x14] =	wrdreg s0  }
0x1f: {  	v0 =	vimm.f32 $0.0e+00;
	v1 =	vor.u32 $0x8, v1;
	vm0 =	vmand vm0, vm1;
	s4 =	simm.s32 $0x80;
	[dreg:$0x15] =	wrdreg s29;
	s0 =	simm.s32 $0x3  }
.LBB2_1:
0x20: {  	[dreg:$0x16] =	wrdreg s9  }
0x21: {  	s3 =	rddreg [dreg:$0xa]  }
0x22: {  	s29 =	rddreg [dreg:$0xb];
	s22 =	sshrl.u32 s3, $0x3  }
0x23: {  	[dreg:$0x17] =	wrdreg s22  }
0x24: {  	[spmem:s22], [sflag:s20] =	dma.local [hbm:s29], $0xA00  }
0x25: {  	_ =	swait.ge [sflag:s28], $0xA00  }
0x26: {  	[sflag:s28] =	ssyncset.done $0x0  }
0x27: {  	s9 =	simm.s32 $0x0;
	s3 =	simm.s32 $0x80;
	[sflag:s28] =	ssyncadd.s32 $0xFFFFF600  }
.LBB2_2:
0x28: {  	p0 =	sne.s32 s3, $0x13F80;
	[tilespmem:s9+$0x9400] =	vst v0;
	s20 =	smov.u32 s3;
	s3 =	sadd.s32 $0x80, s3  }
.Ltmp0:
0x29: {  	[tilespmem:s9+$0x9410] =	vst v0;
	(pc) =	sbr.rel @p0 .LBB2_2-.Ltmp0, $2  }
0x2a: {  	_ =	sdelay $0x2  }
0x2b: {  	s9 =	sshra.s32 s20, $0x2  }
0x2c: {  	[tilespmem:s9+$0x9400] =	vst v0  }
0x2d: {  	[tilespmem:s9+$0x9410] =	vst v0;
	s3 =	rddreg [dreg:$0xd]  }
0x2e: {  	[spmem:s3] =	stream.linear.scatter [tilespmem:s30], [sflag:$0x9], $0x5000, $0x38;
	[tilespmem:$0x1D400] =	vst v63  }
0x2f: {  	_ =	swait.ge [sflag:s28], $0x5000  }
0x30: {  	[sflag:s28] =	ssyncset.done $0x0  }
0x31: {  	s9 =	simm.s32 $0x0;
	s3 =	simm.s32 $0x80;
	[sflag:s28] =	ssyncadd.s32 $0xFFFFB000  }
.LBB2_4:
0x32: {  	p0 =	sne.s32 s3, $0x3F80;
	[tilespmem:s9+$0x3400] =	vst v0;
	s20 =	smov.u32 s3;
	s3 =	sadd.s32 $0x80, s3  }
.Ltmp1:
0x33: {  	[tilespmem:s9+$0x3410] =	vst v0;
	(pc) =	sbr.rel @p0 .LBB2_4-.Ltmp1, $2  }
0x34: {  	_ =	sdelay $0x2  }
0x35: {  	s9 =	sshra.s32 s20, $0x2  }
0x36: {  	[tilespmem:s9+$0x3400] =	vst v0  }
0x37: {  	[tilespmem:s9+$0x3410] =	vst v0  }
0x38: {  	s29 =	simm.s32 $0x0;
	[bflag:$0x0] =	sbarrier.arrive $0xFFFF  }
.LBB2_6:
0x39: {  	s3 =	sshll.u32 s29, $0x7;
	s9 =	rddreg [dreg:$0x5]  }
0x3a: {  	s3 =	sadd.s32 s9, s3  }
0x3b: {  	s20 =	smov.u32 s3;
	s3 =	sshrl.u32 s3, $0x3  }
0x3c: {  	s22 =	simm.s32 $0x0;
	s9 =	sadd.s32 s5, s3  }
0x3d: {  	[tilespmem:s22], [sflag:$0x1] =	stream.linear.gather [hbm4b:s9+s22], $0x80, $0x38;
	[tilespmem:$0x1D400] =	vst v63  }
0x3e: {  	s3 =	sadd.s32 s6, s3;
	s9 =	simm.s32 $0x100  }
0x3f: {  	[tilespmem:s9], [sflag:$0x3] =	stream.linear.gather [hbm4b:s3+s22], $0x80, $0x38;
	[tilespmem:$0x1D400] =	vst v63  }
0x40: {  	_ =	swait.ge [sflag:s31], $0x80  }
0x41: {  	[sflag:s31] =	ssyncset.done $0x0  }
0x42: {  	[sflag:s31] =	ssyncadd.s32 $0xFFFFFF80  }
0x43: {  	_ =	swait.ge [sflag:s0], $0x80  }
0x44: {  	[sflag:s0] =	ssyncset.done $0x0  }
0x45: {  	[sflag:s0] =	ssyncadd.s32 $0xFFFFFF80  }
0x46: {  	v2 =	vld [tilespmem:$0x0]  }
0x47: {  	v3 =	vld [tilespmem:$0x100]  }
0x48: {  	v4 =	vld [tilespmem:$0x10]  }
0x49: {  	v5 =	vld [tilespmem:$0x110]  }
0x4a: {  	v7 =	vld [tilespmem:$0x120]  }
0x4b: {  	v50 =	vld [tilespmem:$0x130];
	v2 =	vadd.s32 $0x2800, v2  }
0x4c: {  	[tilespmem:$0x200] =	vst v2;
	v2 =	vld [tilespmem:$0x30]  }
0x4d: {  	v52 =	vld [tilespmem:$0x140];
	[tilespmem:$0x300] =	vst v3;
	v3 =	vadd.s32 $0x2800, v4  }
0x4e: {  	[tilespmem:$0x210] =	vst v3;
	v3 =	vld [tilespmem:$0x40]  }
0x4f: {  	v54 =	vld [tilespmem:$0x150];
	[tilespmem:$0x310] =	vst v5  }
0x50: {  	v55 =	vld [tilespmem:$0x160];
	[tilespmem:$0x320] =	vst v7  }
0x51: {  	v56 =	vld [tilespmem:$0x170];
	[tilespmem:$0x330] =	vst v50;
	v2 =	vadd.s32 $0x2800, v2  }
0x52: {  	[tilespmem:$0x230] =	vst v2;
	v2 =	vld [tilespmem:$0x60]  }
0x53: {  	v6 =	vld [tilespmem:$0x20];
	[tilespmem:$0x340] =	vst v52;
	v3 =	vadd.s32 $0x2800, v3  }
0x54: {  	[tilespmem:$0x240] =	vst v3;
	v3 =	vld [tilespmem:$0x70]  }
0x55: {  	v53 =	vld [tilespmem:$0x50];
	[tilespmem:$0x350] =	vst v54  }
0x56: {  	v58 =	vld [tilespmem:$0x110];
	[tilespmem:$0x360] =	vst v55  }
0x57: {  	v57 =	vld [tilespmem:$0x100];
	[tilespmem:$0x370] =	vst v56;
	v2 =	vadd.s32 $0x2800, v2  }
0x58: {  	v51 =	vadd.s32 $0x2800, v6;
	[tilespmem:$0x260] =	vst v2;
	v2 =	vld [tilespmem:$0x120]  }
0x59: {  	v59 =	vld [tilespmem:$0x130];
	[tilespmem:$0x220] =	vst v51;
	v3 =	vadd.s32 $0x2800, v3  }
0x5a: {  	v5 =	vadd.s32 $0x2800, v53;
	[tilespmem:$0x270] =	vst v3;
	v3 =	vld [tilespmem:$0x140]  }
0x5b: {  	v60 =	vld [tilespmem:$0x150];
	v61 =	vadd.s32 $0x2800, v58;
	[tilespmem:$0x250] =	vst v5  }
0x5c: {  	v62 =	vld [tilespmem:$0x160];
	v5 =	vadd.s32 $0x2800, v57;
	[tilespmem:$0x290] =	vst v61  }
0x5d: {  	v63 =	vld [tilespmem:$0x170];
	[tilespmem:$0x280] =	vst v5;
	v2 =	vadd.s32 $0x2800, v2  }
0x5e: {  	[tilespmem:$0x2A0] =	vst v2;
	v2 =	vadd.s32 $0x2800, v59  }
0x5f: {  	[tilespmem:$0x2B0] =	vst v2;
	v2 =	vadd.s32 $0x2800, v3  }
0x60: {  	[tilespmem:$0x2C0] =	vst v2;
	v2 =	vadd.s32 $0x2800, v60  }
0x61: {  	[tilespmem:$0x2D0] =	vst v2;
	v2 =	vadd.s32 $0x2800, v62  }
0x62: {  	[tilespmem:$0x2E0] =	vst v2;
	v2 =	vadd.s32 $0x2800, v63  }
0x63: {  	[tilespmem:$0x2F0] =	vst v2  }
0x64: {  	[tilespmem:s21], [sflag:$0x7] =	stream.indirect.gather [spmem:s1], $0x20, s13, s4, $0xb8;
	[tilespmem:$0x1D400] =	vst v63  }
0x65: {  	s9 =	simm.s32 $0x280;
	s22 =	simm.s32 $0x2400  }
0x66: {  	[tilespmem:s22], [sflag:$0x8] =	stream.indirect.gather [spmem:s1], $0x20, s9, s4, $0xb8;
	[tilespmem:$0x1D400] =	vst v63  }
0x67: {  	_ =	swait.ge [sflag:s14], $0x1000  }
0x68: {  	[sflag:s14] =	ssyncset.done $0x0  }
0x69: {  	[sflag:s14] =	ssyncadd.s32 $0xFFFFF000  }
0x6a: {  	_ =	swait.ge [sflag:s8], $0x1000  }
0x6b: {  	[sflag:s8] =	ssyncset.done $0x0  }
0x6c: {  	s9 =	simm.s32 $0x0;
	[sflag:s8] =	ssyncadd.s32 $0xFFFFF000  }
0x6d: {  	v2 =	vld [tilespmem:s9+$0x2400];
	_ =	sdelay $0x1  }
0x6e: {  	v3 =	vld [tilespmem:s9+$0x1400];
	_ =	sdelay $0x2  }
0x6f: {  	v2 =	vperm.xlane v2, v1;
	_ =	sdelay $0x1  }
0x70: {  	v2 =	vadd.f32 v2, v3;
	_ =	sdelay $0x1  }
0x71: {  	v3 =	vmul.f32 $2.000000030e-01, v2;
	_ =	sdelay $0x1  }
0x72: {  	v2 =	vmax.f32 v2, v3  }
0x73: {  	v2 =	vmul.f32 $1.442695020e+00, v2;
	_ =	sdelay $0x1  }
0x74: {  	(erf) = vpow2.f32 v2;
	_ =	sdelay $0x8  }
0x75: {  	v2 =	vpop (erf)  }
0x76: {  	v2 =	vnsel vm0, $0x0, v2  }
0x77: {  	s22 =	simm.s32 $0x400;
	[tilespmem:s9+$0x3400] =	vst v2  }
0x78: {  	s3 =	simm.s32 $0x20;
	[tilespmem:s22+$0x0] =	vst v2  }
0x79: {  	s9 =	simm.s32 $0x100;
	v2 =	vld [tilespmem:s3+$0x2400]  }
.LBB2_7:
0x7a: {  	p0 =	sne.s32 s9, $0x3F80  }
0x7b: {  	v3 =	vld [tilespmem:s3+$0x1400];
	_ =	sdelay $0x2  }
0x7c: {  	v2 =	vperm.xlane v2, v1;
	_ =	sdelay $0x1  }
0x7d: {  	v2 =	vadd.f32 v2, v3;
	_ =	sdelay $0x1  }
0x7e: {  	v3 =	vmul.f32 $2.000000030e-01, v2;
	_ =	sdelay $0x1  }
0x7f: {  	v2 =	vmax.f32 v2, v3  }
0x80: {  	v2 =	vmul.f32 $1.442695020e+00, v2;
	_ =	sdelay $0x1  }
0x81: {  	(erf) = vpow2.f32 v2;
	_ =	sdelay $0x8  }
.Ltmp2:
0x82: {  	v2 =	vpop (erf);
	(pc) =	sbr.rel @p0 .LBB2_7-.Ltmp2, $4  }
0x83: {  	v2 =	vnsel vm0, $0x0, v2  }
0x84: {  	s22 =	sadd.s32 $0x10, s22;
	[tilespmem:s3+$0x3400] =	vst v2  }
0x85: {  	s3 =	sshra.s32 s9, $0x2;
	[tilespmem:s22+$0x0] =	vst v2  }
0x86: {  	s9 =	sadd.s32 $0x80, s9;
	v2 =	vld [tilespmem:s3+$0x2400]  }
0x87: {  	_ = 	snop  }
0x88: {  	v3 =	vld [tilespmem:s3+$0x1400];
	_ =	sdelay $0x2  }
0x89: {  	v2 =	vperm.xlane v2, v1;
	_ =	sdelay $0x1  }
0x8a: {  	v2 =	vadd.f32 v2, v3;
	_ =	sdelay $0x1  }
0x8b: {  	v3 =	vmul.f32 $2.000000030e-01, v2;
	_ =	sdelay $0x1  }
0x8c: {  	v2 =	vmax.f32 v2, v3  }
0x8d: {  	v2 =	vmul.f32 $1.442695020e+00, v2;
	_ =	sdelay $0x1  }
0x8e: {  	(erf) = vpow2.f32 v2;
	_ =	sdelay $0x8  }
0x8f: {  	v2 =	vpop (erf)  }
0x90: {  	v2 =	vnsel vm0, $0x0, v2  }
0x91: {  	s9 =	sadd.s32 $0x10, s22;
	[tilespmem:s3+$0x3400] =	vst v2  }
0x92: {  	s22 =	simm.s32 $0x300;
	s20 =	sadd.s32 s12, s20;
	[tilespmem:s9+$0x0] =	vst v2;
	s9 =	simm.s32 $0x3400  }
0x93: {  	[spmem:s1] =	stream.indirect.scatter.add.f32 [tilespmem:s9], [sflag:$0x9], $0x20, s22, s4, $0xb8;
	[tilespmem:$0x1D400] =	vst v63  }
0x94: {  	s29 =	sadd.s32 $0x1, s29;
	s3 =	sshll.u32 s20, $0x1;
	_ =	swait.ge [sflag:s28], $0x1000  }
0x95: {  	p0 =	sne.s32 s29, $0x9E;
	s3 =	sadd.s32 s3, s2;
	[sflag:s28] =	ssyncset.done $0x0  }
.Ltmp3:
0x96: {  	s22 =	simm.s32 $0x0;
	[sflag:s28] =	ssyncadd.s32 $0xFFFFF000;
	(pc) =	sbr.rel @p0 .LBB2_6-.Ltmp3, $4  }
0x97: {  	[hbm4b:s3+s22] =	stream.linear.scatter [tilespmem:s11], [sflag:$0x9], $0x800, $0x38;
	[tilespmem:$0x1D400] =	vst v63  }
0x98: {  	_ =	swait.ge [sflag:s28], $0x800  }
0x99: {  	[sflag:s28] =	ssyncset.done $0x0  }
0x9a: {  	[sflag:s28] =	ssyncadd.s32 $0xFFFFF800  }
0x9b: {  	[bflag:$0x0] =	sbarrier.arrive $0xFFFF;
	s22 =	simm.s32 $0x0  }
.LBB2_10:
0x9c: {  	s3 =	sshll.u32 s22, $0x7;
	s9 =	rddreg [dreg:$0x5]  }
0x9d: {  	s3 =	sadd.s32 s9, s3  }
0x9e: {  	s9 =	sshrl.u32 s3, $0x3  }
0x9f: {  	s29 =	simm.s32 $0x0;
	s3 =	sadd.s32 s12, s3;
	s20 =	sadd.s32 s5, s9  }
0xa0: {  	[tilespmem:s29], [sflag:$0x1] =	stream.linear.gather [hbm4b:s20+s29], $0x80, $0x38;
	[tilespmem:$0x1D400] =	vst v63  }
0xa1: {  	s21 =	simm.s32 $0x100;
	s9 =	sadd.s32 s6, s9;
	s3 =	sshll.u32 s3, $0x1  }
0xa2: {  	[tilespmem:s21], [sflag:$0x3] =	stream.linear.gather [hbm4b:s9+s29], $0x80, $0x38;
	[tilespmem:$0x1D400] =	vst v63  }
0xa3: {  	s3 =	sadd.s32 s3, s2  }
0xa4: {  	[tilespmem:s11], [sflag:$0x5] =	stream.linear.gather [hbm4b:s3+s29], $0x800, $0x38;
	[tilespmem:$0x1D400] =	vst v63  }
0xa5: {  	_ =	swait.ge [sflag:s31], $0x80  }
0xa6: {  	[sflag:s31] =	ssyncset.done $0x0  }
0xa7: {  	[sflag:s31] =	ssyncadd.s32 $0xFFFFFF80  }
0xa8: {  	_ =	swait.ge [sflag:s0], $0x80  }
0xa9: {  	[sflag:s0] =	ssyncset.done $0x0  }
0xaa: {  	[sflag:s0] =	ssyncadd.s32 $0xFFFFFF80  }
0xab: {  	v2 =	vld [tilespmem:$0x0]  }
0xac: {  	v3 =	vld [tilespmem:$0x100]  }
0xad: {  	v4 =	vld [tilespmem:$0x10]  }
0xae: {  	v5 =	vld [tilespmem:$0x110]  }
0xaf: {  	v6 =	vld [tilespmem:$0x20]  }
0xb0: {  	[tilespmem:$0x200] =	vst v2;
	v2 =	vld [tilespmem:$0x120]  }
0xb1: {  	v58 =	vld [tilespmem:$0x130];
	[tilespmem:$0x300] =	vst v3  }
0xb2: {  	v59 =	vld [tilespmem:$0x40];
	[tilespmem:$0x210] =	vst v4  }
0xb3: {  	v60 =	vld [tilespmem:$0x140];
	[tilespmem:$0x310] =	vst v5  }
0xb4: {  	v3 =	vld [tilespmem:$0x30];
	[tilespmem:$0x220] =	vst v6  }
0xb5: {  	[tilespmem:$0x320] =	vst v2;
	v2 =	vld [tilespmem:$0x50]  }
0xb6: {  	v61 =	vld [tilespmem:$0x60];
	[tilespmem:$0x330] =	vst v58  }
0xb7: {  	v62 =	vld [tilespmem:$0x160];
	[tilespmem:$0x240] =	vst v59  }
0xb8: {  	v63 =	vld [tilespmem:$0x70];
	[tilespmem:$0x340] =	vst v60  }
0xb9: {  	[tilespmem:$0x230] =	vst v3;
	v3 =	vld [tilespmem:$0x150]  }
0xba: {  	[tilespmem:$0x250] =	vst v2;
	v2 =	vld [tilespmem:$0x170]  }
0xbb: {  	[tilespmem:$0x260] =	vst v61  }
0xbc: {  	[tilespmem:$0x360] =	vst v62  }
0xbd: {  	[tilespmem:$0x270] =	vst v63  }
0xbe: {  	[tilespmem:$0x350] =	vst v3  }
0xbf: {  	s20 =	simm.s32 $0x300;
	s9 =	simm.s32 $0x4400;
	[tilespmem:$0x370] =	vst v2  }
0xc0: {  	[tilespmem:s9], [sflag:$0x7] =	stream.indirect.gather [spmem:s1], $0x20, s20, s4, $0xb8;
	[tilespmem:$0x1D400] =	vst v63  }
0xc1: {  	_ =	swait.ge [sflag:s17], $0x800  }
0xc2: {  	[sflag:s17] =	ssyncset.done $0x0  }
0xc3: {  	[sflag:s17] =	ssyncadd.s32 $0xFFFFF800  }
0xc4: {  	_ =	swait.ge [sflag:s14], $0x1000  }
0xc5: {  	[sflag:s14] =	ssyncset.done $0x0  }
0xc6: {  	[sflag:s14] =	ssyncadd.s32 $0xFFFFF000  }
0xc7: {  	s21 =	smov.u32 s3;
	s29 =	simm.s32 $0x40;
	s3 =	simm.s32 $0x0;
	v2 =	vld [tilespmem:s9+$0x0]  }
.LBB2_11:
0xc8: {  	p0 =	sne.s32 s29, $0x1FC0;
	_ =	sdelay $0x3  }
0xc9: {  	v2 =	vadd.f32 $1.000000020e-16, v2;
	_ =	sdelay $0x1  }
0xca: {  	(erf) = vrcp.f32 v2;
	_ =	sdelay $0x3  }
0xcb: {  	s20 =	sshra.s32 s3, $0x2;
	s3 =	smov.u32 s29  }
0xcc: {  	v2 =	vld [tilespmem:s20+$0x400];
	_ =	sdelay $0x3  }
.Ltmp4:
0xcd: {  	v3 =	vpop (erf);
	(pc) =	sbr.rel @p0 .LBB2_11-.Ltmp4, $3  }
0xce: {  	v2 =	vmul.f32 v3, v2;
	_ =	sdelay $0x1  }
0xcf: {  	s9 =	sadd.s32 $0x20, s9;
	[tilespmem:s20+$0x400] =	vst v2  }
0xd0: {  	s29 =	sadd.s32 $0x40, s29;
	v2 =	vld [tilespmem:s9+$0x0]  }
0xd1: {  	_ =	sdelay $0x3  }
0xd2: {  	v2 =	vadd.f32 $1.000000020e-16, v2;
	_ =	sdelay $0x1  }
0xd3: {  	(erf) = vrcp.f32 v2;
	_ =	sdelay $0x3  }
0xd4: {  	s3 =	sshra.s32 s3, $0x2  }
0xd5: {  	v2 =	vld [tilespmem:s3+$0x400];
	_ =	sdelay $0x3  }
0xd6: {  	v3 =	vpop (erf)  }
0xd7: {  	s22 =	sadd.s32 $0x1, s22;
	v2 =	vmul.f32 v3, v2  }
0xd8: {  	p0 =	sne.s32 s22, $0x9E  }
.Ltmp5:
0xd9: {  	s29 =	simm.s32 $0x0;
	[tilespmem:s3+$0x400] =	vst v2;
	(pc) =	sbr.rel @p0 .LBB2_10-.Ltmp5, $4  }
0xda: {  	[hbm4b:s21+s29] =	stream.linear.scatter [tilespmem:s11], [sflag:$0x9], $0x800, $0x38;
	[tilespmem:$0x1D400] =	vst v63  }
0xdb: {  	_ =	swait.ge [sflag:s28], $0x800  }
0xdc: {  	[sflag:s28] =	ssyncset.done $0x0  }
0xdd: {  	[sflag:s28] =	ssyncadd.s32 $0xFFFFF800  }
0xde: {  	[bflag:$0x0] =	sbarrier.arrive $0xFFFF  }
0xdf: {  	s3 =	simm.s32 $0x0;
	p1 =	por $0x1, $0x1;
	s21 =	rddreg [dreg:$0xc]  }
.LBB2_14:
0xe0: {  	s9 =	rddreg [dreg:$0xe]  }
0xe1: {  	s9 =	sor.u32 s9, s3  }
0xe2: {  	s9 =	smul.u32 $0x2800, s9  }
0xe3: {  	s20 =	rddreg [dreg:$0x8]  }
0xe4: {  	s29 =	rddreg [dreg:$0x6];
	s9 =	sadd.s32 s20, s9  }
0xe5: {  	s22 =	rddreg [dreg:$0xd];
	s20 =	sshll.u32 s9, $0x2  }
0xe6: {  	[dreg:$0x18] =	wrdreg s20;
	s20 =	sadd.s32 s29, s20  }
0xe7: {  	s9 =	sshrl.u32 s22, $0x3;
	[dreg:$0x19] =	wrdreg s20  }
0xe8: {  	[spmem:s9], [sflag:s21] =	dma.local [hbm:s20], $0xA00  }
0xe9: {  	s29 =	sshll.u32 s3, $0x1;
	s9 =	rddreg [dreg:$0x9]  }
0xea: {  	s3 =	sor.u32 s9, s29  }
0xeb: {  	_ =	swait.ge [sflag:s28], $0xA00;
	s9 =	sor.u32 $0x1, s3  }
0xec: {  	[sflag:s28] =	ssyncset.done $0x0;
	v2 =	vmov s3;
	v3 =	vmov s9  }
0xed: {  	[sflag:s28] =	ssyncadd.s32 $0xFFFFF600;
	v2 =	vand.u32 $0xF, v2;
	v3 =	vand.u32 $0xF, v3  }
0xee: {  	p0 =	por p1, p1;
	s21 =	simm.s32 $0x0;
	[bflag:$0x0] =	sbarrier.arrive $0xFFFF;
	v2 =	vbroadcast v2, $0x0;
	v3 =	vbroadcast v3, $0x0  }
.LBB2_15:
0xef: {  	s9 =	simm.s32 $0x80;
	s3 =	simm.s32 $0x0  }
.LBB2_16:
0xf0: {  	p1 =	sne.s32 s9, $0x13F80;
	[tilespmem:s3+$0x9400] =	vst v0;
	s20 =	smov.u32 s9;
	s9 =	sadd.s32 $0x80, s9  }
.Ltmp6:
0xf1: {  	[tilespmem:s3+$0x9410] =	vst v0;
	(pc) =	sbr.rel @p1 .LBB2_16-.Ltmp6, $2  }
0xf2: {  	_ =	sdelay $0x2  }
0xf3: {  	s3 =	sshra.s32 s20, $0x2  }
0xf4: {  	s9 =	sand.u32 $0x1, s21  }
0xf5: {  	s22 =	simm.s32 $0x2800;
	p1 =	seq.s32 s9, $0x1  }
0xf6: {  	[dreg:$0x1a] =	wrdreg s21;
	s22 =	simm.s32 @!p1 $0x0  }
0xf7: {  	s21 =	rddreg [dreg:$0x8];
	s29 =	sxor.u32 $0x2800, s22  }
0xf8: {  	s9 =	sadd.s32 s21, s29  }
0xf9: {  	s9 =	sshll.u32 s9, $0x5  }
0xfa: {  	[tilespmem:s3+$0x9400] =	vst v0;
	s9 =	sadd.s32 s9, s1  }
0xfb: {  	[tilespmem:s3+$0x9410] =	vst v0;
	[dreg:$0x1b] =	wrdreg s9  }
0xfc: {  	[spmem:s9] =	stream.linear.scatter [tilespmem:s30], [sflag:$0x9], $0x5000, $0x38;
	[tilespmem:$0x1D400] =	vst v63  }
0xfd: {  	_ =	swait.ge [sflag:s28], $0x5000  }
0xfe: {  	[sflag:s28] =	ssyncset.done $0x0  }
0xff: {  	[sflag:s28] =	ssyncadd.s32 $0xFFFFB000  }
0x100: {  	[bflag:$0x0] =	sbarrier.arrive $0xFFFF  }
0x101: {  	s3 =	simm.s32 $0x0;
	s20 =	rddreg [dreg:$0xf]  }
0x102: {  	[tilespmem:s3], [sflag:$0x1] =	stream.linear.gather [hbm4b:s20+s3], $0x80, $0x38;
	[tilespmem:$0x1D400] =	vst v63  }
0x103: {  	s21 =	rddreg [dreg:$0x10];
	s20 =	simm.s32 $0x100  }
0x104: {  	[tilespmem:s20], [sflag:$0x3] =	stream.linear.gather [hbm4b:s21+s3], $0x80, $0x38;
	[tilespmem:$0x1D400] =	vst v63  }
0x105: {  	s30 =	rddreg [dreg:$0x14]  }
0x106: {  	[tilespmem:s11], [sflag:$0x5] =	stream.linear.gather [hbm4b:s30+s3], $0x800, $0x38;
	[tilespmem:$0x1D400] =	vst v63  }
0x107: {  	_ =	swait.ge [sflag:s31], $0x80  }
0x108: {  	[sflag:s31] =	ssyncset.done $0x0  }
0x109: {  	[sflag:s31] =	ssyncadd.s32 $0xFFFFFF80  }
0x10a: {  	_ =	swait.ge [sflag:s0], $0x80  }
0x10b: {  	[sflag:s0] =	ssyncset.done $0x0  }
0x10c: {  	[sflag:s0] =	ssyncadd.s32 $0xFFFFFF80  }
0x10d: {  	v4 =	vld [tilespmem:$0x0]  }
0x10e: {  	v5 =	vld [tilespmem:$0x100]  }
0x10f: {  	v6 =	vld [tilespmem:$0x10]  }
0x110: {  	v7 =	vld [tilespmem:$0x110]  }
0x111: {  	v8 =	vld [tilespmem:$0x20]  }
0x112: {  	v9 =	vld [tilespmem:$0x120];
	v4 =	vadd.s32 s22, v4  }
0x113: {  	[tilespmem:$0x200] =	vst v4;
	v4 =	vadd.s32 s29, v5;
	v5 =	vld [tilespmem:$0x30]  }
0x114: {  	[tilespmem:$0x300] =	vst v4;
	v4 =	vadd.s32 s22, v6;
	v6 =	vld [tilespmem:$0x130]  }
0x115: {  	[tilespmem:$0x210] =	vst v4;
	v4 =	vadd.s32 s29, v7;
	v7 =	vld [tilespmem:$0x40]  }
0x116: {  	v60 =	vld [tilespmem:$0x140];
	[tilespmem:$0x310] =	vst v4;
	v4 =	vadd.s32 s22, v8  }
0x117: {  	v61 =	vld [tilespmem:$0x50];
	[tilespmem:$0x220] =	vst v4;
	v4 =	vadd.s32 s29, v9  }
0x118: {  	[tilespmem:$0x320] =	vst v4;
	v4 =	vadd.s32 s22, v5;
	v5 =	vld [tilespmem:$0x150]  }
0x119: {  	[tilespmem:$0x230] =	vst v4;
	v4 =	vadd.s32 s29, v6;
	v6 =	vld [tilespmem:$0x60]  }
0x11a: {  	[tilespmem:$0x330] =	vst v4;
	v4 =	vadd.s32 s22, v7;
	v7 =	vld [tilespmem:$0x160]  }
0x11b: {  	v62 =	vld [tilespmem:$0x70];
	[tilespmem:$0x240] =	vst v4;
	v4 =	vadd.s32 s29, v60  }
0x11c: {  	v63 =	vld [tilespmem:$0x170];
	[tilespmem:$0x340] =	vst v4;
	v4 =	vadd.s32 s22, v61  }
0x11d: {  	[tilespmem:$0x250] =	vst v4;
	v4 =	vadd.s32 s29, v5  }
0x11e: {  	[tilespmem:$0x350] =	vst v4;
	v4 =	vadd.s32 s22, v6  }
0x11f: {  	[tilespmem:$0x260] =	vst v4;
	v4 =	vadd.s32 s29, v7  }
0x120: {  	[tilespmem:$0x360] =	vst v4;
	v4 =	vadd.s32 s22, v62  }
0x121: {  	[tilespmem:$0x270] =	vst v4;
	v4 =	vadd.s32 s29, v63  }
0x122: {  	[tilespmem:$0x370] =	vst v4  }
0x123: {  	[tilespmem:s16], [sflag:$0x7] =	stream.indirect.gather [spmem:s1], $0x20, s13, s4, $0xb8;
	[tilespmem:$0x1D400] =	vst v63  }
0x124: {  	s20 =	rddreg [dreg:$0x11]  }
0x125: {  	[tilespmem:s4], [sflag:$0x2] =	stream.linear.gather [hbm4b:s20+s3], $0x80, $0x38;
	[tilespmem:$0x1D400] =	vst v63  }
0x126: {  	s21 =	rddreg [dreg:$0x12]  }
0x127: {  	[tilespmem:s7], [sflag:$0x4] =	stream.linear.gather [hbm4b:s21+s3], $0x80, $0x38;
	[tilespmem:$0x1D400] =	vst v63  }
0x128: {  	s30 =	rddreg [dreg:$0x15];
	v5 =	vmov s29;
	s29 =	simm.s32 $0x0  }
0x129: {  	v4 =	vmov s22;
	[tilespmem:s15], [sflag:$0x6] =	stream.linear.gather [hbm4b:s30+s3], $0x800, $0x38;
	[tilespmem:$0x1D400] =	vst v63  }
.LBB2_18:
0x12a: {  	_ =	swait.ge [sflag:s18], $0x80  }
0x12b: {  	[sflag:s18] =	ssyncset.done $0x0  }
0x12c: {  	[sflag:s18] =	ssyncadd.s32 $0xFFFFFF80  }
0x12d: {  	_ =	swait.ge [sflag:s19], $0x80  }
0x12e: {  	[sflag:s19] =	ssyncset.done $0x0  }
0x12f: {  	[sflag:s19] =	ssyncadd.s32 $0xFFFFFF80  }
0x130: {  	v6 =	vld [tilespmem:$0x80]  }
0x131: {  	v7 =	vld [tilespmem:$0x180]  }
0x132: {  	v8 =	vld [tilespmem:$0x90]  }
0x133: {  	v9 =	vld [tilespmem:$0x190]  }
0x134: {  	v10 =	vld [tilespmem:$0xA0]  }
0x135: {  	v11 =	vld [tilespmem:$0x1A0];
	v6 =	vadd.s32 v4, v6  }
0x136: {  	[tilespmem:$0x280] =	vst v6;
	v6 =	vadd.s32 v5, v7;
	v7 =	vld [tilespmem:$0xB0]  }
0x137: {  	[tilespmem:$0x380] =	vst v6;
	v6 =	vadd.s32 v4, v8;
	v8 =	vld [tilespmem:$0x1B0]  }
0x138: {  	v58 =	vld [tilespmem:$0xC0];
	[tilespmem:$0x290] =	vst v6;
	v6 =	vadd.s32 v5, v9  }
0x139: {  	v59 =	vld [tilespmem:$0x1C0];
	[tilespmem:$0x390] =	vst v6;
	v6 =	vadd.s32 v4, v10  }
0x13a: {  	v60 =	vld [tilespmem:$0xD0];
	[tilespmem:$0x2A0] =	vst v6;
	v6 =	vadd.s32 v5, v11  }
0x13b: {  	[tilespmem:$0x3A0] =	vst v6;
	v6 =	vadd.s32 v4, v7;
	v7 =	vld [tilespmem:$0x1D0]  }
0x13c: {  	[tilespmem:$0x2B0] =	vst v6;
	v6 =	vadd.s32 v5, v8;
	v8 =	vld [tilespmem:$0xE0]  }
0x13d: {  	v61 =	vld [tilespmem:$0x1E0];
	[tilespmem:$0x3B0] =	vst v6;
	v6 =	vadd.s32 v4, v58  }
0x13e: {  	v62 =	vld [tilespmem:$0xF0];
	[tilespmem:$0x2C0] =	vst v6;
	v6 =	vadd.s32 v5, v59  }
0x13f: {  	v63 =	vld [tilespmem:$0x1F0];
	[tilespmem:$0x3C0] =	vst v6;
	v6 =	vadd.s32 v4, v60  }
0x140: {  	[tilespmem:$0x2D0] =	vst v6;
	v6 =	vadd.s32 v5, v7  }
0x141: {  	[tilespmem:$0x3D0] =	vst v6;
	v6 =	vadd.s32 v4, v8  }
0x142: {  	[tilespmem:$0x2E0] =	vst v6;
	v6 =	vadd.s32 v5, v61  }
0x143: {  	[tilespmem:$0x3E0] =	vst v6;
	v6 =	vadd.s32 v4, v62  }
0x144: {  	[tilespmem:$0x2F0] =	vst v6;
	v6 =	vadd.s32 v5, v63  }
0x145: {  	s22 =	sshll.u32 s29, $0x8;
	s9 =	simm.s32 $0x280;
	s20 =	simm.s32 $0x6400;
	[tilespmem:$0x3F0] =	vst v6  }
0x146: {  	[tilespmem:s20], [sflag:$0x8] =	stream.indirect.gather [spmem:s1], $0x20, s9, s4, $0xb8;
	[tilespmem:$0x1D400] =	vst v63  }
0x147: {  	s9 =	sadd.s32 s22, s25  }
0x148: {  	s20 =	sshrl.u32 s9, $0x3  }
0x149: {  	s21 =	sadd.s32 s5, s20  }
0x14a: {  	[tilespmem:s3], [sflag:$0x1] =	stream.linear.gather [hbm4b:s21+s3], $0x80, $0x38;
	[tilespmem:$0x1D400] =	vst v63  }
0x14b: {  	s20 =	sadd.s32 s6, s20;
	s21 =	simm.s32 $0x100  }
0x14c: {  	[tilespmem:s21], [sflag:$0x3] =	stream.linear.gather [hbm4b:s20+s3], $0x80, $0x38;
	[tilespmem:$0x1D400] =	vst v63  }
0x14d: {  	_ =	swait.ge [sflag:s14], $0x1000  }
0x14e: {  	[sflag:s14] =	ssyncset.done $0x0  }
0x14f: {  	[sflag:s14] =	ssyncadd.s32 $0xFFFFF000  }
0x150: {  	_ =	swait.ge [sflag:s17], $0x800  }
0x151: {  	[sflag:s17] =	ssyncset.done $0x0  }
0x152: {  	s21 =	simm.s32 $0x400;
	[sflag:s17] =	ssyncadd.s32 $0xFFFFF800  }
0x153: {  	s30 =	simm.s32 $0x80;
	s20 =	simm.s32 $0x0;
	v6 =	vld [tilespmem:s21+$0x0]  }
.LBB2_19:
0x154: {  	p1 =	sne.s32 s30, $0x3F80;
	v7 =	vld [tilespmem:s20+$0x5400]  }
0x155: {  	v8 =	vld [tilespmem:s20+$0x5410];
	_ =	sdelay $0x2  }
0x156: {  	v9 =	vperm.xlane v6, v2;
	v6 =	vperm.xlane v6, v3;
	_ =	sdelay $0x1  }
.Ltmp7:
0x157: {  	v7 =	vmul.f32 v7, v9;
	v6 =	vmul.f32 v8, v6;
	(pc) =	sbr.rel @p1 .LBB2_19-.Ltmp7, $4  }
0x158: {  	_ = 	snop  }
0x159: {  	[tilespmem:s20+$0x7400] =	vst v7  }
0x15a: {  	s21 =	sadd.s32 $0x10, s21;
	[tilespmem:s20+$0x7410] =	vst v6  }
0x15b: {  	s20 =	sshra.s32 s30, $0x2;
	s30 =	sadd.s32 $0x80, s30;
	v6 =	vld [tilespmem:s21+$0x0]  }
0x15c: {  	_ = 	snop  }
0x15d: {  	v7 =	vld [tilespmem:s20+$0x5400]  }
0x15e: {  	v8 =	vld [tilespmem:s20+$0x5410];
	_ =	sdelay $0x1  }
0x15f: {  	v9 =	vperm.xlane v6, v2  }
0x160: {  	v6 =	vperm.xlane v6, v3  }
0x161: {  	v7 =	vmul.f32 v7, v9  }
0x162: {  	v6 =	vmul.f32 v8, v6  }
0x163: {  	[tilespmem:s20+$0x7400] =	vst v7  }
0x164: {  	s30 =	simm.s32 $0x300;
	s21 =	simm.s32 $0x7400;
	s9 =	sadd.s32 s12, s9;
	[tilespmem:s20+$0x7410] =	vst v6  }
0x165: {  	[spmem:s1] =	stream.indirect.scatter.add.f32 [tilespmem:s21], [sflag:$0x9], $0x20, s30, s4, $0xb8;
	[tilespmem:$0x1D400] =	vst v63  }
0x166: {  	s9 =	sshll.u32 s9, $0x1;
	_ =	swait.ge [sflag:s28], $0x1000  }
0x167: {  	s9 =	sand.u32 $0x1FFFFE00, s9;
	[sflag:s28] =	ssyncset.done $0x0  }
0x168: {  	s9 =	sadd.s32 s2, s9;
	s20 =	simm.s32 $0x0;
	[sflag:s28] =	ssyncadd.s32 $0xFFFFF000  }
0x169: {  	[tilespmem:s11], [sflag:$0x5] =	stream.linear.gather [hbm4b:s9+s20], $0x800, $0x38;
	[tilespmem:$0x1D400] =	vst v63  }
0x16a: {  	_ =	swait.ge [sflag:s31], $0x80  }
0x16b: {  	[sflag:s31] =	ssyncset.done $0x0  }
0x16c: {  	[sflag:s31] =	ssyncadd.s32 $0xFFFFFF80  }
0x16d: {  	_ =	swait.ge [sflag:s0], $0x80  }
0x16e: {  	[sflag:s0] =	ssyncset.done $0x0  }
0x16f: {  	[sflag:s0] =	ssyncadd.s32 $0xFFFFFF80  }
0x170: {  	v6 =	vld [tilespmem:$0x0]  }
0x171: {  	v7 =	vld [tilespmem:$0x100]  }
0x172: {  	v8 =	vld [tilespmem:$0x10]  }
0x173: {  	v57 =	vld [tilespmem:$0x110]  }
0x174: {  	v10 =	vld [tilespmem:$0x20]  }
0x175: {  	v11 =	vld [tilespmem:$0x120];
	v6 =	vadd.s32 v4, v6  }
0x176: {  	[tilespmem:$0x200] =	vst v6;
	v6 =	vadd.s32 v5, v7;
	v7 =	vld [tilespmem:$0x30]  }
0x177: {  	[tilespmem:$0x300] =	vst v6;
	v6 =	vadd.s32 v4, v8;
	v8 =	vld [tilespmem:$0x130]  }
0x178: {  	v58 =	vld [tilespmem:$0x40];
	[tilespmem:$0x210] =	vst v6;
	v6 =	vadd.s32 v5, v57  }
0x179: {  	v59 =	vld [tilespmem:$0x140];
	[tilespmem:$0x310] =	vst v6;
	v6 =	vadd.s32 v4, v10  }
0x17a: {  	v60 =	vld [tilespmem:$0x50];
	[tilespmem:$0x220] =	vst v6;
	v6 =	vadd.s32 v5, v11  }
0x17b: {  	[tilespmem:$0x320] =	vst v6;
	v6 =	vadd.s32 v4, v7;
	v7 =	vld [tilespmem:$0x150]  }
0x17c: {  	[tilespmem:$0x230] =	vst v6;
	v6 =	vadd.s32 v5, v8;
	v8 =	vld [tilespmem:$0x60]  }
0x17d: {  	v61 =	vld [tilespmem:$0x160];
	[tilespmem:$0x330] =	vst v6;
	v6 =	vadd.s32 v4, v58  }
0x17e: {  	v62 =	vld [tilespmem:$0x70];
	[tilespmem:$0x240] =	vst v6;
	v6 =	vadd.s32 v5, v59  }
0x17f: {  	v63 =	vld [tilespmem:$0x170];
	[tilespmem:$0x340] =	vst v6;
	v6 =	vadd.s32 v4, v60  }
0x180: {  	[tilespmem:$0x250] =	vst v6;
	v6 =	vadd.s32 v5, v7  }
0x181: {  	[tilespmem:$0x350] =	vst v6;
	v6 =	vadd.s32 v4, v8  }
0x182: {  	[tilespmem:$0x260] =	vst v6;
	v6 =	vadd.s32 v5, v61  }
0x183: {  	[tilespmem:$0x360] =	vst v6;
	v6 =	vadd.s32 v4, v62  }
0x184: {  	s9 =	sadd.s32 s22, s26;
	[tilespmem:$0x270] =	vst v6;
	v6 =	vadd.s32 v5, v63  }
0x185: {  	s21 =	sshrl.u32 s9, $0x3;
	[tilespmem:$0x370] =	vst v6  }
0x186: {  	[tilespmem:s16], [sflag:$0x7] =	stream.indirect.gather [spmem:s1], $0x20, s13, s4, $0xb8;
	[tilespmem:$0x1D400] =	vst v63  }
0x187: {  	s30 =	sadd.s32 s5, s21  }
0x188: {  	[tilespmem:s4], [sflag:$0x2] =	stream.linear.gather [hbm4b:s30+s20], $0x80, $0x38;
	[tilespmem:$0x1D400] =	vst v63  }
0x189: {  	s21 =	sadd.s32 s6, s21  }
0x18a: {  	[tilespmem:s7], [sflag:$0x4] =	stream.linear.gather [hbm4b:s21+s20], $0x80, $0x38;
	[tilespmem:$0x1D400] =	vst v63  }
0x18b: {  	_ =	swait.ge [sflag:s8], $0x1000  }
0x18c: {  	[sflag:s8] =	ssyncset.done $0x0  }
0x18d: {  	[sflag:s8] =	ssyncadd.s32 $0xFFFFF000  }
0x18e: {  	_ =	swait.ge [sflag:s23], $0x800  }
0x18f: {  	[sflag:s23] =	ssyncset.done $0x0  }
0x190: {  	s21 =	simm.s32 $0xC00;
	[sflag:s23] =	ssyncadd.s32 $0xFFFFF800  }
0x191: {  	s22 =	simm.s32 $0x80;
	s20 =	simm.s32 $0x0;
	v6 =	vld [tilespmem:s21+$0x0]  }
.LBB2_21:
0x192: {  	p1 =	sne.s32 s22, $0x3F80;
	v7 =	vld [tilespmem:s20+$0x6400]  }
0x193: {  	v8 =	vld [tilespmem:s20+$0x6410];
	_ =	sdelay $0x2  }
0x194: {  	v9 =	vperm.xlane v6, v2;
	v6 =	vperm.xlane v6, v3;
	_ =	sdelay $0x1  }
.Ltmp8:
0x195: {  	v7 =	vmul.f32 v7, v9;
	v6 =	vmul.f32 v8, v6;
	(pc) =	sbr.rel @p1 .LBB2_21-.Ltmp8, $4  }
0x196: {  	_ = 	snop  }
0x197: {  	[tilespmem:s20+$0x8400] =	vst v7  }
0x198: {  	s21 =	sadd.s32 $0x10, s21;
	[tilespmem:s20+$0x8410] =	vst v6  }
0x199: {  	s20 =	sshra.s32 s22, $0x2;
	s22 =	sadd.s32 $0x80, s22;
	v6 =	vld [tilespmem:s21+$0x0]  }
0x19a: {  	_ = 	snop  }
0x19b: {  	v7 =	vld [tilespmem:s20+$0x6400]  }
0x19c: {  	v8 =	vld [tilespmem:s20+$0x6410];
	_ =	sdelay $0x1  }
0x19d: {  	v9 =	vperm.xlane v6, v2  }
0x19e: {  	v6 =	vperm.xlane v6, v3  }
0x19f: {  	v7 =	vmul.f32 v7, v9  }
0x1a0: {  	v6 =	vmul.f32 v8, v6  }
0x1a1: {  	s29 =	sadd.s32 $0x1, s29;
	[tilespmem:s20+$0x8400] =	vst v7  }
0x1a2: {  	p1 =	sne.s32 s29, $0x4F;
	[tilespmem:s20+$0x8410] =	vst v6  }
0x1a3: {  	[spmem:s1] =	stream.indirect.scatter.add.f32 [tilespmem:s10], [sflag:$0x9], $0x20, s24, s4, $0xb8;
	[tilespmem:$0x1D400] =	vst v63  }
.Ltmp9:
0x1a4: {  	s9 =	sadd.s32 s12, s9;
	(pc) =	sbr.rel @p1 .LBB2_18-.Ltmp9, $4  }
0x1a5: {  	s9 =	sshll.u32 s9, $0x1;
	_ =	swait.ge [sflag:s28], $0x1000  }
0x1a6: {  	s9 =	sand.u32 $0x1FFFFF00, s9;
	[sflag:s28] =	ssyncset.done $0x0  }
0x1a7: {  	s30 =	simm.s32 $0x0;
	s9 =	sadd.s32 s2, s9;
	[sflag:s28] =	ssyncadd.s32 $0xFFFFF000  }
0x1a8: {  	[tilespmem:s15], [sflag:$0x6] =	stream.linear.gather [hbm4b:s9+s30], $0x800, $0x38;
	[tilespmem:$0x1D400] =	vst v63  }
0x1a9: {  	_ =	swait.ge [sflag:s14], $0x1000  }
0x1aa: {  	[sflag:s14] =	ssyncset.done $0x0  }
0x1ab: {  	[sflag:s14] =	ssyncadd.s32 $0xFFFFF000  }
0x1ac: {  	_ =	swait.ge [sflag:s17], $0x800  }
0x1ad: {  	[sflag:s17] =	ssyncset.done $0x0  }
0x1ae: {  	[sflag:s17] =	ssyncadd.s32 $0xFFFFF800  }
0x1af: {  	_ =	swait.ge [sflag:s18], $0x80  }
0x1b0: {  	[sflag:s18] =	ssyncset.done $0x0  }
0x1b1: {  	[sflag:s18] =	ssyncadd.s32 $0xFFFFFF80  }
0x1b2: {  	_ =	swait.ge [sflag:s19], $0x80  }
0x1b3: {  	[sflag:s19] =	ssyncset.done $0x0  }
0x1b4: {  	[sflag:s19] =	ssyncadd.s32 $0xFFFFFF80  }
0x1b5: {  	_ =	swait.ge [sflag:s23], $0x800  }
0x1b6: {  	[sflag:s23] =	ssyncset.done $0x0  }
0x1b7: {  	[sflag:s23] =	ssyncadd.s32 $0xFFFFF800  }
0x1b8: {  	[bflag:$0x0] =	sbarrier.arrive $0xFFFF  }
0x1b9: {  	s30 =	simm.s32 $0x9400;
	s21 =	rddreg [dreg:$0x1b]  }
0x1ba: {  	[tilespmem:s30], [sflag:$0x9] =	stream.linear.gather [spmem:s21], $0x5000, $0x38;
	[tilespmem:$0x1D400] =	vst v63  }
0x1bb: {  	_ =	swait.ge [sflag:s28], $0x5000  }
0x1bc: {  	s3 =	simm.s32 $0x0;
	[sflag:s28] =	ssyncset.done $0x0  }
0x1bd: {  	s9 =	simm.s32 $0xE400;
	s20 =	rddreg [dreg:$0x19];
	[sflag:s28] =	ssyncadd.s32 $0xFFFFB000  }
0x1be: {  	[tilespmem:s9], [sflag:$0x9] =	stream.linear.gather [hbm4b:s20+s3], $0x5000, $0x38;
	[tilespmem:$0x1D400] =	vst v63  }
0x1bf: {  	_ =	swait.ge [sflag:s28], $0x5000  }
0x1c0: {  	[sflag:s28] =	ssyncset.done $0x0  }
0x1c1: {  	s3 =	simm.s32 $0x0;
	[sflag:s28] =	ssyncadd.s32 $0xFFFFB000  }
0x1c2: {  	v5 =	vld [tilespmem:s3+$0xE400]  }
0x1c3: {  	v4 =	vld [tilespmem:s3+$0xE410]  }
0x1c4: {  	s9 =	simm.s32 $0x80;
	v6 =	vld [tilespmem:s3+$0x9400]  }
.LBB2_24:
0x1c5: {  	p1 =	sne.s32 s9, $0x13F80;
	v7 =	vld [tilespmem:s3+$0x9410];
	_ =	sdelay $0x3  }
0x1c6: {  	v5 =	vmul.f32 $1.500000060e-01, v5;
	v6 =	vmul.f32 $8.500000230e-01, v6  }
.Ltmp10:
0x1c7: {  	v4 =	vmul.f32 $1.500000060e-01, v4;
	v7 =	vmul.f32 $8.500000230e-01, v7;
	(pc) =	sbr.rel @p1 .LBB2_24-.Ltmp10, $4  }
0x1c8: {  	s20 =	sshra.s32 s9, $0x2;
	v6 =	vadd.f32 v5, v6  }
0x1c9: {  	v5 =	vld [tilespmem:s20+$0xE400];
	v7 =	vadd.f32 v4, v7  }
0x1ca: {  	v4 =	vld [tilespmem:s20+$0xE410];
	[tilespmem:s3+$0x9400] =	vst v6  }
0x1cb: {  	s9 =	sadd.s32 $0x80, s9;
	v6 =	vld [tilespmem:s20+$0x9400];
	[tilespmem:s3+$0x9410] =	vst v7;
	s3 =	smov.u32 s20  }
0x1cc: {  	v7 =	vld [tilespmem:s3+$0x9410];
	_ =	sdelay $0x3  }
0x1cd: {  	v5 =	vmul.f32 $1.500000060e-01, v5;
	v6 =	vmul.f32 $8.500000230e-01, v6  }
0x1ce: {  	v4 =	vmul.f32 $1.500000060e-01, v4;
	v7 =	vmul.f32 $8.500000230e-01, v7  }
0x1cf: {  	v5 =	vadd.f32 v5, v6  }
0x1d0: {  	v4 =	vadd.f32 v4, v7  }
0x1d1: {  	[tilespmem:s3+$0x9400] =	vst v5  }
0x1d2: {  	[tilespmem:s3+$0x9410] =	vst v4  }
0x1d3: {  	[spmem:s21] =	stream.linear.scatter [tilespmem:s30], [sflag:$0x9], $0x5000, $0x38;
	[tilespmem:$0x1D400] =	vst v63  }
0x1d4: {  	_ =	swait.ge [sflag:s28], $0x5000  }
0x1d5: {  	s29 =	rddreg [dreg:$0x1a]  }
0x1d6: {  	s21 =	sadd.s32 $0x1, s29  }
0x1d7: {  	p1 =	sne.s32 s21, $0x5  }
.Ltmp11:
0x1d8: {  	_ = 	snop;
	(pc) =	sbr.rel @p1 .LBB2_15-.Ltmp11, $3  }
0x1d9: {  	[sflag:s28] =	ssyncset.done $0x0  }
0x1da: {  	[sflag:s28] =	ssyncadd.s32 $0xFFFFB000  }
0x1db: {  	[bflag:$0x0] =	sbarrier.arrive $0xFFFF;
	_ =	sdelay $0x1  }
0x1dc: {  	s3 =	rddreg [dreg:$0x7]  }
0x1dd: {  	s9 =	rddreg [dreg:$0x18]  }
0x1de: {  	s21 =	rddreg [dreg:$0xc]  }
0x1df: {  	s29 =	rddreg [dreg:$0x17];
	s3 =	sadd.s32 s3, s9  }
0x1e0: {  	[hbm:s3], [sflag:s21] =	dma.local [spmem:s29], $0xA00  }
.Ltmp12:
0x1e1: {  	_ =	swait.ge [sflag:s28], $0xA00;
	(pc) =	sbr.rel @p0 .LBB2_14-.Ltmp12, $4  }
0x1e2: {  	[sflag:s28] =	ssyncset.done $0x0  }
0x1e3: {  	[sflag:s28] =	ssyncadd.s32 $0xFFFFF600  }
0x1e4: {  	[bflag:$0x0] =	sbarrier.arrive $0xFFFF  }
0x1e5: {  	p1 =	por $0x0, $0x0;
	s3 =	simm.s32 $0x1  }
0x1e6: {  	s9 =	rddreg [dreg:$0x16]  }
0x1e7: {  	s3 =	rddreg [dreg:$0x13];
	s9 =	sadd.s32 $0x1, s9  }
0x1e8: {  	p0 =	sne.s32 s9, s3  }
.Ltmp13:
0x1e9: {  	_ = 	snop;
	(pc) =	sbr.rel @p0 .LBB2_1-.Ltmp13, $2  }
0x1ea: {  	_ =	sdelay $0x2  }
0x1eb: {  	s20 =	smov.u32 s21;
	s21 =	simm.s32 $0x1400  }
0x1ec: {  	_ =	sfence.sel $0x180000  }
0x1ed: {  	[bflag:$0x0] =	sbarrier.arrive $0xFFFF  }
0x1ee: {  	_ =	strace $0x90000047  }
0x1ef: {  	s0 =	stileid.u32;
	[bflag:$0x2] =	sbarrier.arrive $0xFFFF  }
0x1f0: {  	p0 =	sne.s32 s0, $0x0;
	s0 =	rddreg [dreg:$0x4]  }
0x1f1: {  	s0 =	sadd.s32 @!p0 $0x100000, s0  }
0x1f2: {  	[sflag:s0] =	ssyncadd.tile.s32 @!p0 $0x1;
	_ =	shalt  }
.Lfunc_end2:
_tile_overlayer_lowered:
.L_overlay_start_2:
0x1f3: {  	(tag) =	ssettag $0x2  }
0x1f4: {  	s0 =	rddreg [dreg:$0x0];
	s2 =	stileid.u32  }
0x1f5: {  	s1 =	rddreg [dreg:$0x1];
	p0 =	sne.s32 s2, $0x0  }
0x1f6: {  	s3 =	rddreg [dreg:$0x2];
	[bflag:$0x3] =	sbarrier.arrive $0xFFFF;
	s2 =	simm.s32 @!p0 $0x1C09  }
0x1f7: {  	[timem:s3], [sflag:s2] =	dma.local @!p0 [hbm:s0], s1  }
0x1f8: {  	s0 =	simm.s32 @!p0 $0x9  }
0x1f9: {  	_ =	swait.ge @!p0 [sflag:s0], s1  }
0x1fa: {  	s1 =	ssub.s32 @!p0 $0x0, s1;
	[sflag:s0] =	ssyncset.done @!p0 $0x0  }
0x1fb: {  	[sflag:s0] =	ssyncadd.s32 @!p0 s1  }
0x1fc: {  	[bflag:$0x3] =	sbarrier.arrive $0xFFFF  }
0x1fd: {  	_ =	shalt  }

</sc_bundles>
